<compile_context>
chip_gen: v7x
topology: tpu7x:2x2x1
jax: 0.10.2.dev20260603
libtpu: 0.0.44.dev20260713+nightly
codegen_flags: <defaults>
</compile_context>

<pallas_src>
import functools

import jax
import jax.numpy as jnp
from jax import lax
from jax.experimental import pallas as pl
from jax.experimental.pallas import tpu as pltpu
from jax.experimental.pallas import tpu_sc as plsc

_DX = 128
_DY = 26
_DYP = 32
_B = 4
_N = 512
_NEG = -1e30
_CH = 64
_NCH = _N // _CH
_HROWS = 10
_NPAD = 528
_WORD_W = _NPAD * _DYP


def _emis_body(x_ref, w_ref, t_ref, emis_ref, tp_ref):
    e = jnp.dot(x_ref[0], w_ref[...], preferred_element_type=jnp.float32)
    pad = jnp.full((_N, _DYP - _DY), _NEG, jnp.float32)
    emis_ref[0] = jnp.concatenate([e, pad], axis=1)
    t_colpad = jnp.full((_DY, _DYP - _DY), _NEG, jnp.float32)
    t_rowpad = jnp.full((_DYP - _DY, _DYP), _NEG, jnp.float32)
    tp_ref[...] = jnp.concatenate(
        [jnp.concatenate([t_ref[...], t_colpad], axis=1), t_rowpad], axis=0)


def _compute_emis(X, W, T):
    return pl.pallas_call(
        _emis_body,
        grid=(_B,),
        in_specs=[
            pl.BlockSpec((1, _N, _DX), lambda b: (b, 0, 0)),
            pl.BlockSpec((_DX, _DY), lambda b: (0, 0)),
            pl.BlockSpec((_DY, _DY), lambda b: (0, 0)),
        ],
        out_specs=[
            pl.BlockSpec((1, _N, _DYP), lambda b: (b, 0, 0)),
            pl.BlockSpec((_DYP, _DYP), lambda b: (0, 0)),
        ],
        out_shape=[
            jax.ShapeDtypeStruct((_B, _N, _DYP), jnp.float32),
            jax.ShapeDtypeStruct((_DYP, _DYP), jnp.float32),
        ],
    )(X, W, T)


_sc_mesh = plsc.VectorSubcoreMesh(core_axis_name="c", subcore_axis_name="s")


@functools.partial(
    pl.kernel,
    mesh=_sc_mesh,
    out_type=jax.ShapeDtypeStruct((_B, _N * _DYP), jnp.float32),
    scratch_types=[
        pltpu.VMEM((_NPAD * _DYP,), jnp.float32),
        pltpu.VMEM((_DYP * _DYP,), jnp.float32),
        pltpu.VMEM((_NPAD * _DYP,), jnp.float32),
        pltpu.VMEM((_N * _DYP,), jnp.int32),
        pltpu.VMEM((_N * _DYP,), jnp.float32),
        pltpu.VMEM(((_CH + 16) * _DYP,), jnp.float32),
        pltpu.VMEM_SHARED((2 * _WORD_W,), jnp.float32),
        pltpu.VMEM_SHARED((2 * _WORD_W,), jnp.int32),
    ],
)
def _sc_decode(emis_hbm, t_hbm, out_hbm, emis_v, t_v, lk_v, bp_v, out_v,
               lkc_v, lk_sh, bp_sh):
    c = lax.axis_index("c")
    s = lax.axis_index("s")
    wl = s // 8
    w = c * 2 + wl
    gs = s % 8
    leader = gs == 0
    sh_base = wl * _WORD_W

    pltpu.sync_copy(emis_hbm.at[w], emis_v.at[pl.ds(0, _N * _DYP)])
    pltpu.sync_copy(t_hbm, t_v)

    iota0 = lax.iota(jnp.int32, 16)
    iota1 = iota0 + 16
    zeros16 = jnp.zeros((16,), jnp.float32)

    @pl.when(leader)
    def _leader():
        lk_v[pl.ds(0, 16)] = zeros16
        lk_v[pl.ds(16, 16)] = zeros16

        def fwd_step(base):
            def step(j, carry):
                l0, l1 = carry
                i = base + j + 1
                e0 = emis_v[pl.ds((i - 1) * _DYP, 16)]
                e1 = emis_v[pl.ds((i - 1) * _DYP + 16, 16)]
                acc0 = jnp.full((16,), _NEG, jnp.float32)
                acc1 = jnp.full((16,), _NEG, jnp.float32)
                for y0 in range(_DY):
                    xe = e0[y0] if y0 < 16 else e1[y0 - 16]
                    xl = l0[y0] if y0 < 16 else l1[y0 - 16]
                    t0 = t_v[pl.ds(y0 * _DYP, 16)]
                    t1 = t_v[pl.ds(y0 * _DYP + 16, 16)]
                    acc0 = jnp.maximum(acc0, (xe + t0) + xl)
                    acc1 = jnp.maximum(acc1, (xe + t1) + xl)
                lk_v[pl.ds(i * _DYP, 16)] = acc0
                lk_v[pl.ds(i * _DYP + 16, 16)] = acc1
                return acc0, acc1
            return step

        def chunk(k, carry):
            base = k * _CH
            nsteps = jnp.minimum(_CH, (_N - 1) - base)
            carry = lax.fori_loop(0, nsteps, fwd_step(base), carry)
            pltpu.sync_copy(
                lk_v.at[pl.ds(base * _DYP, (_CH + 1) * _DYP)],
                lk_sh.at[pl.ds(sh_base + base * _DYP, (_CH + 1) * _DYP)])
            plsc.subcore_barrier()
            return carry

        l0, l1 = lax.fori_loop(0, _NCH, chunk, (zeros16, zeros16))
        plsc.subcore_barrier()

        pltpu.sync_copy(bp_sh.at[pl.ds(sh_base, _N * _DYP)], bp_v)

        def _butterfly(v, op):
            for sh in (8, 4, 2, 1):
                v = op(v, v.at[iota0 ^ sh].get(mode="promise_in_bounds"))
            return v

        v0 = emis_v[pl.ds((_N - 1) * _DYP, 16)] + l0
        v1 = emis_v[pl.ds((_N - 1) * _DYP + 16, 16)] + l1
        m = jnp.maximum(_butterfly(v0, jnp.maximum),
                        _butterfly(v1, jnp.maximum))
        big = jnp.full((16,), _DYP, jnp.int32)
        a0 = jnp.where(v0 == m, iota0, big)
        a1 = jnp.where((v1 == m) & (iota1 < _DY), iota1, big)
        ans = _butterfly(jnp.minimum(a0, a1), jnp.minimum)

        one = jnp.float32(1.0)
        zero = jnp.float32(0.0)

        def write_row(i, a):
            out_v[pl.ds(i * _DYP, 16)] = jnp.where(iota0 == a, one, zero)
            out_v[pl.ds(i * _DYP + 16, 16)] = jnp.where(iota1 == a, one, zero)

        write_row(_N - 1, ans)

        fifteen = jnp.full((16,), 15, jnp.int32)

        def back_step(j, a):
            i = _N - 2 - j
            b0 = bp_v[pl.ds((i + 1) * _DYP, 16)]
            b1 = bp_v[pl.ds((i + 1) * _DYP + 16, 16)]
            g0 = b0.at[jnp.minimum(a, fifteen)].get(mode="promise_in_bounds")
            g1 = b1.at[jnp.maximum(a - 16, 0)].get(mode="promise_in_bounds")
            nxt = jnp.where(a < 16, g0, g1)
            write_row(i, nxt)
            return nxt

        lax.fori_loop(0, _N - 1, back_step, ans)

        pltpu.sync_copy(out_v, out_hbm.at[w])

    @pl.when(jnp.logical_not(leader))
    def _helper():
        h = gs - 1

        def bp_row(base):
            def row(r, carry):
                i = base + 1 + h * _HROWS + r
                loc = i - base
                e0 = emis_v[pl.ds((i - 1) * _DYP, 16)]
                e1 = emis_v[pl.ds((i - 1) * _DYP + 16, 16)]
                ln0 = lkc_v[pl.ds(loc * _DYP, 16)]
                ln1 = lkc_v[pl.ds(loc * _DYP + 16, 16)]
                l0 = lkc_v[pl.ds((loc - 1) * _DYP, 16)]
                l1 = lkc_v[pl.ds((loc - 1) * _DYP + 16, 16)]
                bp0 = jnp.full((16,), _DYP, jnp.int32)
                bp1 = jnp.full((16,), _DYP, jnp.int32)
                for y0 in range(_DY):
                    xe = e0[y0] if y0 < 16 else e1[y0 - 16]
                    xl = l0[y0] if y0 < 16 else l1[y0 - 16]
                    t0 = t_v[pl.ds(y0 * _DYP, 16)]
                    t1 = t_v[pl.ds(y0 * _DYP + 16, 16)]
                    c0 = (xe + t0) + xl
                    c1 = (xe + t1) + xl
                    bp0 = jnp.minimum(bp0, jnp.where(c0 == ln0, y0, _DYP))
                    bp1 = jnp.minimum(bp1, jnp.where(c1 == ln1, y0, _DYP))
                bp_v[pl.ds(r * _DYP, 16)] = bp0
                bp_v[pl.ds(r * _DYP + 16, 16)] = bp1
                return carry
            return row

        def chunk(k, carry):
            base = k * _CH
            plsc.subcore_barrier()
            pltpu.sync_copy(
                lk_sh.at[pl.ds(sh_base + base * _DYP, (_CH + 1) * _DYP)],
                lkc_v.at[pl.ds(0, (_CH + 1) * _DYP)])
            lax.fori_loop(0, _HROWS, bp_row(base), 0)
            pltpu.sync_copy(
                bp_v.at[pl.ds(0, _HROWS * _DYP)],
                bp_sh.at[pl.ds(
                    sh_base + (base + 1 + h * _HROWS) * _DYP,
                    _HROWS * _DYP)])
            return carry

        lax.fori_loop(0, _NCH, chunk, 0)
        plsc.subcore_barrier()


def kernel(X, W, T):
    emis, tp = _compute_emis(X, W, T)
    out = _sc_decode(emis.reshape(_B, _N * _DYP), tp.reshape(_DYP * _DYP))
    return out.reshape(_B, _N, _DYP)[:, :, :_DY]

# --- scband reference (transcript-rebuilt; emitter-appended) ---
"""Pipeline reference for scband-crf-67267777790051 (READ-ONLY COPY).

The authoritative reference and input builder live on the scoring server;
editing this copy changes nothing except your own understanding.
"""

import jax, jax.numpy as jnp
import numpy as np
from jax import lax

DIMX = 128
DIMY = 26
BATCH = 4
MAXCHARS = 512


def setup_inputs(seed: int = 0) -> dict:
    key = jax.random.key(seed)
    k1, k2, k3 = jax.random.split(key, 3)
    X = jax.random.normal(k1, (BATCH, MAXCHARS, DIMX), dtype=jnp.float32)
    # learned parameters of the CRF module (torch zero-inits; we use small randn
    # so the Viterbi decode is non-degenerate)
    W = jax.random.normal(k2, (DIMX, DIMY), dtype=jnp.float32) * 0.1
    T = jax.random.normal(k3, (DIMY, DIMY), dtype=jnp.float32) * 0.1
    return {"X": X, "W": W, "T": T}


def _decode_word(word, W, T):
    # word: [n, dimX]. With randn fill every row is nonzero, so char_count == n,
    # matching torch's torch.nonzero(word.sum(axis=1)).size(0).
    emis = word @ W  # first_term for every position: [n, dimY]
    # ---- forward DP: lookup[0] = 0; lookup[i, y1] = max_y0(emis[i-1, y0] + T[y0, y1] + lookup[i-1, y0])
    init = jnp.zeros((DIMY,), dtype=emis.dtype)

    def fwd_step(lookup_prev, ft):
        lookup_i = jnp.max(ft[:, None] + T + lookup_prev[:, None], axis=0)
        return lookup_i, lookup_prev

    last, prevs = lax.scan(fwd_step, init, emis[:-1])
    lookup = jnp.concatenate([prevs, last[None, :]], axis=0)  # [n, dimY]

    # ---- backtrack
    ans_last = jnp.argmax(emis[-1] + lookup[-1])

    def back_step(nxt, xs):
        e_i, l_i = xs
        ans = jnp.argmax(e_i + T[:, nxt] + l_i)
        return ans, ans

    _, anss = lax.scan(back_step, ans_last, (emis[:-1], lookup[:-1]), reverse=True)
    path = jnp.concatenate([anss, ans_last[None]], axis=0)  # [n] int
    # one-hot predictions, float32 like the torch output tensor
    return jax.nn.one_hot(path, DIMY, dtype=jnp.float32)


def reference(X, W, T):
    return jax.vmap(lambda w: _decode_word(w, W, T))(X)

if __name__ == "__main__":
    import jax
    _d = setup_inputs()
    print(jax.jit(kernel)(*tuple(_d.values())))

</pallas_src>

<mosaic_0001>
#map = affine_map<(d0, d1) -> (0, 0)>
#map1 = affine_map<(d0, d1) -> (0)>
module attributes {stable_mosaic.version = 14 : i64} {
  func.func @_sc_decode(%arg0: i32, %arg1: i32, %arg2: memref<4x16384xf32, #tpu.memory_space<hbm>>, %arg3: memref<1024xf32, #tpu.memory_space<hbm>>, %arg4: memref<4x16384xf32, #tpu.memory_space<hbm>>, %arg5: memref<16896xf32, #tpu.memory_space<vmem>>, %arg6: memref<1024xf32, #tpu.memory_space<vmem>>, %arg7: memref<16896xf32, #tpu.memory_space<vmem>>, %arg8: memref<16384xi32, #tpu.memory_space<vmem>>, %arg9: memref<16384xf32, #tpu.memory_space<vmem>>, %arg10: memref<2560xf32, #tpu.memory_space<vmem>>, %arg11: memref<33792xf32, #tpu.memory_space<vmem_shared>>, %arg12: memref<33792xi32, #tpu.memory_space<vmem_shared>>) attributes {dimension_semantics = [#tpu.dimension_semantics<core_parallel>, #tpu.dimension_semantics<subcore_parallel>], iteration_bounds = array<i64: 2, 16>, scalar_prefetch = 0 : i64, scratch_operands = 8 : i64, tpu.core_type = #tpu.core_type<sc_vector_subcore>, window_params = [{transform_indices = #map}, {transform_indices = #map1}, {transform_indices = #map}]} {
    %jit3A = arith.constant 8 : i32
    %div3A = arith.divsi %arg1, %jit3A : i32
    %sign3A = arith.constant 0 : i32
    %sign3A_0 = arith.cmpi sgt, %arg1, %sign3A : i32
    %sign3A_1 = arith.extui %sign3A_0 : i1 to i32
    %sign3A_2 = arith.constant 0 : i32
    %sign3A_3 = arith.cmpi slt, %arg1, %sign3A_2 : i32
    %sign3A_4 = arith.extui %sign3A_3 : i1 to i32
    %sign3A_5 = arith.subi %sign3A_1, %sign3A_4 : i32
    %sign3A_6 = arith.constant 0 : i32
    %sign3A_7 = arith.cmpi sgt, %jit3A, %sign3A_6 : i32
    %sign3A_8 = arith.extui %sign3A_7 : i1 to i32
    %sign3A_9 = arith.constant 0 : i32
    %sign3A_10 = arith.cmpi slt, %jit3A, %sign3A_9 : i32
    %sign3A_11 = arith.extui %sign3A_10 : i1 to i32
    %sign3A_12 = arith.subi %sign3A_8, %sign3A_11 : i32
    %ne3A = arith.cmpi ne, %sign3A_5, %sign3A_12 : i32
    %rem3A = arith.remsi %arg1, %jit3A : i32
    %ne3A_13 = arith.constant 0 : i32
    %ne3A_14 = arith.cmpi ne, %rem3A, %ne3A_13 : i32
    %and3A = arith.andi %ne3A, %ne3A_14 : i1
    %sub3A = arith.constant 1 : i32
    %sub3A_15 = arith.subi %div3A, %sub3A : i32
    %select_n3A = arith.select %and3A, %sub3A_15, %div3A : i32
    %mul3A = arith.constant 2 : i32
    %mul3A_16 = arith.muli %arg0, %mul3A : i32
    %add3A = arith.addi %mul3A_16, %select_n3A : i32
    %jit3A_17 = arith.constant 8 : i32
    %eq3A = arith.constant 0 : i32
    %eq3A_18 = arith.cmpi eq, %jit3A_17, %eq3A : i32
    %jit3A_19 = arith.constant 1 : i32
    %select_n3A_20 = arith.select %eq3A_18, %jit3A_19, %jit3A_17 : i32
    %rem3A_21 = arith.remsi %arg1, %select_n3A_20 : i32
    %ne3A_22 = arith.constant 0 : i32
    %ne3A_23 = arith.cmpi ne, %rem3A_21, %ne3A_22 : i32
    %lt3A = arith.constant 0 : i32
    %lt3A_24 = arith.cmpi slt, %rem3A_21, %lt3A : i32
    %lt3A_25 = arith.constant 0 : i32
    %lt3A_26 = arith.cmpi slt, %select_n3A_20, %lt3A_25 : i32
    %ne3A_27 = arith.xori %lt3A_24, %lt3A_26 : i1
    %and3A_28 = arith.andi %ne3A_27, %ne3A_23 : i1
    %add3A_29 = arith.addi %rem3A_21, %select_n3A_20 : i32
    %select_n3A_30 = arith.select %and3A_28, %add3A_29, %rem3A_21 : i32
    %eq3A_31 = arith.constant 0 : i32
    %eq3A_32 = arith.cmpi eq, %select_n3A_30, %eq3A_31 : i32
    %mul3A_33 = arith.constant 16896 : i32
    %mul3A_34 = arith.muli %select_n3A, %mul3A_33 : i32
    "tpu.region"() ({
      %run_scoped3A = tpu.sem_alloc : memref<!tpu.dma_semaphore, #tpu.memory_space<semaphore_mem>>
      %dma_start3A = arith.constant 0 : i32
      %dma_start3A_44 = tpu.memref_slice %arg5[%dma_start3A] : memref<16896xf32, #tpu.memory_space<vmem>> -> memref<16384xf32, #tpu.memory_space<vmem>>
      %dma_start3A_45 = arith.constant 0 : i32
      %dma_start3A_46 = tpu.memref_slice %arg2[%add3A, %dma_start3A_45] : memref<4x16384xf32, #tpu.memory_space<hbm>> -> memref<1x16384xf32, #tpu.memory_space<hbm>>
      %dma_start3A_47 = tpu.memref_squeeze %dma_start3A_46 : memref<1x16384xf32, #tpu.memory_space<hbm>> -> memref<16384xf32, #tpu.memory_space<hbm>>
      %dma_start3A_48 = arith.constant 0 : i32
      %dma_start3A_49 = tpu.memref_slice %arg5[%dma_start3A_48] : memref<16896xf32, #tpu.memory_space<vmem>> -> memref<16384xf32, #tpu.memory_space<vmem>>
      %dma_start3A_50 = arith.constant 0 : i32
      %dma_start3A_51 = tpu.memref_slice %arg2[%add3A, %dma_start3A_50] : memref<4x16384xf32, #tpu.memory_space<hbm>> -> memref<1x16384xf32, #tpu.memory_space<hbm>>
      %dma_start3A_52 = tpu.memref_squeeze %dma_start3A_51 : memref<1x16384xf32, #tpu.memory_space<hbm>> -> memref<16384xf32, #tpu.memory_space<hbm>>
      tpu.enqueue_dma source(%dma_start3A_52 : memref<16384xf32, #tpu.memory_space<hbm>>) target(%dma_start3A_49 : memref<16384xf32, #tpu.memory_space<vmem>>) target_semaphore(%run_scoped3A : memref<!tpu.dma_semaphore, #tpu.memory_space<semaphore_mem>>)
      %dma_wait3A = arith.constant 0 : i32
      %dma_wait3A_53 = tpu.memref_slice %arg5[%dma_wait3A] : memref<16896xf32, #tpu.memory_space<vmem>> -> memref<16384xf32, #tpu.memory_space<vmem>>
      %dma_wait3A_54 = arith.constant 0 : i32
      %dma_wait3A_55 = tpu.memref_slice %arg2[%add3A, %dma_wait3A_54] : memref<4x16384xf32, #tpu.memory_space<hbm>> -> memref<1x16384xf32, #tpu.memory_space<hbm>>
      %dma_wait3A_56 = tpu.memref_squeeze %dma_wait3A_55 : memref<1x16384xf32, #tpu.memory_space<hbm>> -> memref<16384xf32, #tpu.memory_space<hbm>>
      %dma_wait3A_57 = arith.constant 0 : i32
      %dma_wait3A_58 = tpu.memref_slice %arg5[%dma_wait3A_57] : memref<16896xf32, #tpu.memory_space<vmem>> -> memref<16384xf32, #tpu.memory_space<vmem>>
      %dma_wait3A_59 = arith.constant 0 : i32
      %dma_wait3A_60 = tpu.memref_slice %arg2[%add3A, %dma_wait3A_59] : memref<4x16384xf32, #tpu.memory_space<hbm>> -> memref<1x16384xf32, #tpu.memory_space<hbm>>
      %dma_wait3A_61 = tpu.memref_squeeze %dma_wait3A_60 : memref<1x16384xf32, #tpu.memory_space<hbm>> -> memref<16384xf32, #tpu.memory_space<hbm>>
      tpu.wait_dma2 semaphore(%run_scoped3A : memref<!tpu.dma_semaphore, #tpu.memory_space<semaphore_mem>>) src(%dma_wait3A_61 : memref<16384xf32, #tpu.memory_space<hbm>>) dst(%dma_wait3A_58 : memref<16384xf32, #tpu.memory_space<vmem>>)
      tpu.yield
    }) : () -> ()
    "tpu.region"() ({
      %run_scoped3A = tpu.sem_alloc : memref<!tpu.dma_semaphore, #tpu.memory_space<semaphore_mem>>
      tpu.enqueue_dma source(%arg3 : memref<1024xf32, #tpu.memory_space<hbm>>) target(%arg6 : memref<1024xf32, #tpu.memory_space<vmem>>) target_semaphore(%run_scoped3A : memref<!tpu.dma_semaphore, #tpu.memory_space<semaphore_mem>>)
      tpu.wait_dma2 semaphore(%run_scoped3A : memref<!tpu.dma_semaphore, #tpu.memory_space<semaphore_mem>>) src(%arg3 : memref<1024xf32, #tpu.memory_space<hbm>>) dst(%arg6 : memref<1024xf32, #tpu.memory_space<vmem>>)
      tpu.yield
    }) : () -> ()
    %iota3A = tpu.iota {dimensions = array<i32: 0>} : vector<16xi32>
    %add3A_35 = arith.constant 16 : i32
    %add3A_36 = vector.broadcast %add3A_35 : i32 to vector<16xi32>
    %add3A_37 = arith.addi %iota3A, %add3A_36 : vector<16xi32>
    %broadcast_in_dim3A = arith.constant 0.000000e+00 : f32
    %broadcast_in_dim3A_38 = vector.broadcast %broadcast_in_dim3A : f32 to vector<16xf32>
    %convert_element_type3A = arith.extui %eq3A_32 : i1 to i32
    %cond3A = arith.constant 0 : i32
    %cond3A_39 = arith.cmpi ne, %convert_element_type3A, %cond3A : i32
    scf.if %cond3A_39 {
      %swap3A = arith.constant 0 : index
      %swap3A_44 = tpu.vector_load %arg7[%swap3A] {strides = array<i32>} : memref<16896xf32, #tpu.memory_space<vmem>>, vector<16xf32>,
      %swap3A_45 = vector.shape_cast %swap3A_44 : vector<16xf32> to vector<16xf32>
      %swap3A_46 = vector.shape_cast %broadcast_in_dim3A_38 : vector<16xf32> to vector<16xf32>
      tpu.vector_store %arg7[%swap3A], %swap3A_46 {strides = array<i32>} : memref<16896xf32, #tpu.memory_space<vmem>>, vector<16xf32>,
      %swap3A_47 = arith.constant 16 : index
      %swap3A_48 = tpu.vector_load %arg7[%swap3A_47] {strides = array<i32>} : memref<16896xf32, #tpu.memory_space<vmem>>, vector<16xf32>,
      %swap3A_49 = vector.shape_cast %swap3A_48 : vector<16xf32> to vector<16xf32>
      %swap3A_50 = vector.shape_cast %broadcast_in_dim3A_38 : vector<16xf32> to vector<16xf32>
      tpu.vector_store %arg7[%swap3A_47], %swap3A_50 {strides = array<i32>} : memref<16896xf32, #tpu.memory_space<vmem>>, vector<16xf32>,
      %scan3A = arith.constant 0 : i32
      %scan3A_51 = arith.constant 8 : i32
      %scan3A_52 = arith.addi %scan3A, %scan3A_51 : i32
      %scan3A_53 = arith.constant 1 : i32
      %scan3A_54:2 = scf.for %scan3A_269 = %scan3A to %scan3A_52 step %scan3A_53 iter_args(%scan3A_270 = %broadcast_in_dim3A_38, %scan3A_271 = %broadcast_in_dim3A_38) -> (vector<16xf32>, vector<16xf32>)  : i32 {
        %mul3A_272 = arith.constant 64 : i32
        %mul3A_273 = arith.muli %scan3A_269, %mul3A_272 : i32
        %sub3A_274 = arith.constant 511 : i32
        %sub3A_275 = arith.subi %sub3A_274, %mul3A_273 : i32
        %min3A_276 = arith.constant 64 : i32
        %min3A_277 = arith.minsi %min3A_276, %sub3A_275 : i32
        %while3A = arith.constant 0 : i32
        %while3A_278 = arith.subi %min3A_277, %while3A : i32
        %while3A_279 = arith.addi %while3A, %while3A_278 : i32
        %while3A_280 = arith.constant 1 : i32
        %while3A_281 = arith.divsi %while3A_278, %while3A_280 : i32
        %while3A_282 = arith.muli %while3A_281, %while3A_280 : i32
        %while3A_283 = arith.addi %while3A, %while3A_282 : i32
        %while3A_284 = arith.constant 1 : i32
        %while3A_285:2 = scf.for %while3A_294 = %while3A to %while3A_283 step %while3A_284 iter_args(%while3A_295 = %scan3A_270, %while3A_296 = %scan3A_271) -> (vector<16xf32>, vector<16xf32>)  : i32 {
          %add3A_297 = arith.addi %mul3A_273, %while3A_294 : i32
          %add3A_298 = arith.constant 1 : i32
          %add3A_299 = arith.addi %add3A_297, %add3A_298 : i32
          %sub3A_300 = arith.constant 1 : i32
          %sub3A_301 = arith.subi %add3A_299, %sub3A_300 : i32
          %mul3A_302 = arith.constant 32 : i32
          %mul3A_303 = arith.muli %sub3A_301, %mul3A_302 : i32
          %get3A_304 = arith.index_cast %mul3A_303 : i32 to index
          %get3A_305 = tpu.vector_load %arg5[%get3A_304] {strides = array<i32>} : memref<16896xf32, #tpu.memory_space<vmem>>, vector<16xf32>,
          %get3A_306 = vector.shape_cast %get3A_305 : vector<16xf32> to vector<16xf32>
          %sub3A_307 = arith.constant 1 : i32
          %sub3A_308 = arith.subi %add3A_299, %sub3A_307 : i32
          %mul3A_309 = arith.constant 32 : i32
          %mul3A_310 = arith.muli %sub3A_308, %mul3A_309 : i32
          %add3A_311 = arith.constant 16 : i32
          %add3A_312 = arith.addi %mul3A_310, %add3A_311 : i32
          %get3A_313 = arith.index_cast %add3A_312 : i32 to index
          %get3A_314 = tpu.vector_load %arg5[%get3A_313] {strides = array<i32>} : memref<16896xf32, #tpu.memory_space<vmem>>, vector<16xf32>,
          %get3A_315 = vector.shape_cast %get3A_314 : vector<16xf32> to vector<16xf32>
          %broadcast_in_dim3A_316 = arith.constant -1.000000e+30 : f32
          %broadcast_in_dim3A_317 = vector.broadcast %broadcast_in_dim3A_316 : f32 to vector<16xf32>
          %broadcast_in_dim3A_318 = arith.constant -1.000000e+30 : f32
          %broadcast_in_dim3A_319 = vector.broadcast %broadcast_in_dim3A_318 : f32 to vector<16xf32>
          %slice3A = vector.extract_strided_slice %get3A_306 {offsets = [0], sizes = [1], strides = [1]} : vector<16xf32> to vector<1xf32>
          %squeeze3A = vector.extract %slice3A[0] : f32 from vector<1xf32>
          %slice3A_320 = vector.extract_strided_slice %while3A_295 {offsets = [0], sizes = [1], strides = [1]} : vector<16xf32> to vector<1xf32>
          %squeeze3A_321 = vector.extract %slice3A_320[0] : f32 from vector<1xf32>
          %get3A_322 = arith.constant 0 : index
          %get3A_323 = tpu.vector_load %arg6[%get3A_322] {strides = array<i32>} : memref<1024xf32, #tpu.memory_space<vmem>>, vector<16xf32>,
          %get3A_324 = vector.shape_cast %get3A_323 : vector<16xf32> to vector<16xf32>
          %get3A_325 = arith.constant 16 : index
          %get3A_326 = tpu.vector_load %arg6[%get3A_325] {strides = array<i32>} : memref<1024xf32, #tpu.memory_space<vmem>>, vector<16xf32>,
          %get3A_327 = vector.shape_cast %get3A_326 : vector<16xf32> to vector<16xf32>
          %add3A_328 = vector.broadcast %squeeze3A : f32 to vector<16xf32>
          %add3A_329 = arith.addf %add3A_328, %get3A_324 : vector<16xf32>
          %add3A_330 = vector.broadcast %squeeze3A_321 : f32 to vector<16xf32>
          %add3A_331 = arith.addf %add3A_329, %add3A_330 : vector<16xf32>
          %max3A_332 = arith.maximumf %broadcast_in_dim3A_317, %add3A_331 : vector<16xf32>
          %add3A_333 = vector.broadcast %squeeze3A : f32 to vector<16xf32>
          %add3A_334 = arith.addf %add3A_333, %get3A_327 : vector<16xf32>
          %add3A_335 = vector.broadcast %squeeze3A_321 : f32 to vector<16xf32>
          %add3A_336 = arith.addf %add3A_334, %add3A_335 : vector<16xf32>
          %max3A_337 = arith.maximumf %broadcast_in_dim3A_319, %add3A_336 : vector<16xf32>
          %slice3A_338 = vector.extract_strided_slice %get3A_306 {offsets = [1], sizes = [1], strides = [1]} : vector<16xf32> to vector<1xf32>
          %squeeze3A_339 = vector.extract %slice3A_338[0] : f32 from vector<1xf32>
          %slice3A_340 = vector.extract_strided_slice %while3A_295 {offsets = [1], sizes = [1], strides = [1]} : vector<16xf32> to vector<1xf32>
          %squeeze3A_341 = vector.extract %slice3A_340[0] : f32 from vector<1xf32>
          %get3A_342 = arith.constant 32 : index
          %get3A_343 = tpu.vector_load %arg6[%get3A_342] {strides = array<i32>} : memref<1024xf32, #tpu.memory_space<vmem>>, vector<16xf32>,
          %get3A_344 = vector.shape_cast %get3A_343 : vector<16xf32> to vector<16xf32>
          %get3A_345 = arith.constant 48 : index
          %get3A_346 = tpu.vector_load %arg6[%get3A_345] {strides = array<i32>} : memref<1024xf32, #tpu.memory_space<vmem>>, vector<16xf32>,
          %get3A_347 = vector.shape_cast %get3A_346 : vector<16xf32> to vector<16xf32>
          %add3A_348 = vector.broadcast %squeeze3A_339 : f32 to vector<16xf32>
          %add3A_349 = arith.addf %add3A_348, %get3A_344 : vector<16xf32>
          %add3A_350 = vector.broadcast %squeeze3A_341 : f32 to vector<16xf32>
          %add3A_351 = arith.addf %add3A_349, %add3A_350 : vector<16xf32>
          %max3A_352 = arith.maximumf %max3A_332, %add3A_351 : vector<16xf32>
          %add3A_353 = vector.broadcast %squeeze3A_339 : f32 to vector<16xf32>
          %add3A_354 = arith.addf %add3A_353, %get3A_347 : vector<16xf32>
          %add3A_355 = vector.broadcast %squeeze3A_341 : f32 to vector<16xf32>
          %add3A_356 = arith.addf %add3A_354, %add3A_355 : vector<16xf32>
          %max3A_357 = arith.maximumf %max3A_337, %add3A_356 : vector<16xf32>
          %slice3A_358 = vector.extract_strided_slice %get3A_306 {offsets = [2], sizes = [1], strides = [1]} : vector<16xf32> to vector<1xf32>
          %squeeze3A_359 = vector.extract %slice3A_358[0] : f32 from vector<1xf32>
          %slice3A_360 = vector.extract_strided_slice %while3A_295 {offsets = [2], sizes = [1], strides = [1]} : vector<16xf32> to vector<1xf32>
          %squeeze3A_361 = vector.extract %slice3A_360[0] : f32 from vector<1xf32>
          %get3A_362 = arith.constant 64 : index
          %get3A_363 = tpu.vector_load %arg6[%get3A_362] {strides = array<i32>} : memref<1024xf32, #tpu.memory_space<vmem>>, vector<16xf32>,
          %get3A_364 = vector.shape_cast %get3A_363 : vector<16xf32> to vector<16xf32>
          %get3A_365 = arith.constant 80 : index
          %get3A_366 = tpu.vector_load %arg6[%get3A_365] {strides = array<i32>} : memref<1024xf32, #tpu.memory_space<vmem>>, vector<16xf32>,
          %get3A_367 = vector.shape_cast %get3A_366 : vector<16xf32> to vector<16xf32>
          %add3A_368 = vector.broadcast %squeeze3A_359 : f32 to vector<16xf32>
          %add3A_369 = arith.addf %add3A_368, %get3A_364 : vector<16xf32>
          %add3A_370 = vector.broadcast %squeeze3A_361 : f32 to vector<16xf32>
          %add3A_371 = arith.addf %add3A_369, %add3A_370 : vector<16xf32>
          %max3A_372 = arith.maximumf %max3A_352, %add3A_371 : vector<16xf32>
          %add3A_373 = vector.broadcast %squeeze3A_359 : f32 to vector<16xf32>
          %add3A_374 = arith.addf %add3A_373, %get3A_367 : vector<16xf32>
          %add3A_375 = vector.broadcast %squeeze3A_361 : f32 to vector<16xf32>
          %add3A_376 = arith.addf %add3A_374, %add3A_375 : vector<16xf32>
          %max3A_377 = arith.maximumf %max3A_357, %add3A_376 : vector<16xf32>
          %slice3A_378 = vector.extract_strided_slice %get3A_306 {offsets = [3], sizes = [1], strides = [1]} : vector<16xf32> to vector<1xf32>
          %squeeze3A_379 = vector.extract %slice3A_378[0] : f32 from vector<1xf32>
          %slice3A_380 = vector.extract_strided_slice %while3A_295 {offsets = [3], sizes = [1], strides = [1]} : vector<16xf32> to vector<1xf32>
          %squeeze3A_381 = vector.extract %slice3A_380[0] : f32 from vector<1xf32>
          %get3A_382 = arith.constant 96 : index
          %get3A_383 = tpu.vector_load %arg6[%get3A_382] {strides = array<i32>} : memref<1024xf32, #tpu.memory_space<vmem>>, vector<16xf32>,
          %get3A_384 = vector.shape_cast %get3A_383 : vector<16xf32> to vector<16xf32>
          %get3A_385 = arith.constant 112 : index
          %get3A_386 = tpu.vector_load %arg6[%get3A_385] {strides = array<i32>} : memref<1024xf32, #tpu.memory_space<vmem>>, vector<16xf32>,
          %get3A_387 = vector.shape_cast %get3A_386 : vector<16xf32> to vector<16xf32>
          %add3A_388 = vector.broadcast %squeeze3A_379 : f32 to vector<16xf32>
          %add3A_389 = arith.addf %add3A_388, %get3A_384 : vector<16xf32>
          %add3A_390 = vector.broadcast %squeeze3A_381 : f32 to vector<16xf32>
          %add3A_391 = arith.addf %add3A_389, %add3A_390 : vector<16xf32>
          %max3A_392 = arith.maximumf %max3A_372, %add3A_391 : vector<16xf32>
          %add3A_393 = vector.broadcast %squeeze3A_379 : f32 to vector<16xf32>
          %add3A_394 = arith.addf %add3A_393, %get3A_387 : vector<16xf32>
          %add3A_395 = vector.broadcast %squeeze3A_381 : f32 to vector<16xf32>
          %add3A_396 = arith.addf %add3A_394, %add3A_395 : vector<16xf32>
          %max3A_397 = arith.maximumf %max3A_377, %add3A_396 : vector<16xf32>
          %slice3A_398 = vector.extract_strided_slice %get3A_306 {offsets = [4], sizes = [1], strides = [1]} : vector<16xf32> to vector<1xf32>
          %squeeze3A_399 = vector.extract %slice3A_398[0] : f32 from vector<1xf32>
          %slice3A_400 = vector.extract_strided_slice %while3A_295 {offsets = [4], sizes = [1], strides = [1]} : vector<16xf32> to vector<1xf32>
          %squeeze3A_401 = vector.extract %slice3A_400[0] : f32 from vector<1xf32>
          %get3A_402 = arith.constant 128 : index
          %get3A_403 = tpu.vector_load %arg6[%get3A_402] {strides = array<i32>} : memref<1024xf32, #tpu.memory_space<vmem>>, vector<16xf32>,
          %get3A_404 = vector.shape_cast %get3A_403 : vector<16xf32> to vector<16xf32>
          %get3A_405 = arith.constant 144 : index
          %get3A_406 = tpu.vector_load %arg6[%get3A_405] {strides = array<i32>} : memref<1024xf32, #tpu.memory_space<vmem>>, vector<16xf32>,
          %get3A_407 = vector.shape_cast %get3A_406 : vector<16xf32> to vector<16xf32>
          %add3A_408 = vector.broadcast %squeeze3A_399 : f32 to vector<16xf32>
          %add3A_409 = arith.addf %add3A_408, %get3A_404 : vector<16xf32>
          %add3A_410 = vector.broadcast %squeeze3A_401 : f32 to vector<16xf32>
          %add3A_411 = arith.addf %add3A_409, %add3A_410 : vector<16xf32>
          %max3A_412 = arith.maximumf %max3A_392, %add3A_411 : vector<16xf32>
          %add3A_413 = vector.broadcast %squeeze3A_399 : f32 to vector<16xf32>
          %add3A_414 = arith.addf %add3A_413, %get3A_407 : vector<16xf32>
          %add3A_415 = vector.broadcast %squeeze3A_401 : f32 to vector<16xf32>
          %add3A_416 = arith.addf %add3A_414, %add3A_415 : vector<16xf32>
          %max3A_417 = arith.maximumf %max3A_397, %add3A_416 : vector<16xf32>
          %slice3A_418 = vector.extract_strided_slice %get3A_306 {offsets = [5], sizes = [1], strides = [1]} : vector<16xf32> to vector<1xf32>
          %squeeze3A_419 = vector.extract %slice3A_418[0] : f32 from vector<1xf32>
          %slice3A_420 = vector.extract_strided_slice %while3A_295 {offsets = [5], sizes = [1], strides = [1]} : vector<16xf32> to vector<1xf32>
          %squeeze3A_421 = vector.extract %slice3A_420[0] : f32 from vector<1xf32>
          %get3A_422 = arith.constant 160 : index
          %get3A_423 = tpu.vector_load %arg6[%get3A_422] {strides = array<i32>} : memref<1024xf32, #tpu.memory_space<vmem>>, vector<16xf32>,
          %get3A_424 = vector.shape_cast %get3A_423 : vector<16xf32> to vector<16xf32>
          %get3A_425 = arith.constant 176 : index
          %get3A_426 = tpu.vector_load %arg6[%get3A_425] {strides = array<i32>} : memref<1024xf32, #tpu.memory_space<vmem>>, vector<16xf32>,
          %get3A_427 = vector.shape_cast %get3A_426 : vector<16xf32> to vector<16xf32>
          %add3A_428 = vector.broadcast %squeeze3A_419 : f32 to vector<16xf32>
          %add3A_429 = arith.addf %add3A_428, %get3A_424 : vector<16xf32>
          %add3A_430 = vector.broadcast %squeeze3A_421 : f32 to vector<16xf32>
          %add3A_431 = arith.addf %add3A_429, %add3A_430 : vector<16xf32>
          %max3A_432 = arith.maximumf %max3A_412, %add3A_431 : vector<16xf32>
          %add3A_433 = vector.broadcast %squeeze3A_419 : f32 to vector<16xf32>
          %add3A_434 = arith.addf %add3A_433, %get3A_427 : vector<16xf32>
          %add3A_435 = vector.broadcast %squeeze3A_421 : f32 to vector<16xf32>
          %add3A_436 = arith.addf %add3A_434, %add3A_435 : vector<16xf32>
          %max3A_437 = arith.maximumf %max3A_417, %add3A_436 : vector<16xf32>
          %slice3A_438 = vector.extract_strided_slice %get3A_306 {offsets = [6], sizes = [1], strides = [1]} : vector<16xf32> to vector<1xf32>
          %squeeze3A_439 = vector.extract %slice3A_438[0] : f32 from vector<1xf32>
          %slice3A_440 = vector.extract_strided_slice %while3A_295 {offsets = [6], sizes = [1], strides = [1]} : vector<16xf32> to vector<1xf32>
          %squeeze3A_441 = vector.extract %slice3A_440[0] : f32 from vector<1xf32>
          %get3A_442 = arith.constant 192 : index
          %get3A_443 = tpu.vector_load %arg6[%get3A_442] {strides = array<i32>} : memref<1024xf32, #tpu.memory_space<vmem>>, vector<16xf32>,
          %get3A_444 = vector.shape_cast %get3A_443 : vector<16xf32> to vector<16xf32>
          %get3A_445 = arith.constant 208 : index
          %get3A_446 = tpu.vector_load %arg6[%get3A_445] {strides = array<i32>} : memref<1024xf32, #tpu.memory_space<vmem>>, vector<16xf32>,
          %get3A_447 = vector.shape_cast %get3A_446 : vector<16xf32> to vector<16xf32>
          %add3A_448 = vector.broadcast %squeeze3A_439 : f32 to vector<16xf32>
          %add3A_449 = arith.addf %add3A_448, %get3A_444 : vector<16xf32>
          %add3A_450 = vector.broadcast %squeeze3A_441 : f32 to vector<16xf32>
          %add3A_451 = arith.addf %add3A_449, %add3A_450 : vector<16xf32>
          %max3A_452 = arith.maximumf %max3A_432, %add3A_451 : vector<16xf32>
          %add3A_453 = vector.broadcast %squeeze3A_439 : f32 to vector<16xf32>
          %add3A_454 = arith.addf %add3A_453, %get3A_447 : vector<16xf32>
          %add3A_455 = vector.broadcast %squeeze3A_441 : f32 to vector<16xf32>
          %add3A_456 = arith.addf %add3A_454, %add3A_455 : vector<16xf32>
          %max3A_457 = arith.maximumf %max3A_437, %add3A_456 : vector<16xf32>
          %slice3A_458 = vector.extract_strided_slice %get3A_306 {offsets = [7], sizes = [1], strides = [1]} : vector<16xf32> to vector<1xf32>
          %squeeze3A_459 = vector.extract %slice3A_458[0] : f32 from vector<1xf32>
          %slice3A_460 = vector.extract_strided_slice %while3A_295 {offsets = [7], sizes = [1], strides = [1]} : vector<16xf32> to vector<1xf32>
          %squeeze3A_461 = vector.extract %slice3A_460[0] : f32 from vector<1xf32>
          %get3A_462 = arith.constant 224 : index
          %get3A_463 = tpu.vector_load %arg6[%get3A_462] {strides = array<i32>} : memref<1024xf32, #tpu.memory_space<vmem>>, vector<16xf32>,
          %get3A_464 = vector.shape_cast %get3A_463 : vector<16xf32> to vector<16xf32>
          %get3A_465 = arith.constant 240 : index
          %get3A_466 = tpu.vector_load %arg6[%get3A_465] {strides = array<i32>} : memref<1024xf32, #tpu.memory_space<vmem>>, vector<16xf32>,
          %get3A_467 = vector.shape_cast %get3A_466 : vector<16xf32> to vector<16xf32>
          %add3A_468 = vector.broadcast %squeeze3A_459 : f32 to vector<16xf32>
          %add3A_469 = arith.addf %add3A_468, %get3A_464 : vector<16xf32>
          %add3A_470 = vector.broadcast %squeeze3A_461 : f32 to vector<16xf32>
          %add3A_471 = arith.addf %add3A_469, %add3A_470 : vector<16xf32>
          %max3A_472 = arith.maximumf %max3A_452, %add3A_471 : vector<16xf32>
          %add3A_473 = vector.broadcast %squeeze3A_459 : f32 to vector<16xf32>
          %add3A_474 = arith.addf %add3A_473, %get3A_467 : vector<16xf32>
          %add3A_475 = vector.broadcast %squeeze3A_461 : f32 to vector<16xf32>
          %add3A_476 = arith.addf %add3A_474, %add3A_475 : vector<16xf32>
          %max3A_477 = arith.maximumf %max3A_457, %add3A_476 : vector<16xf32>
          %slice3A_478 = vector.extract_strided_slice %get3A_306 {offsets = [8], sizes = [1], strides = [1]} : vector<16xf32> to vector<1xf32>
          %squeeze3A_479 = vector.extract %slice3A_478[0] : f32 from vector<1xf32>
          %slice3A_480 = vector.extract_strided_slice %while3A_295 {offsets = [8], sizes = [1], strides = [1]} : vector<16xf32> to vector<1xf32>
          %squeeze3A_481 = vector.extract %slice3A_480[0] : f32 from vector<1xf32>
          %get3A_482 = arith.constant 256 : index
          %get3A_483 = tpu.vector_load %arg6[%get3A_482] {strides = array<i32>} : memref<1024xf32, #tpu.memory_space<vmem>>, vector<16xf32>,
          %get3A_484 = vector.shape_cast %get3A_483 : vector<16xf32> to vector<16xf32>
          %get3A_485 = arith.constant 272 : index
          %get3A_486 = tpu.vector_load %arg6[%get3A_485] {strides = array<i32>} : memref<1024xf32, #tpu.memory_space<vmem>>, vector<16xf32>,
          %get3A_487 = vector.shape_cast %get3A_486 : vector<16xf32> to vector<16xf32>
          %add3A_488 = vector.broadcast %squeeze3A_479 : f32 to vector<16xf32>
          %add3A_489 = arith.addf %add3A_488, %get3A_484 : vector<16xf32>
          %add3A_490 = vector.broadcast %squeeze3A_481 : f32 to vector<16xf32>
          %add3A_491 = arith.addf %add3A_489, %add3A_490 : vector<16xf32>
          %max3A_492 = arith.maximumf %max3A_472, %add3A_491 : vector<16xf32>
          %add3A_493 = vector.broadcast %squeeze3A_479 : f32 to vector<16xf32>
          %add3A_494 = arith.addf %add3A_493, %get3A_487 : vector<16xf32>
          %add3A_495 = vector.broadcast %squeeze3A_481 : f32 to vector<16xf32>
          %add3A_496 = arith.addf %add3A_494, %add3A_495 : vector<16xf32>
          %max3A_497 = arith.maximumf %max3A_477, %add3A_496 : vector<16xf32>
          %slice3A_498 = vector.extract_strided_slice %get3A_306 {offsets = [9], sizes = [1], strides = [1]} : vector<16xf32> to vector<1xf32>
          %squeeze3A_499 = vector.extract %slice3A_498[0] : f32 from vector<1xf32>
          %slice3A_500 = vector.extract_strided_slice %while3A_295 {offsets = [9], sizes = [1], strides = [1]} : vector<16xf32> to vector<1xf32>
          %squeeze3A_501 = vector.extract %slice3A_500[0] : f32 from vector<1xf32>
          %get3A_502 = arith.constant 288 : index
          %get3A_503 = tpu.vector_load %arg6[%get3A_502] {strides = array<i32>} : memref<1024xf32, #tpu.memory_space<vmem>>, vector<16xf32>,
          %get3A_504 = vector.shape_cast %get3A_503 : vector<16xf32> to vector<16xf32>
          %get3A_505 = arith.constant 304 : index
          %get3A_506 = tpu.vector_load %arg6[%get3A_505] {strides = array<i32>} : memref<1024xf32, #tpu.memory_space<vmem>>, vector<16xf32>,
          %get3A_507 = vector.shape_cast %get3A_506 : vector<16xf32> to vector<16xf32>
          %add3A_508 = vector.broadcast %squeeze3A_499 : f32 to vector<16xf32>
          %add3A_509 = arith.addf %add3A_508, %get3A_504 : vector<16xf32>
          %add3A_510 = vector.broadcast %squeeze3A_501 : f32 to vector<16xf32>
          %add3A_511 = arith.addf %add3A_509, %add3A_510 : vector<16xf32>
          %max3A_512 = arith.maximumf %max3A_492, %add3A_511 : vector<16xf32>
          %add3A_513 = vector.broadcast %squeeze3A_499 : f32 to vector<16xf32>
          %add3A_514 = arith.addf %add3A_513, %get3A_507 : vector<16xf32>
          %add3A_515 = vector.broadcast %squeeze3A_501 : f32 to vector<16xf32>
          %add3A_516 = arith.addf %add3A_514, %add3A_515 : vector<16xf32>
          %max3A_517 = arith.maximumf %max3A_497, %add3A_516 : vector<16xf32>
          %slice3A_518 = vector.extract_strided_slice %get3A_306 {offsets = [10], sizes = [1], strides = [1]} : vector<16xf32> to vector<1xf32>
          %squeeze3A_519 = vector.extract %slice3A_518[0] : f32 from vector<1xf32>
          %slice3A_520 = vector.extract_strided_slice %while3A_295 {offsets = [10], sizes = [1], strides = [1]} : vector<16xf32> to vector<1xf32>
          %squeeze3A_521 = vector.extract %slice3A_520[0] : f32 from vector<1xf32>
          %get3A_522 = arith.constant 320 : index
          %get3A_523 = tpu.vector_load %arg6[%get3A_522] {strides = array<i32>} : memref<1024xf32, #tpu.memory_space<vmem>>, vector<16xf32>,
          %get3A_524 = vector.shape_cast %get3A_523 : vector<16xf32> to vector<16xf32>
          %get3A_525 = arith.constant 336 : index
          %get3A_526 = tpu.vector_load %arg6[%get3A_525] {strides = array<i32>} : memref<1024xf32, #tpu.memory_space<vmem>>, vector<16xf32>,
          %get3A_527 = vector.shape_cast %get3A_526 : vector<16xf32> to vector<16xf32>
          %add3A_528 = vector.broadcast %squeeze3A_519 : f32 to vector<16xf32>
          %add3A_529 = arith.addf %add3A_528, %get3A_524 : vector<16xf32>
          %add3A_530 = vector.broadcast %squeeze3A_521 : f32 to vector<16xf32>
          %add3A_531 = arith.addf %add3A_529, %add3A_530 : vector<16xf32>
          %max3A_532 = arith.maximumf %max3A_512, %add3A_531 : vector<16xf32>
          %add3A_533 = vector.broadcast %squeeze3A_519 : f32 to vector<16xf32>
          %add3A_534 = arith.addf %add3A_533, %get3A_527 : vector<16xf32>
          %add3A_535 = vector.broadcast %squeeze3A_521 : f32 to vector<16xf32>
          %add3A_536 = arith.addf %add3A_534, %add3A_535 : vector<16xf32>
          %max3A_537 = arith.maximumf %max3A_517, %add3A_536 : vector<16xf32>
          %slice3A_538 = vector.extract_strided_slice %get3A_306 {offsets = [11], sizes = [1], strides = [1]} : vector<16xf32> to vector<1xf32>
          %squeeze3A_539 = vector.extract %slice3A_538[0] : f32 from vector<1xf32>
          %slice3A_540 = vector.extract_strided_slice %while3A_295 {offsets = [11], sizes = [1], strides = [1]} : vector<16xf32> to vector<1xf32>
          %squeeze3A_541 = vector.extract %slice3A_540[0] : f32 from vector<1xf32>
          %get3A_542 = arith.constant 352 : index
          %get3A_543 = tpu.vector_load %arg6[%get3A_542] {strides = array<i32>} : memref<1024xf32, #tpu.memory_space<vmem>>, vector<16xf32>,
          %get3A_544 = vector.shape_cast %get3A_543 : vector<16xf32> to vector<16xf32>
          %get3A_545 = arith.constant 368 : index
          %get3A_546 = tpu.vector_load %arg6[%get3A_545] {strides = array<i32>} : memref<1024xf32, #tpu.memory_space<vmem>>, vector<16xf32>,
          %get3A_547 = vector.shape_cast %get3A_546 : vector<16xf32> to vector<16xf32>
          %add3A_548 = vector.broadcast %squeeze3A_539 : f32 to vector<16xf32>
          %add3A_549 = arith.addf %add3A_548, %get3A_544 : vector<16xf32>
          %add3A_550 = vector.broadcast %squeeze3A_541 : f32 to vector<16xf32>
          %add3A_551 = arith.addf %add3A_549, %add3A_550 : vector<16xf32>
          %max3A_552 = arith.maximumf %max3A_532, %add3A_551 : vector<16xf32>
          %add3A_553 = vector.broadcast %squeeze3A_539 : f32 to vector<16xf32>
          %add3A_554 = arith.addf %add3A_553, %get3A_547 : vector<16xf32>
          %add3A_555 = vector.broadcast %squeeze3A_541 : f32 to vector<16xf32>
          %add3A_556 = arith.addf %add3A_554, %add3A_555 : vector<16xf32>
          %max3A_557 = arith.maximumf %max3A_537, %add3A_556 : vector<16xf32>
          %slice3A_558 = vector.extract_strided_slice %get3A_306 {offsets = [12], sizes = [1], strides = [1]} : vector<16xf32> to vector<1xf32>
          %squeeze3A_559 = vector.extract %slice3A_558[0] : f32 from vector<1xf32>
          %slice3A_560 = vector.extract_strided_slice %while3A_295 {offsets = [12], sizes = [1], strides = [1]} : vector<16xf32> to vector<1xf32>
          %squeeze3A_561 = vector.extract %slice3A_560[0] : f32 from vector<1xf32>
          %get3A_562 = arith.constant 384 : index
          %get3A_563 = tpu.vector_load %arg6[%get3A_562] {strides = array<i32>} : memref<1024xf32, #tpu.memory_space<vmem>>, vector<16xf32>,
          %get3A_564 = vector.shape_cast %get3A_563 : vector<16xf32> to vector<16xf32>
          %get3A_565 = arith.constant 400 : index
          %get3A_566 = tpu.vector_load %arg6[%get3A_565] {strides = array<i32>} : memref<1024xf32, #tpu.memory_space<vmem>>, vector<16xf32>,
          %get3A_567 = vector.shape_cast %get3A_566 : vector<16xf32> to vector<16xf32>
          %add3A_568 = vector.broadcast %squeeze3A_559 : f32 to vector<16xf32>
          %add3A_569 = arith.addf %add3A_568, %get3A_564 : vector<16xf32>
          %add3A_570 = vector.broadcast %squeeze3A_561 : f32 to vector<16xf32>
          %add3A_571 = arith.addf %add3A_569, %add3A_570 : vector<16xf32>
          %max3A_572 = arith.maximumf %max3A_552, %add3A_571 : vector<16xf32>
          %add3A_573 = vector.broadcast %squeeze3A_559 : f32 to vector<16xf32>
          %add3A_574 = arith.addf %add3A_573, %get3A_567 : vector<16xf32>
          %add3A_575 = vector.broadcast %squeeze3A_561 : f32 to vector<16xf32>
          %add3A_576 = arith.addf %add3A_574, %add3A_575 : vector<16xf32>
          %max3A_577 = arith.maximumf %max3A_557, %add3A_576 : vector<16xf32>
          %slice3A_578 = vector.extract_strided_slice %get3A_306 {offsets = [13], sizes = [1], strides = [1]} : vector<16xf32> to vector<1xf32>
          %squeeze3A_579 = vector.extract %slice3A_578[0] : f32 from vector<1xf32>
          %slice3A_580 = vector.extract_strided_slice %while3A_295 {offsets = [13], sizes = [1], strides = [1]} : vector<16xf32> to vector<1xf32>
          %squeeze3A_581 = vector.extract %slice3A_580[0] : f32 from vector<1xf32>
          %get3A_582 = arith.constant 416 : index
          %get3A_583 = tpu.vector_load %arg6[%get3A_582] {strides = array<i32>} : memref<1024xf32, #tpu.memory_space<vmem>>, vector<16xf32>,
          %get3A_584 = vector.shape_cast %get3A_583 : vector<16xf32> to vector<16xf32>
          %get3A_585 = arith.constant 432 : index
          %get3A_586 = tpu.vector_load %arg6[%get3A_585] {strides = array<i32>} : memref<1024xf32, #tpu.memory_space<vmem>>, vector<16xf32>,
          %get3A_587 = vector.shape_cast %get3A_586 : vector<16xf32> to vector<16xf32>
          %add3A_588 = vector.broadcast %squeeze3A_579 : f32 to vector<16xf32>
          %add3A_589 = arith.addf %add3A_588, %get3A_584 : vector<16xf32>
          %add3A_590 = vector.broadcast %squeeze3A_581 : f32 to vector<16xf32>
          %add3A_591 = arith.addf %add3A_589, %add3A_590 : vector<16xf32>
          %max3A_592 = arith.maximumf %max3A_572, %add3A_591 : vector<16xf32>
          %add3A_593 = vector.broadcast %squeeze3A_579 : f32 to vector<16xf32>
          %add3A_594 = arith.addf %add3A_593, %get3A_587 : vector<16xf32>
          %add3A_595 = vector.broadcast %squeeze3A_581 : f32 to vector<16xf32>
          %add3A_596 = arith.addf %add3A_594, %add3A_595 : vector<16xf32>
          %max3A_597 = arith.maximumf %max3A_577, %add3A_596 : vector<16xf32>
          %slice3A_598 = vector.extract_strided_slice %get3A_306 {offsets = [14], sizes = [1], strides = [1]} : vector<16xf32> to vector<1xf32>
          %squeeze3A_599 = vector.extract %slice3A_598[0] : f32 from vector<1xf32>
          %slice3A_600 = vector.extract_strided_slice %while3A_295 {offsets = [14], sizes = [1], strides = [1]} : vector<16xf32> to vector<1xf32>
          %squeeze3A_601 = vector.extract %slice3A_600[0] : f32 from vector<1xf32>
          %get3A_602 = arith.constant 448 : index
          %get3A_603 = tpu.vector_load %arg6[%get3A_602] {strides = array<i32>} : memref<1024xf32, #tpu.memory_space<vmem>>, vector<16xf32>,
          %get3A_604 = vector.shape_cast %get3A_603 : vector<16xf32> to vector<16xf32>
          %get3A_605 = arith.constant 464 : index
          %get3A_606 = tpu.vector_load %arg6[%get3A_605] {strides = array<i32>} : memref<1024xf32, #tpu.memory_space<vmem>>, vector<16xf32>,
          %get3A_607 = vector.shape_cast %get3A_606 : vector<16xf32> to vector<16xf32>
          %add3A_608 = vector.broadcast %squeeze3A_599 : f32 to vector<16xf32>
          %add3A_609 = arith.addf %add3A_608, %get3A_604 : vector<16xf32>
          %add3A_610 = vector.broadcast %squeeze3A_601 : f32 to vector<16xf32>
          %add3A_611 = arith.addf %add3A_609, %add3A_610 : vector<16xf32>
          %max3A_612 = arith.maximumf %max3A_592, %add3A_611 : vector<16xf32>
          %add3A_613 = vector.broadcast %squeeze3A_599 : f32 to vector<16xf32>
          %add3A_614 = arith.addf %add3A_613, %get3A_607 : vector<16xf32>
          %add3A_615 = vector.broadcast %squeeze3A_601 : f32 to vector<16xf32>
          %add3A_616 = arith.addf %add3A_614, %add3A_615 : vector<16xf32>
          %max3A_617 = arith.maximumf %max3A_597, %add3A_616 : vector<16xf32>
          %slice3A_618 = vector.extract_strided_slice %get3A_306 {offsets = [15], sizes = [1], strides = [1]} : vector<16xf32> to vector<1xf32>
          %squeeze3A_619 = vector.extract %slice3A_618[0] : f32 from vector<1xf32>
          %slice3A_620 = vector.extract_strided_slice %while3A_295 {offsets = [15], sizes = [1], strides = [1]} : vector<16xf32> to vector<1xf32>
          %squeeze3A_621 = vector.extract %slice3A_620[0] : f32 from vector<1xf32>
          %get3A_622 = arith.constant 480 : index
          %get3A_623 = tpu.vector_load %arg6[%get3A_622] {strides = array<i32>} : memref<1024xf32, #tpu.memory_space<vmem>>, vector<16xf32>,
          %get3A_624 = vector.shape_cast %get3A_623 : vector<16xf32> to vector<16xf32>
          %get3A_625 = arith.constant 496 : index
          %get3A_626 = tpu.vector_load %arg6[%get3A_625] {strides = array<i32>} : memref<1024xf32, #tpu.memory_space<vmem>>, vector<16xf32>,
          %get3A_627 = vector.shape_cast %get3A_626 : vector<16xf32> to vector<16xf32>
          %add3A_628 = vector.broadcast %squeeze3A_619 : f32 to vector<16xf32>
          %add3A_629 = arith.addf %add3A_628, %get3A_624 : vector<16xf32>
          %add3A_630 = vector.broadcast %squeeze3A_621 : f32 to vector<16xf32>
          %add3A_631 = arith.addf %add3A_629, %add3A_630 : vector<16xf32>
          %max3A_632 = arith.maximumf %max3A_612, %add3A_631 : vector<16xf32>
          %add3A_633 = vector.broadcast %squeeze3A_619 : f32 to vector<16xf32>
          %add3A_634 = arith.addf %add3A_633, %get3A_627 : vector<16xf32>
          %add3A_635 = vector.broadcast %squeeze3A_621 : f32 to vector<16xf32>
          %add3A_636 = arith.addf %add3A_634, %add3A_635 : vector<16xf32>
          %max3A_637 = arith.maximumf %max3A_617, %add3A_636 : vector<16xf32>
          %slice3A_638 = vector.extract_strided_slice %get3A_315 {offsets = [0], sizes = [1], strides = [1]} : vector<16xf32> to vector<1xf32>
          %squeeze3A_639 = vector.extract %slice3A_638[0] : f32 from vector<1xf32>
          %slice3A_640 = vector.extract_strided_slice %while3A_296 {offsets = [0], sizes = [1], strides = [1]} : vector<16xf32> to vector<1xf32>
          %squeeze3A_641 = vector.extract %slice3A_640[0] : f32 from vector<1xf32>
          %get3A_642 = arith.constant 512 : index
          %get3A_643 = tpu.vector_load %arg6[%get3A_642] {strides = array<i32>} : memref<1024xf32, #tpu.memory_space<vmem>>, vector<16xf32>,
          %get3A_644 = vector.shape_cast %get3A_643 : vector<16xf32> to vector<16xf32>
          %get3A_645 = arith.constant 528 : index
          %get3A_646 = tpu.vector_load %arg6[%get3A_645] {strides = array<i32>} : memref<1024xf32, #tpu.memory_space<vmem>>, vector<16xf32>,
          %get3A_647 = vector.shape_cast %get3A_646 : vector<16xf32> to vector<16xf32>
          %add3A_648 = vector.broadcast %squeeze3A_639 : f32 to vector<16xf32>
          %add3A_649 = arith.addf %add3A_648, %get3A_644 : vector<16xf32>
          %add3A_650 = vector.broadcast %squeeze3A_641 : f32 to vector<16xf32>
          %add3A_651 = arith.addf %add3A_649, %add3A_650 : vector<16xf32>
          %max3A_652 = arith.maximumf %max3A_632, %add3A_651 : vector<16xf32>
          %add3A_653 = vector.broadcast %squeeze3A_639 : f32 to vector<16xf32>
          %add3A_654 = arith.addf %add3A_653, %get3A_647 : vector<16xf32>
          %add3A_655 = vector.broadcast %squeeze3A_641 : f32 to vector<16xf32>
          %add3A_656 = arith.addf %add3A_654, %add3A_655 : vector<16xf32>
          %max3A_657 = arith.maximumf %max3A_637, %add3A_656 : vector<16xf32>
          %slice3A_658 = vector.extract_strided_slice %get3A_315 {offsets = [1], sizes = [1], strides = [1]} : vector<16xf32> to vector<1xf32>
          %squeeze3A_659 = vector.extract %slice3A_658[0] : f32 from vector<1xf32>
          %slice3A_660 = vector.extract_strided_slice %while3A_296 {offsets = [1], sizes = [1], strides = [1]} : vector<16xf32> to vector<1xf32>
          %squeeze3A_661 = vector.extract %slice3A_660[0] : f32 from vector<1xf32>
          %get3A_662 = arith.constant 544 : index
          %get3A_663 = tpu.vector_load %arg6[%get3A_662] {strides = array<i32>} : memref<1024xf32, #tpu.memory_space<vmem>>, vector<16xf32>,
          %get3A_664 = vector.shape_cast %get3A_663 : vector<16xf32> to vector<16xf32>
          %get3A_665 = arith.constant 560 : index
          %get3A_666 = tpu.vector_load %arg6[%get3A_665] {strides = array<i32>} : memref<1024xf32, #tpu.memory_space<vmem>>, vector<16xf32>,
          %get3A_667 = vector.shape_cast %get3A_666 : vector<16xf32> to vector<16xf32>
          %add3A_668 = vector.broadcast %squeeze3A_659 : f32 to vector<16xf32>
          %add3A_669 = arith.addf %add3A_668, %get3A_664 : vector<16xf32>
          %add3A_670 = vector.broadcast %squeeze3A_661 : f32 to vector<16xf32>
          %add3A_671 = arith.addf %add3A_669, %add3A_670 : vector<16xf32>
          %max3A_672 = arith.maximumf %max3A_652, %add3A_671 : vector<16xf32>
          %add3A_673 = vector.broadcast %squeeze3A_659 : f32 to vector<16xf32>
          %add3A_674 = arith.addf %add3A_673, %get3A_667 : vector<16xf32>
          %add3A_675 = vector.broadcast %squeeze3A_661 : f32 to vector<16xf32>
          %add3A_676 = arith.addf %add3A_674, %add3A_675 : vector<16xf32>
          %max3A_677 = arith.maximumf %max3A_657, %add3A_676 : vector<16xf32>
          %slice3A_678 = vector.extract_strided_slice %get3A_315 {offsets = [2], sizes = [1], strides = [1]} : vector<16xf32> to vector<1xf32>
          %squeeze3A_679 = vector.extract %slice3A_678[0] : f32 from vector<1xf32>
          %slice3A_680 = vector.extract_strided_slice %while3A_296 {offsets = [2], sizes = [1], strides = [1]} : vector<16xf32> to vector<1xf32>
          %squeeze3A_681 = vector.extract %slice3A_680[0] : f32 from vector<1xf32>
          %get3A_682 = arith.constant 576 : index
          %get3A_683 = tpu.vector_load %arg6[%get3A_682] {strides = array<i32>} : memref<1024xf32, #tpu.memory_space<vmem>>, vector<16xf32>,
          %get3A_684 = vector.shape_cast %get3A_683 : vector<16xf32> to vector<16xf32>
          %get3A_685 = arith.constant 592 : index
          %get3A_686 = tpu.vector_load %arg6[%get3A_685] {strides = array<i32>} : memref<1024xf32, #tpu.memory_space<vmem>>, vector<16xf32>,
          %get3A_687 = vector.shape_cast %get3A_686 : vector<16xf32> to vector<16xf32>
          %add3A_688 = vector.broadcast %squeeze3A_679 : f32 to vector<16xf32>
          %add3A_689 = arith.addf %add3A_688, %get3A_684 : vector<16xf32>
          %add3A_690 = vector.broadcast %squeeze3A_681 : f32 to vector<16xf32>
          %add3A_691 = arith.addf %add3A_689, %add3A_690 : vector<16xf32>
          %max3A_692 = arith.maximumf %max3A_672, %add3A_691 : vector<16xf32>
          %add3A_693 = vector.broadcast %squeeze3A_679 : f32 to vector<16xf32>
          %add3A_694 = arith.addf %add3A_693, %get3A_687 : vector<16xf32>
          %add3A_695 = vector.broadcast %squeeze3A_681 : f32 to vector<16xf32>
          %add3A_696 = arith.addf %add3A_694, %add3A_695 : vector<16xf32>
          %max3A_697 = arith.maximumf %max3A_677, %add3A_696 : vector<16xf32>
          %slice3A_698 = vector.extract_strided_slice %get3A_315 {offsets = [3], sizes = [1], strides = [1]} : vector<16xf32> to vector<1xf32>
          %squeeze3A_699 = vector.extract %slice3A_698[0] : f32 from vector<1xf32>
          %slice3A_700 = vector.extract_strided_slice %while3A_296 {offsets = [3], sizes = [1], strides = [1]} : vector<16xf32> to vector<1xf32>
          %squeeze3A_701 = vector.extract %slice3A_700[0] : f32 from vector<1xf32>
          %get3A_702 = arith.constant 608 : index
          %get3A_703 = tpu.vector_load %arg6[%get3A_702] {strides = array<i32>} : memref<1024xf32, #tpu.memory_space<vmem>>, vector<16xf32>,
          %get3A_704 = vector.shape_cast %get3A_703 : vector<16xf32> to vector<16xf32>
          %get3A_705 = arith.constant 624 : index
          %get3A_706 = tpu.vector_load %arg6[%get3A_705] {strides = array<i32>} : memref<1024xf32, #tpu.memory_space<vmem>>, vector<16xf32>,
          %get3A_707 = vector.shape_cast %get3A_706 : vector<16xf32> to vector<16xf32>
          %add3A_708 = vector.broadcast %squeeze3A_699 : f32 to vector<16xf32>
          %add3A_709 = arith.addf %add3A_708, %get3A_704 : vector<16xf32>
          %add3A_710 = vector.broadcast %squeeze3A_701 : f32 to vector<16xf32>
          %add3A_711 = arith.addf %add3A_709, %add3A_710 : vector<16xf32>
          %max3A_712 = arith.maximumf %max3A_692, %add3A_711 : vector<16xf32>
          %add3A_713 = vector.broadcast %squeeze3A_699 : f32 to vector<16xf32>
          %add3A_714 = arith.addf %add3A_713, %get3A_707 : vector<16xf32>
          %add3A_715 = vector.broadcast %squeeze3A_701 : f32 to vector<16xf32>
          %add3A_716 = arith.addf %add3A_714, %add3A_715 : vector<16xf32>
          %max3A_717 = arith.maximumf %max3A_697, %add3A_716 : vector<16xf32>
          %slice3A_718 = vector.extract_strided_slice %get3A_315 {offsets = [4], sizes = [1], strides = [1]} : vector<16xf32> to vector<1xf32>
          %squeeze3A_719 = vector.extract %slice3A_718[0] : f32 from vector<1xf32>
          %slice3A_720 = vector.extract_strided_slice %while3A_296 {offsets = [4], sizes = [1], strides = [1]} : vector<16xf32> to vector<1xf32>
          %squeeze3A_721 = vector.extract %slice3A_720[0] : f32 from vector<1xf32>
          %get3A_722 = arith.constant 640 : index
          %get3A_723 = tpu.vector_load %arg6[%get3A_722] {strides = array<i32>} : memref<1024xf32, #tpu.memory_space<vmem>>, vector<16xf32>,
          %get3A_724 = vector.shape_cast %get3A_723 : vector<16xf32> to vector<16xf32>
          %get3A_725 = arith.constant 656 : index
          %get3A_726 = tpu.vector_load %arg6[%get3A_725] {strides = array<i32>} : memref<1024xf32, #tpu.memory_space<vmem>>, vector<16xf32>,
          %get3A_727 = vector.shape_cast %get3A_726 : vector<16xf32> to vector<16xf32>
          %add3A_728 = vector.broadcast %squeeze3A_719 : f32 to vector<16xf32>
          %add3A_729 = arith.addf %add3A_728, %get3A_724 : vector<16xf32>
          %add3A_730 = vector.broadcast %squeeze3A_721 : f32 to vector<16xf32>
          %add3A_731 = arith.addf %add3A_729, %add3A_730 : vector<16xf32>
          %max3A_732 = arith.maximumf %max3A_712, %add3A_731 : vector<16xf32>
          %add3A_733 = vector.broadcast %squeeze3A_719 : f32 to vector<16xf32>
          %add3A_734 = arith.addf %add3A_733, %get3A_727 : vector<16xf32>
          %add3A_735 = vector.broadcast %squeeze3A_721 : f32 to vector<16xf32>
          %add3A_736 = arith.addf %add3A_734, %add3A_735 : vector<16xf32>
          %max3A_737 = arith.maximumf %max3A_717, %add3A_736 : vector<16xf32>
          %slice3A_738 = vector.extract_strided_slice %get3A_315 {offsets = [5], sizes = [1], strides = [1]} : vector<16xf32> to vector<1xf32>
          %squeeze3A_739 = vector.extract %slice3A_738[0] : f32 from vector<1xf32>
          %slice3A_740 = vector.extract_strided_slice %while3A_296 {offsets = [5], sizes = [1], strides = [1]} : vector<16xf32> to vector<1xf32>
          %squeeze3A_741 = vector.extract %slice3A_740[0] : f32 from vector<1xf32>
          %get3A_742 = arith.constant 672 : index
          %get3A_743 = tpu.vector_load %arg6[%get3A_742] {strides = array<i32>} : memref<1024xf32, #tpu.memory_space<vmem>>, vector<16xf32>,
          %get3A_744 = vector.shape_cast %get3A_743 : vector<16xf32> to vector<16xf32>
          %get3A_745 = arith.constant 688 : index
          %get3A_746 = tpu.vector_load %arg6[%get3A_745] {strides = array<i32>} : memref<1024xf32, #tpu.memory_space<vmem>>, vector<16xf32>,
          %get3A_747 = vector.shape_cast %get3A_746 : vector<16xf32> to vector<16xf32>
          %add3A_748 = vector.broadcast %squeeze3A_739 : f32 to vector<16xf32>
          %add3A_749 = arith.addf %add3A_748, %get3A_744 : vector<16xf32>
          %add3A_750 = vector.broadcast %squeeze3A_741 : f32 to vector<16xf32>
          %add3A_751 = arith.addf %add3A_749, %add3A_750 : vector<16xf32>
          %max3A_752 = arith.maximumf %max3A_732, %add3A_751 : vector<16xf32>
          %add3A_753 = vector.broadcast %squeeze3A_739 : f32 to vector<16xf32>
          %add3A_754 = arith.addf %add3A_753, %get3A_747 : vector<16xf32>
          %add3A_755 = vector.broadcast %squeeze3A_741 : f32 to vector<16xf32>
          %add3A_756 = arith.addf %add3A_754, %add3A_755 : vector<16xf32>
          %max3A_757 = arith.maximumf %max3A_737, %add3A_756 : vector<16xf32>
          %slice3A_758 = vector.extract_strided_slice %get3A_315 {offsets = [6], sizes = [1], strides = [1]} : vector<16xf32> to vector<1xf32>
          %squeeze3A_759 = vector.extract %slice3A_758[0] : f32 from vector<1xf32>
          %slice3A_760 = vector.extract_strided_slice %while3A_296 {offsets = [6], sizes = [1], strides = [1]} : vector<16xf32> to vector<1xf32>
          %squeeze3A_761 = vector.extract %slice3A_760[0] : f32 from vector<1xf32>
          %get3A_762 = arith.constant 704 : index
          %get3A_763 = tpu.vector_load %arg6[%get3A_762] {strides = array<i32>} : memref<1024xf32, #tpu.memory_space<vmem>>, vector<16xf32>,
          %get3A_764 = vector.shape_cast %get3A_763 : vector<16xf32> to vector<16xf32>
          %get3A_765 = arith.constant 720 : index
          %get3A_766 = tpu.vector_load %arg6[%get3A_765] {strides = array<i32>} : memref<1024xf32, #tpu.memory_space<vmem>>, vector<16xf32>,
          %get3A_767 = vector.shape_cast %get3A_766 : vector<16xf32> to vector<16xf32>
          %add3A_768 = vector.broadcast %squeeze3A_759 : f32 to vector<16xf32>
          %add3A_769 = arith.addf %add3A_768, %get3A_764 : vector<16xf32>
          %add3A_770 = vector.broadcast %squeeze3A_761 : f32 to vector<16xf32>
          %add3A_771 = arith.addf %add3A_769, %add3A_770 : vector<16xf32>
          %max3A_772 = arith.maximumf %max3A_752, %add3A_771 : vector<16xf32>
          %add3A_773 = vector.broadcast %squeeze3A_759 : f32 to vector<16xf32>
          %add3A_774 = arith.addf %add3A_773, %get3A_767 : vector<16xf32>
          %add3A_775 = vector.broadcast %squeeze3A_761 : f32 to vector<16xf32>
          %add3A_776 = arith.addf %add3A_774, %add3A_775 : vector<16xf32>
          %max3A_777 = arith.maximumf %max3A_757, %add3A_776 : vector<16xf32>
          %slice3A_778 = vector.extract_strided_slice %get3A_315 {offsets = [7], sizes = [1], strides = [1]} : vector<16xf32> to vector<1xf32>
          %squeeze3A_779 = vector.extract %slice3A_778[0] : f32 from vector<1xf32>
          %slice3A_780 = vector.extract_strided_slice %while3A_296 {offsets = [7], sizes = [1], strides = [1]} : vector<16xf32> to vector<1xf32>
          %squeeze3A_781 = vector.extract %slice3A_780[0] : f32 from vector<1xf32>
          %get3A_782 = arith.constant 736 : index
          %get3A_783 = tpu.vector_load %arg6[%get3A_782] {strides = array<i32>} : memref<1024xf32, #tpu.memory_space<vmem>>, vector<16xf32>,
          %get3A_784 = vector.shape_cast %get3A_783 : vector<16xf32> to vector<16xf32>
          %get3A_785 = arith.constant 752 : index
          %get3A_786 = tpu.vector_load %arg6[%get3A_785] {strides = array<i32>} : memref<1024xf32, #tpu.memory_space<vmem>>, vector<16xf32>,
          %get3A_787 = vector.shape_cast %get3A_786 : vector<16xf32> to vector<16xf32>
          %add3A_788 = vector.broadcast %squeeze3A_779 : f32 to vector<16xf32>
          %add3A_789 = arith.addf %add3A_788, %get3A_784 : vector<16xf32>
          %add3A_790 = vector.broadcast %squeeze3A_781 : f32 to vector<16xf32>
          %add3A_791 = arith.addf %add3A_789, %add3A_790 : vector<16xf32>
          %max3A_792 = arith.maximumf %max3A_772, %add3A_791 : vector<16xf32>
          %add3A_793 = vector.broadcast %squeeze3A_779 : f32 to vector<16xf32>
          %add3A_794 = arith.addf %add3A_793, %get3A_787 : vector<16xf32>
          %add3A_795 = vector.broadcast %squeeze3A_781 : f32 to vector<16xf32>
          %add3A_796 = arith.addf %add3A_794, %add3A_795 : vector<16xf32>
          %max3A_797 = arith.maximumf %max3A_777, %add3A_796 : vector<16xf32>
          %slice3A_798 = vector.extract_strided_slice %get3A_315 {offsets = [8], sizes = [1], strides = [1]} : vector<16xf32> to vector<1xf32>
          %squeeze3A_799 = vector.extract %slice3A_798[0] : f32 from vector<1xf32>
          %slice3A_800 = vector.extract_strided_slice %while3A_296 {offsets = [8], sizes = [1], strides = [1]} : vector<16xf32> to vector<1xf32>
          %squeeze3A_801 = vector.extract %slice3A_800[0] : f32 from vector<1xf32>
          %get3A_802 = arith.constant 768 : index
          %get3A_803 = tpu.vector_load %arg6[%get3A_802] {strides = array<i32>} : memref<1024xf32, #tpu.memory_space<vmem>>, vector<16xf32>,
          %get3A_804 = vector.shape_cast %get3A_803 : vector<16xf32> to vector<16xf32>
          %get3A_805 = arith.constant 784 : index
          %get3A_806 = tpu.vector_load %arg6[%get3A_805] {strides = array<i32>} : memref<1024xf32, #tpu.memory_space<vmem>>, vector<16xf32>,
          %get3A_807 = vector.shape_cast %get3A_806 : vector<16xf32> to vector<16xf32>
          %add3A_808 = vector.broadcast %squeeze3A_799 : f32 to vector<16xf32>
          %add3A_809 = arith.addf %add3A_808, %get3A_804 : vector<16xf32>
          %add3A_810 = vector.broadcast %squeeze3A_801 : f32 to vector<16xf32>
          %add3A_811 = arith.addf %add3A_809, %add3A_810 : vector<16xf32>
          %max3A_812 = arith.maximumf %max3A_792, %add3A_811 : vector<16xf32>
          %add3A_813 = vector.broadcast %squeeze3A_799 : f32 to vector<16xf32>
          %add3A_814 = arith.addf %add3A_813, %get3A_807 : vector<16xf32>
          %add3A_815 = vector.broadcast %squeeze3A_801 : f32 to vector<16xf32>
          %add3A_816 = arith.addf %add3A_814, %add3A_815 : vector<16xf32>
          %max3A_817 = arith.maximumf %max3A_797, %add3A_816 : vector<16xf32>
          %slice3A_818 = vector.extract_strided_slice %get3A_315 {offsets = [9], sizes = [1], strides = [1]} : vector<16xf32> to vector<1xf32>
          %squeeze3A_819 = vector.extract %slice3A_818[0] : f32 from vector<1xf32>
          %slice3A_820 = vector.extract_strided_slice %while3A_296 {offsets = [9], sizes = [1], strides = [1]} : vector<16xf32> to vector<1xf32>
          %squeeze3A_821 = vector.extract %slice3A_820[0] : f32 from vector<1xf32>
          %get3A_822 = arith.constant 800 : index
          %get3A_823 = tpu.vector_load %arg6[%get3A_822] {strides = array<i32>} : memref<1024xf32, #tpu.memory_space<vmem>>, vector<16xf32>,
          %get3A_824 = vector.shape_cast %get3A_823 : vector<16xf32> to vector<16xf32>
          %get3A_825 = arith.constant 816 : index
          %get3A_826 = tpu.vector_load %arg6[%get3A_825] {strides = array<i32>} : memref<1024xf32, #tpu.memory_space<vmem>>, vector<16xf32>,
          %get3A_827 = vector.shape_cast %get3A_826 : vector<16xf32> to vector<16xf32>
          %add3A_828 = vector.broadcast %squeeze3A_819 : f32 to vector<16xf32>
          %add3A_829 = arith.addf %add3A_828, %get3A_824 : vector<16xf32>
          %add3A_830 = vector.broadcast %squeeze3A_821 : f32 to vector<16xf32>
          %add3A_831 = arith.addf %add3A_829, %add3A_830 : vector<16xf32>
          %max3A_832 = arith.maximumf %max3A_812, %add3A_831 : vector<16xf32>
          %add3A_833 = vector.broadcast %squeeze3A_819 : f32 to vector<16xf32>
          %add3A_834 = arith.addf %add3A_833, %get3A_827 : vector<16xf32>
          %add3A_835 = vector.broadcast %squeeze3A_821 : f32 to vector<16xf32>
          %add3A_836 = arith.addf %add3A_834, %add3A_835 : vector<16xf32>
          %max3A_837 = arith.maximumf %max3A_817, %add3A_836 : vector<16xf32>
          %mul3A_838 = arith.constant 32 : i32
          %mul3A_839 = arith.muli %add3A_299, %mul3A_838 : i32
          %swap3A_840 = arith.index_cast %mul3A_839 : i32 to index
          %swap3A_841 = tpu.vector_load %arg7[%swap3A_840] {strides = array<i32>} : memref<16896xf32, #tpu.memory_space<vmem>>, vector<16xf32>,
          %swap3A_842 = vector.shape_cast %swap3A_841 : vector<16xf32> to vector<16xf32>
          %swap3A_843 = vector.shape_cast %max3A_832 : vector<16xf32> to vector<16xf32>
          tpu.vector_store %arg7[%swap3A_840], %swap3A_843 {strides = array<i32>} : memref<16896xf32, #tpu.memory_space<vmem>>, vector<16xf32>,
          %mul3A_844 = arith.constant 32 : i32
          %mul3A_845 = arith.muli %add3A_299, %mul3A_844 : i32
          %add3A_846 = arith.constant 16 : i32
          %add3A_847 = arith.addi %mul3A_845, %add3A_846 : i32
          %swap3A_848 = arith.index_cast %add3A_847 : i32 to index
          %swap3A_849 = tpu.vector_load %arg7[%swap3A_848] {strides = array<i32>} : memref<16896xf32, #tpu.memory_space<vmem>>, vector<16xf32>,
          %swap3A_850 = vector.shape_cast %swap3A_849 : vector<16xf32> to vector<16xf32>
          %swap3A_851 = vector.shape_cast %max3A_837 : vector<16xf32> to vector<16xf32>
          tpu.vector_store %arg7[%swap3A_848], %swap3A_851 {strides = array<i32>} : memref<16896xf32, #tpu.memory_space<vmem>>, vector<16xf32>,
          scf.yield %max3A_832, %max3A_837 : vector<16xf32>, vector<16xf32>
        }
        %while3A_286 = arith.constant 1 : i32
        %while3A_287:2 = scf.for %while3A_294 = %while3A_283 to %while3A_279 step %while3A_286 iter_args(%while3A_295 = %while3A_285#0, %while3A_296 = %while3A_285#1) -> (vector<16xf32>, vector<16xf32>)  : i32 {
          %add3A_297 = arith.addi %mul3A_273, %while3A_294 : i32
          %add3A_298 = arith.constant 1 : i32
          %add3A_299 = arith.addi %add3A_297, %add3A_298 : i32
          %sub3A_300 = arith.constant 1 : i32
          %sub3A_301 = arith.subi %add3A_299, %sub3A_300 : i32
          %mul3A_302 = arith.constant 32 : i32
          %mul3A_303 = arith.muli %sub3A_301, %mul3A_302 : i32
          %get3A_304 = arith.index_cast %mul3A_303 : i32 to index
          %get3A_305 = tpu.vector_load %arg5[%get3A_304] {strides = array<i32>} : memref<16896xf32, #tpu.memory_space<vmem>>, vector<16xf32>,
          %get3A_306 = vector.shape_cast %get3A_305 : vector<16xf32> to vector<16xf32>
          %sub3A_307 = arith.constant 1 : i32
          %sub3A_308 = arith.subi %add3A_299, %sub3A_307 : i32
          %mul3A_309 = arith.constant 32 : i32
          %mul3A_310 = arith.muli %sub3A_308, %mul3A_309 : i32
          %add3A_311 = arith.constant 16 : i32
          %add3A_312 = arith.addi %mul3A_310, %add3A_311 : i32
          %get3A_313 = arith.index_cast %add3A_312 : i32 to index
          %get3A_314 = tpu.vector_load %arg5[%get3A_313] {strides = array<i32>} : memref<16896xf32, #tpu.memory_space<vmem>>, vector<16xf32>,
          %get3A_315 = vector.shape_cast %get3A_314 : vector<16xf32> to vector<16xf32>
          %broadcast_in_dim3A_316 = arith.constant -1.000000e+30 : f32
          %broadcast_in_dim3A_317 = vector.broadcast %broadcast_in_dim3A_316 : f32 to vector<16xf32>
          %broadcast_in_dim3A_318 = arith.constant -1.000000e+30 : f32
          %broadcast_in_dim3A_319 = vector.broadcast %broadcast_in_dim3A_318 : f32 to vector<16xf32>
          %slice3A = vector.extract_strided_slice %get3A_306 {offsets = [0], sizes = [1], strides = [1]} : vector<16xf32> to vector<1xf32>
          %squeeze3A = vector.extract %slice3A[0] : f32 from vector<1xf32>
          %slice3A_320 = vector.extract_strided_slice %while3A_295 {offsets = [0], sizes = [1], strides = [1]} : vector<16xf32> to vector<1xf32>
          %squeeze3A_321 = vector.extract %slice3A_320[0] : f32 from vector<1xf32>
          %get3A_322 = arith.constant 0 : index
          %get3A_323 = tpu.vector_load %arg6[%get3A_322] {strides = array<i32>} : memref<1024xf32, #tpu.memory_space<vmem>>, vector<16xf32>,
          %get3A_324 = vector.shape_cast %get3A_323 : vector<16xf32> to vector<16xf32>
          %get3A_325 = arith.constant 16 : index
          %get3A_326 = tpu.vector_load %arg6[%get3A_325] {strides = array<i32>} : memref<1024xf32, #tpu.memory_space<vmem>>, vector<16xf32>,
          %get3A_327 = vector.shape_cast %get3A_326 : vector<16xf32> to vector<16xf32>
          %add3A_328 = vector.broadcast %squeeze3A : f32 to vector<16xf32>
          %add3A_329 = arith.addf %add3A_328, %get3A_324 : vector<16xf32>
          %add3A_330 = vector.broadcast %squeeze3A_321 : f32 to vector<16xf32>
          %add3A_331 = arith.addf %add3A_329, %add3A_330 : vector<16xf32>
          %max3A_332 = arith.maximumf %broadcast_in_dim3A_317, %add3A_331 : vector<16xf32>
          %add3A_333 = vector.broadcast %squeeze3A : f32 to vector<16xf32>
          %add3A_334 = arith.addf %add3A_333, %get3A_327 : vector<16xf32>
          %add3A_335 = vector.broadcast %squeeze3A_321 : f32 to vector<16xf32>
          %add3A_336 = arith.addf %add3A_334, %add3A_335 : vector<16xf32>
          %max3A_337 = arith.maximumf %broadcast_in_dim3A_319, %add3A_336 : vector<16xf32>
          %slice3A_338 = vector.extract_strided_slice %get3A_306 {offsets = [1], sizes = [1], strides = [1]} : vector<16xf32> to vector<1xf32>
          %squeeze3A_339 = vector.extract %slice3A_338[0] : f32 from vector<1xf32>
          %slice3A_340 = vector.extract_strided_slice %while3A_295 {offsets = [1], sizes = [1], strides = [1]} : vector<16xf32> to vector<1xf32>
          %squeeze3A_341 = vector.extract %slice3A_340[0] : f32 from vector<1xf32>
          %get3A_342 = arith.constant 32 : index
          %get3A_343 = tpu.vector_load %arg6[%get3A_342] {strides = array<i32>} : memref<1024xf32, #tpu.memory_space<vmem>>, vector<16xf32>,
          %get3A_344 = vector.shape_cast %get3A_343 : vector<16xf32> to vector<16xf32>
          %get3A_345 = arith.constant 48 : index
          %get3A_346 = tpu.vector_load %arg6[%get3A_345] {strides = array<i32>} : memref<1024xf32, #tpu.memory_space<vmem>>, vector<16xf32>,
          %get3A_347 = vector.shape_cast %get3A_346 : vector<16xf32> to vector<16xf32>
          %add3A_348 = vector.broadcast %squeeze3A_339 : f32 to vector<16xf32>
          %add3A_349 = arith.addf %add3A_348, %get3A_344 : vector<16xf32>
          %add3A_350 = vector.broadcast %squeeze3A_341 : f32 to vector<16xf32>
          %add3A_351 = arith.addf %add3A_349, %add3A_350 : vector<16xf32>
          %max3A_352 = arith.maximumf %max3A_332, %add3A_351 : vector<16xf32>
          %add3A_353 = vector.broadcast %squeeze3A_339 : f32 to vector<16xf32>
          %add3A_354 = arith.addf %add3A_353, %get3A_347 : vector<16xf32>
          %add3A_355 = vector.broadcast %squeeze3A_341 : f32 to vector<16xf32>
          %add3A_356 = arith.addf %add3A_354, %add3A_355 : vector<16xf32>
          %max3A_357 = arith.maximumf %max3A_337, %add3A_356 : vector<16xf32>
          %slice3A_358 = vector.extract_strided_slice %get3A_306 {offsets = [2], sizes = [1], strides = [1]} : vector<16xf32> to vector<1xf32>
          %squeeze3A_359 = vector.extract %slice3A_358[0] : f32 from vector<1xf32>
          %slice3A_360 = vector.extract_strided_slice %while3A_295 {offsets = [2], sizes = [1], strides = [1]} : vector<16xf32> to vector<1xf32>
          %squeeze3A_361 = vector.extract %slice3A_360[0] : f32 from vector<1xf32>
          %get3A_362 = arith.constant 64 : index
          %get3A_363 = tpu.vector_load %arg6[%get3A_362] {strides = array<i32>} : memref<1024xf32, #tpu.memory_space<vmem>>, vector<16xf32>,
          %get3A_364 = vector.shape_cast %get3A_363 : vector<16xf32> to vector<16xf32>
          %get3A_365 = arith.constant 80 : index
          %get3A_366 = tpu.vector_load %arg6[%get3A_365] {strides = array<i32>} : memref<1024xf32, #tpu.memory_space<vmem>>, vector<16xf32>,
          %get3A_367 = vector.shape_cast %get3A_366 : vector<16xf32> to vector<16xf32>
          %add3A_368 = vector.broadcast %squeeze3A_359 : f32 to vector<16xf32>
          %add3A_369 = arith.addf %add3A_368, %get3A_364 : vector<16xf32>
          %add3A_370 = vector.broadcast %squeeze3A_361 : f32 to vector<16xf32>
          %add3A_371 = arith.addf %add3A_369, %add3A_370 : vector<16xf32>
          %max3A_372 = arith.maximumf %max3A_352, %add3A_371 : vector<16xf32>
          %add3A_373 = vector.broadcast %squeeze3A_359 : f32 to vector<16xf32>
          %add3A_374 = arith.addf %add3A_373, %get3A_367 : vector<16xf32>
          %add3A_375 = vector.broadcast %squeeze3A_361 : f32 to vector<16xf32>
          %add3A_376 = arith.addf %add3A_374, %add3A_375 : vector<16xf32>
          %max3A_377 = arith.maximumf %max3A_357, %add3A_376 : vector<16xf32>
          %slice3A_378 = vector.extract_strided_slice %get3A_306 {offsets = [3], sizes = [1], strides = [1]} : vector<16xf32> to vector<1xf32>
          %squeeze3A_379 = vector.extract %slice3A_378[0] : f32 from vector<1xf32>
          %slice3A_380 = vector.extract_strided_slice %while3A_295 {offsets = [3], sizes = [1], strides = [1]} : vector<16xf32> to vector<1xf32>
          %squeeze3A_381 = vector.extract %slice3A_380[0] : f32 from vector<1xf32>
          %get3A_382 = arith.constant 96 : index
          %get3A_383 = tpu.vector_load %arg6[%get3A_382] {strides = array<i32>} : memref<1024xf32, #tpu.memory_space<vmem>>, vector<16xf32>,
          %get3A_384 = vector.shape_cast %get3A_383 : vector<16xf32> to vector<16xf32>
          %get3A_385 = arith.constant 112 : index
          %get3A_386 = tpu.vector_load %arg6[%get3A_385] {strides = array<i32>} : memref<1024xf32, #tpu.memory_space<vmem>>, vector<16xf32>,
          %get3A_387 = vector.shape_cast %get3A_386 : vector<16xf32> to vector<16xf32>
          %add3A_388 = vector.broadcast %squeeze3A_379 : f32 to vector<16xf32>
          %add3A_389 = arith.addf %add3A_388, %get3A_384 : vector<16xf32>
          %add3A_390 = vector.broadcast %squeeze3A_381 : f32 to vector<16xf32>
          %add3A_391 = arith.addf %add3A_389, %add3A_390 : vector<16xf32>
          %max3A_392 = arith.maximumf %max3A_372, %add3A_391 : vector<16xf32>
          %add3A_393 = vector.broadcast %squeeze3A_379 : f32 to vector<16xf32>
          %add3A_394 = arith.addf %add3A_393, %get3A_387 : vector<16xf32>
          %add3A_395 = vector.broadcast %squeeze3A_381 : f32 to vector<16xf32>
          %add3A_396 = arith.addf %add3A_394, %add3A_395 : vector<16xf32>
          %max3A_397 = arith.maximumf %max3A_377, %add3A_396 : vector<16xf32>
          %slice3A_398 = vector.extract_strided_slice %get3A_306 {offsets = [4], sizes = [1], strides = [1]} : vector<16xf32> to vector<1xf32>
          %squeeze3A_399 = vector.extract %slice3A_398[0] : f32 from vector<1xf32>
          %slice3A_400 = vector.extract_strided_slice %while3A_295 {offsets = [4], sizes = [1], strides = [1]} : vector<16xf32> to vector<1xf32>
          %squeeze3A_401 = vector.extract %slice3A_400[0] : f32 from vector<1xf32>
          %get3A_402 = arith.constant 128 : index
          %get3A_403 = tpu.vector_load %arg6[%get3A_402] {strides = array<i32>} : memref<1024xf32, #tpu.memory_space<vmem>>, vector<16xf32>,
          %get3A_404 = vector.shape_cast %get3A_403 : vector<16xf32> to vector<16xf32>
          %get3A_405 = arith.constant 144 : index
          %get3A_406 = tpu.vector_load %arg6[%get3A_405] {strides = array<i32>} : memref<1024xf32, #tpu.memory_space<vmem>>, vector<16xf32>,
          %get3A_407 = vector.shape_cast %get3A_406 : vector<16xf32> to vector<16xf32>
          %add3A_408 = vector.broadcast %squeeze3A_399 : f32 to vector<16xf32>
          %add3A_409 = arith.addf %add3A_408, %get3A_404 : vector<16xf32>
          %add3A_410 = vector.broadcast %squeeze3A_401 : f32 to vector<16xf32>
          %add3A_411 = arith.addf %add3A_409, %add3A_410 : vector<16xf32>
          %max3A_412 = arith.maximumf %max3A_392, %add3A_411 : vector<16xf32>
          %add3A_413 = vector.broadcast %squeeze3A_399 : f32 to vector<16xf32>
          %add3A_414 = arith.addf %add3A_413, %get3A_407 : vector<16xf32>
          %add3A_415 = vector.broadcast %squeeze3A_401 : f32 to vector<16xf32>
          %add3A_416 = arith.addf %add3A_414, %add3A_415 : vector<16xf32>
          %max3A_417 = arith.maximumf %max3A_397, %add3A_416 : vector<16xf32>
          %slice3A_418 = vector.extract_strided_slice %get3A_306 {offsets = [5], sizes = [1], strides = [1]} : vector<16xf32> to vector<1xf32>
          %squeeze3A_419 = vector.extract %slice3A_418[0] : f32 from vector<1xf32>
          %slice3A_420 = vector.extract_strided_slice %while3A_295 {offsets = [5], sizes = [1], strides = [1]} : vector<16xf32> to vector<1xf32>
          %squeeze3A_421 = vector.extract %slice3A_420[0] : f32 from vector<1xf32>
          %get3A_422 = arith.constant 160 : index
          %get3A_423 = tpu.vector_load %arg6[%get3A_422] {strides = array<i32>} : memref<1024xf32, #tpu.memory_space<vmem>>, vector<16xf32>,
          %get3A_424 = vector.shape_cast %get3A_423 : vector<16xf32> to vector<16xf32>
          %get3A_425 = arith.constant 176 : index
          %get3A_426 = tpu.vector_load %arg6[%get3A_425] {strides = array<i32>} : memref<1024xf32, #tpu.memory_space<vmem>>, vector<16xf32>,
          %get3A_427 = vector.shape_cast %get3A_426 : vector<16xf32> to vector<16xf32>
          %add3A_428 = vector.broadcast %squeeze3A_419 : f32 to vector<16xf32>
          %add3A_429 = arith.addf %add3A_428, %get3A_424 : vector<16xf32>
          %add3A_430 = vector.broadcast %squeeze3A_421 : f32 to vector<16xf32>
          %add3A_431 = arith.addf %add3A_429, %add3A_430 : vector<16xf32>
          %max3A_432 = arith.maximumf %max3A_412, %add3A_431 : vector<16xf32>
          %add3A_433 = vector.broadcast %squeeze3A_419 : f32 to vector<16xf32>
          %add3A_434 = arith.addf %add3A_433, %get3A_427 : vector<16xf32>
          %add3A_435 = vector.broadcast %squeeze3A_421 : f32 to vector<16xf32>
          %add3A_436 = arith.addf %add3A_434, %add3A_435 : vector<16xf32>
          %max3A_437 = arith.maximumf %max3A_417, %add3A_436 : vector<16xf32>
          %slice3A_438 = vector.extract_strided_slice %get3A_306 {offsets = [6], sizes = [1], strides = [1]} : vector<16xf32> to vector<1xf32>
          %squeeze3A_439 = vector.extract %slice3A_438[0] : f32 from vector<1xf32>
          %slice3A_440 = vector.extract_strided_slice %while3A_295 {offsets = [6], sizes = [1], strides = [1]} : vector<16xf32> to vector<1xf32>
          %squeeze3A_441 = vector.extract %slice3A_440[0] : f32 from vector<1xf32>
          %get3A_442 = arith.constant 192 : index
          %get3A_443 = tpu.vector_load %arg6[%get3A_442] {strides = array<i32>} : memref<1024xf32, #tpu.memory_space<vmem>>, vector<16xf32>,
          %get3A_444 = vector.shape_cast %get3A_443 : vector<16xf32> to vector<16xf32>
          %get3A_445 = arith.constant 208 : index
          %get3A_446 = tpu.vector_load %arg6[%get3A_445] {strides = array<i32>} : memref<1024xf32, #tpu.memory_space<vmem>>, vector<16xf32>,
          %get3A_447 = vector.shape_cast %get3A_446 : vector<16xf32> to vector<16xf32>
          %add3A_448 = vector.broadcast %squeeze3A_439 : f32 to vector<16xf32>
          %add3A_449 = arith.addf %add3A_448, %get3A_444 : vector<16xf32>
          %add3A_450 = vector.broadcast %squeeze3A_441 : f32 to vector<16xf32>
          %add3A_451 = arith.addf %add3A_449, %add3A_450 : vector<16xf32>
          %max3A_452 = arith.maximumf %max3A_432, %add3A_451 : vector<16xf32>
          %add3A_453 = vector.broadcast %squeeze3A_439 : f32 to vector<16xf32>
          %add3A_454 = arith.addf %add3A_453, %get3A_447 : vector<16xf32>
          %add3A_455 = vector.broadcast %squeeze3A_441 : f32 to vector<16xf32>
          %add3A_456 = arith.addf %add3A_454, %add3A_455 : vector<16xf32>
          %max3A_457 = arith.maximumf %max3A_437, %add3A_456 : vector<16xf32>
          %slice3A_458 = vector.extract_strided_slice %get3A_306 {offsets = [7], sizes = [1], strides = [1]} : vector<16xf32> to vector<1xf32>
          %squeeze3A_459 = vector.extract %slice3A_458[0] : f32 from vector<1xf32>
          %slice3A_460 = vector.extract_strided_slice %while3A_295 {offsets = [7], sizes = [1], strides = [1]} : vector<16xf32> to vector<1xf32>
          %squeeze3A_461 = vector.extract %slice3A_460[0] : f32 from vector<1xf32>
          %get3A_462 = arith.constant 224 : index
          %get3A_463 = tpu.vector_load %arg6[%get3A_462] {strides = array<i32>} : memref<1024xf32, #tpu.memory_space<vmem>>, vector<16xf32>,
          %get3A_464 = vector.shape_cast %get3A_463 : vector<16xf32> to vector<16xf32>
          %get3A_465 = arith.constant 240 : index
          %get3A_466 = tpu.vector_load %arg6[%get3A_465] {strides = array<i32>} : memref<1024xf32, #tpu.memory_space<vmem>>, vector<16xf32>,
          %get3A_467 = vector.shape_cast %get3A_466 : vector<16xf32> to vector<16xf32>
          %add3A_468 = vector.broadcast %squeeze3A_459 : f32 to vector<16xf32>
          %add3A_469 = arith.addf %add3A_468, %get3A_464 : vector<16xf32>
          %add3A_470 = vector.broadcast %squeeze3A_461 : f32 to vector<16xf32>
          %add3A_471 = arith.addf %add3A_469, %add3A_470 : vector<16xf32>
          %max3A_472 = arith.maximumf %max3A_452, %add3A_471 : vector<16xf32>
          %add3A_473 = vector.broadcast %squeeze3A_459 : f32 to vector<16xf32>
          %add3A_474 = arith.addf %add3A_473, %get3A_467 : vector<16xf32>
          %add3A_475 = vector.broadcast %squeeze3A_461 : f32 to vector<16xf32>
          %add3A_476 = arith.addf %add3A_474, %add3A_475 : vector<16xf32>
          %max3A_477 = arith.maximumf %max3A_457, %add3A_476 : vector<16xf32>
          %slice3A_478 = vector.extract_strided_slice %get3A_306 {offsets = [8], sizes = [1], strides = [1]} : vector<16xf32> to vector<1xf32>
          %squeeze3A_479 = vector.extract %slice3A_478[0] : f32 from vector<1xf32>
          %slice3A_480 = vector.extract_strided_slice %while3A_295 {offsets = [8], sizes = [1], strides = [1]} : vector<16xf32> to vector<1xf32>
          %squeeze3A_481 = vector.extract %slice3A_480[0] : f32 from vector<1xf32>
          %get3A_482 = arith.constant 256 : index
          %get3A_483 = tpu.vector_load %arg6[%get3A_482] {strides = array<i32>} : memref<1024xf32, #tpu.memory_space<vmem>>, vector<16xf32>,
          %get3A_484 = vector.shape_cast %get3A_483 : vector<16xf32> to vector<16xf32>
          %get3A_485 = arith.constant 272 : index
          %get3A_486 = tpu.vector_load %arg6[%get3A_485] {strides = array<i32>} : memref<1024xf32, #tpu.memory_space<vmem>>, vector<16xf32>,
          %get3A_487 = vector.shape_cast %get3A_486 : vector<16xf32> to vector<16xf32>
          %add3A_488 = vector.broadcast %squeeze3A_479 : f32 to vector<16xf32>
          %add3A_489 = arith.addf %add3A_488, %get3A_484 : vector<16xf32>
          %add3A_490 = vector.broadcast %squeeze3A_481 : f32 to vector<16xf32>
          %add3A_491 = arith.addf %add3A_489, %add3A_490 : vector<16xf32>
          %max3A_492 = arith.maximumf %max3A_472, %add3A_491 : vector<16xf32>
          %add3A_493 = vector.broadcast %squeeze3A_479 : f32 to vector<16xf32>
          %add3A_494 = arith.addf %add3A_493, %get3A_487 : vector<16xf32>
          %add3A_495 = vector.broadcast %squeeze3A_481 : f32 to vector<16xf32>
          %add3A_496 = arith.addf %add3A_494, %add3A_495 : vector<16xf32>
          %max3A_497 = arith.maximumf %max3A_477, %add3A_496 : vector<16xf32>
          %slice3A_498 = vector.extract_strided_slice %get3A_306 {offsets = [9], sizes = [1], strides = [1]} : vector<16xf32> to vector<1xf32>
          %squeeze3A_499 = vector.extract %slice3A_498[0] : f32 from vector<1xf32>
          %slice3A_500 = vector.extract_strided_slice %while3A_295 {offsets = [9], sizes = [1], strides = [1]} : vector<16xf32> to vector<1xf32>
          %squeeze3A_501 = vector.extract %slice3A_500[0] : f32 from vector<1xf32>
          %get3A_502 = arith.constant 288 : index
          %get3A_503 = tpu.vector_load %arg6[%get3A_502] {strides = array<i32>} : memref<1024xf32, #tpu.memory_space<vmem>>, vector<16xf32>,
          %get3A_504 = vector.shape_cast %get3A_503 : vector<16xf32> to vector<16xf32>
          %get3A_505 = arith.constant 304 : index
          %get3A_506 = tpu.vector_load %arg6[%get3A_505] {strides = array<i32>} : memref<1024xf32, #tpu.memory_space<vmem>>, vector<16xf32>,
          %get3A_507 = vector.shape_cast %get3A_506 : vector<16xf32> to vector<16xf32>
          %add3A_508 = vector.broadcast %squeeze3A_499 : f32 to vector<16xf32>
          %add3A_509 = arith.addf %add3A_508, %get3A_504 : vector<16xf32>
          %add3A_510 = vector.broadcast %squeeze3A_501 : f32 to vector<16xf32>
          %add3A_511 = arith.addf %add3A_509, %add3A_510 : vector<16xf32>
          %max3A_512 = arith.maximumf %max3A_492, %add3A_511 : vector<16xf32>
          %add3A_513 = vector.broadcast %squeeze3A_499 : f32 to vector<16xf32>
          %add3A_514 = arith.addf %add3A_513, %get3A_507 : vector<16xf32>
          %add3A_515 = vector.broadcast %squeeze3A_501 : f32 to vector<16xf32>
          %add3A_516 = arith.addf %add3A_514, %add3A_515 : vector<16xf32>
          %max3A_517 = arith.maximumf %max3A_497, %add3A_516 : vector<16xf32>
          %slice3A_518 = vector.extract_strided_slice %get3A_306 {offsets = [10], sizes = [1], strides = [1]} : vector<16xf32> to vector<1xf32>
          %squeeze3A_519 = vector.extract %slice3A_518[0] : f32 from vector<1xf32>
          %slice3A_520 = vector.extract_strided_slice %while3A_295 {offsets = [10], sizes = [1], strides = [1]} : vector<16xf32> to vector<1xf32>
          %squeeze3A_521 = vector.extract %slice3A_520[0] : f32 from vector<1xf32>
          %get3A_522 = arith.constant 320 : index
          %get3A_523 = tpu.vector_load %arg6[%get3A_522] {strides = array<i32>} : memref<1024xf32, #tpu.memory_space<vmem>>, vector<16xf32>,
          %get3A_524 = vector.shape_cast %get3A_523 : vector<16xf32> to vector<16xf32>
          %get3A_525 = arith.constant 336 : index
          %get3A_526 = tpu.vector_load %arg6[%get3A_525] {strides = array<i32>} : memref<1024xf32, #tpu.memory_space<vmem>>, vector<16xf32>,
          %get3A_527 = vector.shape_cast %get3A_526 : vector<16xf32> to vector<16xf32>
          %add3A_528 = vector.broadcast %squeeze3A_519 : f32 to vector<16xf32>
          %add3A_529 = arith.addf %add3A_528, %get3A_524 : vector<16xf32>
          %add3A_530 = vector.broadcast %squeeze3A_521 : f32 to vector<16xf32>
          %add3A_531 = arith.addf %add3A_529, %add3A_530 : vector<16xf32>
          %max3A_532 = arith.maximumf %max3A_512, %add3A_531 : vector<16xf32>
          %add3A_533 = vector.broadcast %squeeze3A_519 : f32 to vector<16xf32>
          %add3A_534 = arith.addf %add3A_533, %get3A_527 : vector<16xf32>
          %add3A_535 = vector.broadcast %squeeze3A_521 : f32 to vector<16xf32>
          %add3A_536 = arith.addf %add3A_534, %add3A_535 : vector<16xf32>
          %max3A_537 = arith.maximumf %max3A_517, %add3A_536 : vector<16xf32>
          %slice3A_538 = vector.extract_strided_slice %get3A_306 {offsets = [11], sizes = [1], strides = [1]} : vector<16xf32> to vector<1xf32>
          %squeeze3A_539 = vector.extract %slice3A_538[0] : f32 from vector<1xf32>
          %slice3A_540 = vector.extract_strided_slice %while3A_295 {offsets = [11], sizes = [1], strides = [1]} : vector<16xf32> to vector<1xf32>
          %squeeze3A_541 = vector.extract %slice3A_540[0] : f32 from vector<1xf32>
          %get3A_542 = arith.constant 352 : index
          %get3A_543 = tpu.vector_load %arg6[%get3A_542] {strides = array<i32>} : memref<1024xf32, #tpu.memory_space<vmem>>, vector<16xf32>,
          %get3A_544 = vector.shape_cast %get3A_543 : vector<16xf32> to vector<16xf32>
          %get3A_545 = arith.constant 368 : index
          %get3A_546 = tpu.vector_load %arg6[%get3A_545] {strides = array<i32>} : memref<1024xf32, #tpu.memory_space<vmem>>, vector<16xf32>,
          %get3A_547 = vector.shape_cast %get3A_546 : vector<16xf32> to vector<16xf32>
          %add3A_548 = vector.broadcast %squeeze3A_539 : f32 to vector<16xf32>
          %add3A_549 = arith.addf %add3A_548, %get3A_544 : vector<16xf32>
          %add3A_550 = vector.broadcast %squeeze3A_541 : f32 to vector<16xf32>
          %add3A_551 = arith.addf %add3A_549, %add3A_550 : vector<16xf32>
          %max3A_552 = arith.maximumf %max3A_532, %add3A_551 : vector<16xf32>
          %add3A_553 = vector.broadcast %squeeze3A_539 : f32 to vector<16xf32>
          %add3A_554 = arith.addf %add3A_553, %get3A_547 : vector<16xf32>
          %add3A_555 = vector.broadcast %squeeze3A_541 : f32 to vector<16xf32>
          %add3A_556 = arith.addf %add3A_554, %add3A_555 : vector<16xf32>
          %max3A_557 = arith.maximumf %max3A_537, %add3A_556 : vector<16xf32>
          %slice3A_558 = vector.extract_strided_slice %get3A_306 {offsets = [12], sizes = [1], strides = [1]} : vector<16xf32> to vector<1xf32>
          %squeeze3A_559 = vector.extract %slice3A_558[0] : f32 from vector<1xf32>
          %slice3A_560 = vector.extract_strided_slice %while3A_295 {offsets = [12], sizes = [1], strides = [1]} : vector<16xf32> to vector<1xf32>
          %squeeze3A_561 = vector.extract %slice3A_560[0] : f32 from vector<1xf32>
          %get3A_562 = arith.constant 384 : index
          %get3A_563 = tpu.vector_load %arg6[%get3A_562] {strides = array<i32>} : memref<1024xf32, #tpu.memory_space<vmem>>, vector<16xf32>,
          %get3A_564 = vector.shape_cast %get3A_563 : vector<16xf32> to vector<16xf32>
          %get3A_565 = arith.constant 400 : index
          %get3A_566 = tpu.vector_load %arg6[%get3A_565] {strides = array<i32>} : memref<1024xf32, #tpu.memory_space<vmem>>, vector<16xf32>,
          %get3A_567 = vector.shape_cast %get3A_566 : vector<16xf32> to vector<16xf32>
          %add3A_568 = vector.broadcast %squeeze3A_559 : f32 to vector<16xf32>
          %add3A_569 = arith.addf %add3A_568, %get3A_564 : vector<16xf32>
          %add3A_570 = vector.broadcast %squeeze3A_561 : f32 to vector<16xf32>
          %add3A_571 = arith.addf %add3A_569, %add3A_570 : vector<16xf32>
          %max3A_572 = arith.maximumf %max3A_552, %add3A_571 : vector<16xf32>
          %add3A_573 = vector.broadcast %squeeze3A_559 : f32 to vector<16xf32>
          %add3A_574 = arith.addf %add3A_573, %get3A_567 : vector<16xf32>
          %add3A_575 = vector.broadcast %squeeze3A_561 : f32 to vector<16xf32>
          %add3A_576 = arith.addf %add3A_574, %add3A_575 : vector<16xf32>
          %max3A_577 = arith.maximumf %max3A_557, %add3A_576 : vector<16xf32>
          %slice3A_578 = vector.extract_strided_slice %get3A_306 {offsets = [13], sizes = [1], strides = [1]} : vector<16xf32> to vector<1xf32>
          %squeeze3A_579 = vector.extract %slice3A_578[0] : f32 from vector<1xf32>
          %slice3A_580 = vector.extract_strided_slice %while3A_295 {offsets = [13], sizes = [1], strides = [1]} : vector<16xf32> to vector<1xf32>
          %squeeze3A_581 = vector.extract %slice3A_580[0] : f32 from vector<1xf32>
          %get3A_582 = arith.constant 416 : index
          %get3A_583 = tpu.vector_load %arg6[%get3A_582] {strides = array<i32>} : memref<1024xf32, #tpu.memory_space<vmem>>, vector<16xf32>,
          %get3A_584 = vector.shape_cast %get3A_583 : vector<16xf32> to vector<16xf32>
          %get3A_585 = arith.constant 432 : index
          %get3A_586 = tpu.vector_load %arg6[%get3A_585] {strides = array<i32>} : memref<1024xf32, #tpu.memory_space<vmem>>, vector<16xf32>,
          %get3A_587 = vector.shape_cast %get3A_586 : vector<16xf32> to vector<16xf32>
          %add3A_588 = vector.broadcast %squeeze3A_579 : f32 to vector<16xf32>
          %add3A_589 = arith.addf %add3A_588, %get3A_584 : vector<16xf32>
          %add3A_590 = vector.broadcast %squeeze3A_581 : f32 to vector<16xf32>
          %add3A_591 = arith.addf %add3A_589, %add3A_590 : vector<16xf32>
          %max3A_592 = arith.maximumf %max3A_572, %add3A_591 : vector<16xf32>
          %add3A_593 = vector.broadcast %squeeze3A_579 : f32 to vector<16xf32>
          %add3A_594 = arith.addf %add3A_593, %get3A_587 : vector<16xf32>
          %add3A_595 = vector.broadcast %squeeze3A_581 : f32 to vector<16xf32>
          %add3A_596 = arith.addf %add3A_594, %add3A_595 : vector<16xf32>
          %max3A_597 = arith.maximumf %max3A_577, %add3A_596 : vector<16xf32>
          %slice3A_598 = vector.extract_strided_slice %get3A_306 {offsets = [14], sizes = [1], strides = [1]} : vector<16xf32> to vector<1xf32>
          %squeeze3A_599 = vector.extract %slice3A_598[0] : f32 from vector<1xf32>
          %slice3A_600 = vector.extract_strided_slice %while3A_295 {offsets = [14], sizes = [1], strides = [1]} : vector<16xf32> to vector<1xf32>
          %squeeze3A_601 = vector.extract %slice3A_600[0] : f32 from vector<1xf32>
          %get3A_602 = arith.constant 448 : index
          %get3A_603 = tpu.vector_load %arg6[%get3A_602] {strides = array<i32>} : memref<1024xf32, #tpu.memory_space<vmem>>, vector<16xf32>,
          %get3A_604 = vector.shape_cast %get3A_603 : vector<16xf32> to vector<16xf32>
          %get3A_605 = arith.constant 464 : index
          %get3A_606 = tpu.vector_load %arg6[%get3A_605] {strides = array<i32>} : memref<1024xf32, #tpu.memory_space<vmem>>, vector<16xf32>,
          %get3A_607 = vector.shape_cast %get3A_606 : vector<16xf32> to vector<16xf32>
          %add3A_608 = vector.broadcast %squeeze3A_599 : f32 to vector<16xf32>
          %add3A_609 = arith.addf %add3A_608, %get3A_604 : vector<16xf32>
          %add3A_610 = vector.broadcast %squeeze3A_601 : f32 to vector<16xf32>
          %add3A_611 = arith.addf %add3A_609, %add3A_610 : vector<16xf32>
          %max3A_612 = arith.maximumf %max3A_592, %add3A_611 : vector<16xf32>
          %add3A_613 = vector.broadcast %squeeze3A_599 : f32 to vector<16xf32>
          %add3A_614 = arith.addf %add3A_613, %get3A_607 : vector<16xf32>
          %add3A_615 = vector.broadcast %squeeze3A_601 : f32 to vector<16xf32>
          %add3A_616 = arith.addf %add3A_614, %add3A_615 : vector<16xf32>
          %max3A_617 = arith.maximumf %max3A_597, %add3A_616 : vector<16xf32>
          %slice3A_618 = vector.extract_strided_slice %get3A_306 {offsets = [15], sizes = [1], strides = [1]} : vector<16xf32> to vector<1xf32>
          %squeeze3A_619 = vector.extract %slice3A_618[0] : f32 from vector<1xf32>
          %slice3A_620 = vector.extract_strided_slice %while3A_295 {offsets = [15], sizes = [1], strides = [1]} : vector<16xf32> to vector<1xf32>
          %squeeze3A_621 = vector.extract %slice3A_620[0] : f32 from vector<1xf32>
          %get3A_622 = arith.constant 480 : index
          %get3A_623 = tpu.vector_load %arg6[%get3A_622] {strides = array<i32>} : memref<1024xf32, #tpu.memory_space<vmem>>, vector<16xf32>,
          %get3A_624 = vector.shape_cast %get3A_623 : vector<16xf32> to vector<16xf32>
          %get3A_625 = arith.constant 496 : index
          %get3A_626 = tpu.vector_load %arg6[%get3A_625] {strides = array<i32>} : memref<1024xf32, #tpu.memory_space<vmem>>, vector<16xf32>,
          %get3A_627 = vector.shape_cast %get3A_626 : vector<16xf32> to vector<16xf32>
          %add3A_628 = vector.broadcast %squeeze3A_619 : f32 to vector<16xf32>
          %add3A_629 = arith.addf %add3A_628, %get3A_624 : vector<16xf32>
          %add3A_630 = vector.broadcast %squeeze3A_621 : f32 to vector<16xf32>
          %add3A_631 = arith.addf %add3A_629, %add3A_630 : vector<16xf32>
          %max3A_632 = arith.maximumf %max3A_612, %add3A_631 : vector<16xf32>
          %add3A_633 = vector.broadcast %squeeze3A_619 : f32 to vector<16xf32>
          %add3A_634 = arith.addf %add3A_633, %get3A_627 : vector<16xf32>
          %add3A_635 = vector.broadcast %squeeze3A_621 : f32 to vector<16xf32>
          %add3A_636 = arith.addf %add3A_634, %add3A_635 : vector<16xf32>
          %max3A_637 = arith.maximumf %max3A_617, %add3A_636 : vector<16xf32>
          %slice3A_638 = vector.extract_strided_slice %get3A_315 {offsets = [0], sizes = [1], strides = [1]} : vector<16xf32> to vector<1xf32>
          %squeeze3A_639 = vector.extract %slice3A_638[0] : f32 from vector<1xf32>
          %slice3A_640 = vector.extract_strided_slice %while3A_296 {offsets = [0], sizes = [1], strides = [1]} : vector<16xf32> to vector<1xf32>
          %squeeze3A_641 = vector.extract %slice3A_640[0] : f32 from vector<1xf32>
          %get3A_642 = arith.constant 512 : index
          %get3A_643 = tpu.vector_load %arg6[%get3A_642] {strides = array<i32>} : memref<1024xf32, #tpu.memory_space<vmem>>, vector<16xf32>,
          %get3A_644 = vector.shape_cast %get3A_643 : vector<16xf32> to vector<16xf32>
          %get3A_645 = arith.constant 528 : index
          %get3A_646 = tpu.vector_load %arg6[%get3A_645] {strides = array<i32>} : memref<1024xf32, #tpu.memory_space<vmem>>, vector<16xf32>,
          %get3A_647 = vector.shape_cast %get3A_646 : vector<16xf32> to vector<16xf32>
          %add3A_648 = vector.broadcast %squeeze3A_639 : f32 to vector<16xf32>
          %add3A_649 = arith.addf %add3A_648, %get3A_644 : vector<16xf32>
          %add3A_650 = vector.broadcast %squeeze3A_641 : f32 to vector<16xf32>
          %add3A_651 = arith.addf %add3A_649, %add3A_650 : vector<16xf32>
          %max3A_652 = arith.maximumf %max3A_632, %add3A_651 : vector<16xf32>
          %add3A_653 = vector.broadcast %squeeze3A_639 : f32 to vector<16xf32>
          %add3A_654 = arith.addf %add3A_653, %get3A_647 : vector<16xf32>
          %add3A_655 = vector.broadcast %squeeze3A_641 : f32 to vector<16xf32>
          %add3A_656 = arith.addf %add3A_654, %add3A_655 : vector<16xf32>
          %max3A_657 = arith.maximumf %max3A_637, %add3A_656 : vector<16xf32>
          %slice3A_658 = vector.extract_strided_slice %get3A_315 {offsets = [1], sizes = [1], strides = [1]} : vector<16xf32> to vector<1xf32>
          %squeeze3A_659 = vector.extract %slice3A_658[0] : f32 from vector<1xf32>
          %slice3A_660 = vector.extract_strided_slice %while3A_296 {offsets = [1], sizes = [1], strides = [1]} : vector<16xf32> to vector<1xf32>
          %squeeze3A_661 = vector.extract %slice3A_660[0] : f32 from vector<1xf32>
          %get3A_662 = arith.constant 544 : index
          %get3A_663 = tpu.vector_load %arg6[%get3A_662] {strides = array<i32>} : memref<1024xf32, #tpu.memory_space<vmem>>, vector<16xf32>,
          %get3A_664 = vector.shape_cast %get3A_663 : vector<16xf32> to vector<16xf32>
          %get3A_665 = arith.constant 560 : index
          %get3A_666 = tpu.vector_load %arg6[%get3A_665] {strides = array<i32>} : memref<1024xf32, #tpu.memory_space<vmem>>, vector<16xf32>,
          %get3A_667 = vector.shape_cast %get3A_666 : vector<16xf32> to vector<16xf32>
          %add3A_668 = vector.broadcast %squeeze3A_659 : f32 to vector<16xf32>
          %add3A_669 = arith.addf %add3A_668, %get3A_664 : vector<16xf32>
          %add3A_670 = vector.broadcast %squeeze3A_661 : f32 to vector<16xf32>
          %add3A_671 = arith.addf %add3A_669, %add3A_670 : vector<16xf32>
          %max3A_672 = arith.maximumf %max3A_652, %add3A_671 : vector<16xf32>
          %add3A_673 = vector.broadcast %squeeze3A_659 : f32 to vector<16xf32>
          %add3A_674 = arith.addf %add3A_673, %get3A_667 : vector<16xf32>
          %add3A_675 = vector.broadcast %squeeze3A_661 : f32 to vector<16xf32>
          %add3A_676 = arith.addf %add3A_674, %add3A_675 : vector<16xf32>
          %max3A_677 = arith.maximumf %max3A_657, %add3A_676 : vector<16xf32>
          %slice3A_678 = vector.extract_strided_slice %get3A_315 {offsets = [2], sizes = [1], strides = [1]} : vector<16xf32> to vector<1xf32>
          %squeeze3A_679 = vector.extract %slice3A_678[0] : f32 from vector<1xf32>
          %slice3A_680 = vector.extract_strided_slice %while3A_296 {offsets = [2], sizes = [1], strides = [1]} : vector<16xf32> to vector<1xf32>
          %squeeze3A_681 = vector.extract %slice3A_680[0] : f32 from vector<1xf32>
          %get3A_682 = arith.constant 576 : index
          %get3A_683 = tpu.vector_load %arg6[%get3A_682] {strides = array<i32>} : memref<1024xf32, #tpu.memory_space<vmem>>, vector<16xf32>,
          %get3A_684 = vector.shape_cast %get3A_683 : vector<16xf32> to vector<16xf32>
          %get3A_685 = arith.constant 592 : index
          %get3A_686 = tpu.vector_load %arg6[%get3A_685] {strides = array<i32>} : memref<1024xf32, #tpu.memory_space<vmem>>, vector<16xf32>,
          %get3A_687 = vector.shape_cast %get3A_686 : vector<16xf32> to vector<16xf32>
          %add3A_688 = vector.broadcast %squeeze3A_679 : f32 to vector<16xf32>
          %add3A_689 = arith.addf %add3A_688, %get3A_684 : vector<16xf32>
          %add3A_690 = vector.broadcast %squeeze3A_681 : f32 to vector<16xf32>
          %add3A_691 = arith.addf %add3A_689, %add3A_690 : vector<16xf32>
          %max3A_692 = arith.maximumf %max3A_672, %add3A_691 : vector<16xf32>
          %add3A_693 = vector.broadcast %squeeze3A_679 : f32 to vector<16xf32>
          %add3A_694 = arith.addf %add3A_693, %get3A_687 : vector<16xf32>
          %add3A_695 = vector.broadcast %squeeze3A_681 : f32 to vector<16xf32>
          %add3A_696 = arith.addf %add3A_694, %add3A_695 : vector<16xf32>
          %max3A_697 = arith.maximumf %max3A_677, %add3A_696 : vector<16xf32>
          %slice3A_698 = vector.extract_strided_slice %get3A_315 {offsets = [3], sizes = [1], strides = [1]} : vector<16xf32> to vector<1xf32>
          %squeeze3A_699 = vector.extract %slice3A_698[0] : f32 from vector<1xf32>
          %slice3A_700 = vector.extract_strided_slice %while3A_296 {offsets = [3], sizes = [1], strides = [1]} : vector<16xf32> to vector<1xf32>
          %squeeze3A_701 = vector.extract %slice3A_700[0] : f32 from vector<1xf32>
          %get3A_702 = arith.constant 608 : index
          %get3A_703 = tpu.vector_load %arg6[%get3A_702] {strides = array<i32>} : memref<1024xf32, #tpu.memory_space<vmem>>, vector<16xf32>,
          %get3A_704 = vector.shape_cast %get3A_703 : vector<16xf32> to vector<16xf32>
          %get3A_705 = arith.constant 624 : index
          %get3A_706 = tpu.vector_load %arg6[%get3A_705] {strides = array<i32>} : memref<1024xf32, #tpu.memory_space<vmem>>, vector<16xf32>,
          %get3A_707 = vector.shape_cast %get3A_706 : vector<16xf32> to vector<16xf32>
          %add3A_708 = vector.broadcast %squeeze3A_699 : f32 to vector<16xf32>
          %add3A_709 = arith.addf %add3A_708, %get3A_704 : vector<16xf32>
          %add3A_710 = vector.broadcast %squeeze3A_701 : f32 to vector<16xf32>
          %add3A_711 = arith.addf %add3A_709, %add3A_710 : vector<16xf32>
          %max3A_712 = arith.maximumf %max3A_692, %add3A_711 : vector<16xf32>
          %add3A_713 = vector.broadcast %squeeze3A_699 : f32 to vector<16xf32>
          %add3A_714 = arith.addf %add3A_713, %get3A_707 : vector<16xf32>
          %add3A_715 = vector.broadcast %squeeze3A_701 : f32 to vector<16xf32>
          %add3A_716 = arith.addf %add3A_714, %add3A_715 : vector<16xf32>
          %max3A_717 = arith.maximumf %max3A_697, %add3A_716 : vector<16xf32>
          %slice3A_718 = vector.extract_strided_slice %get3A_315 {offsets = [4], sizes = [1], strides = [1]} : vector<16xf32> to vector<1xf32>
          %squeeze3A_719 = vector.extract %slice3A_718[0] : f32 from vector<1xf32>
          %slice3A_720 = vector.extract_strided_slice %while3A_296 {offsets = [4], sizes = [1], strides = [1]} : vector<16xf32> to vector<1xf32>
          %squeeze3A_721 = vector.extract %slice3A_720[0] : f32 from vector<1xf32>
          %get3A_722 = arith.constant 640 : index
          %get3A_723 = tpu.vector_load %arg6[%get3A_722] {strides = array<i32>} : memref<1024xf32, #tpu.memory_space<vmem>>, vector<16xf32>,
          %get3A_724 = vector.shape_cast %get3A_723 : vector<16xf32> to vector<16xf32>
          %get3A_725 = arith.constant 656 : index
          %get3A_726 = tpu.vector_load %arg6[%get3A_725] {strides = array<i32>} : memref<1024xf32, #tpu.memory_space<vmem>>, vector<16xf32>,
          %get3A_727 = vector.shape_cast %get3A_726 : vector<16xf32> to vector<16xf32>
          %add3A_728 = vector.broadcast %squeeze3A_719 : f32 to vector<16xf32>
          %add3A_729 = arith.addf %add3A_728, %get3A_724 : vector<16xf32>
          %add3A_730 = vector.broadcast %squeeze3A_721 : f32 to vector<16xf32>
          %add3A_731 = arith.addf %add3A_729, %add3A_730 : vector<16xf32>
          %max3A_732 = arith.maximumf %max3A_712, %add3A_731 : vector<16xf32>
          %add3A_733 = vector.broadcast %squeeze3A_719 : f32 to vector<16xf32>
          %add3A_734 = arith.addf %add3A_733, %get3A_727 : vector<16xf32>
          %add3A_735 = vector.broadcast %squeeze3A_721 : f32 to vector<16xf32>
          %add3A_736 = arith.addf %add3A_734, %add3A_735 : vector<16xf32>
          %max3A_737 = arith.maximumf %max3A_717, %add3A_736 : vector<16xf32>
          %slice3A_738 = vector.extract_strided_slice %get3A_315 {offsets = [5], sizes = [1], strides = [1]} : vector<16xf32> to vector<1xf32>
          %squeeze3A_739 = vector.extract %slice3A_738[0] : f32 from vector<1xf32>
          %slice3A_740 = vector.extract_strided_slice %while3A_296 {offsets = [5], sizes = [1], strides = [1]} : vector<16xf32> to vector<1xf32>
          %squeeze3A_741 = vector.extract %slice3A_740[0] : f32 from vector<1xf32>
          %get3A_742 = arith.constant 672 : index
          %get3A_743 = tpu.vector_load %arg6[%get3A_742] {strides = array<i32>} : memref<1024xf32, #tpu.memory_space<vmem>>, vector<16xf32>,
          %get3A_744 = vector.shape_cast %get3A_743 : vector<16xf32> to vector<16xf32>
          %get3A_745 = arith.constant 688 : index
          %get3A_746 = tpu.vector_load %arg6[%get3A_745] {strides = array<i32>} : memref<1024xf32, #tpu.memory_space<vmem>>, vector<16xf32>,
          %get3A_747 = vector.shape_cast %get3A_746 : vector<16xf32> to vector<16xf32>
          %add3A_748 = vector.broadcast %squeeze3A_739 : f32 to vector<16xf32>
          %add3A_749 = arith.addf %add3A_748, %get3A_744 : vector<16xf32>
          %add3A_750 = vector.broadcast %squeeze3A_741 : f32 to vector<16xf32>
          %add3A_751 = arith.addf %add3A_749, %add3A_750 : vector<16xf32>
          %max3A_752 = arith.maximumf %max3A_732, %add3A_751 : vector<16xf32>
          %add3A_753 = vector.broadcast %squeeze3A_739 : f32 to vector<16xf32>
          %add3A_754 = arith.addf %add3A_753, %get3A_747 : vector<16xf32>
          %add3A_755 = vector.broadcast %squeeze3A_741 : f32 to vector<16xf32>
          %add3A_756 = arith.addf %add3A_754, %add3A_755 : vector<16xf32>
          %max3A_757 = arith.maximumf %max3A_737, %add3A_756 : vector<16xf32>
          %slice3A_758 = vector.extract_strided_slice %get3A_315 {offsets = [6], sizes = [1], strides = [1]} : vector<16xf32> to vector<1xf32>
          %squeeze3A_759 = vector.extract %slice3A_758[0] : f32 from vector<1xf32>
          %slice3A_760 = vector.extract_strided_slice %while3A_296 {offsets = [6], sizes = [1], strides = [1]} : vector<16xf32> to vector<1xf32>
          %squeeze3A_761 = vector.extract %slice3A_760[0] : f32 from vector<1xf32>
          %get3A_762 = arith.constant 704 : index
          %get3A_763 = tpu.vector_load %arg6[%get3A_762] {strides = array<i32>} : memref<1024xf32, #tpu.memory_space<vmem>>, vector<16xf32>,
          %get3A_764 = vector.shape_cast %get3A_763 : vector<16xf32> to vector<16xf32>
          %get3A_765 = arith.constant 720 : index
          %get3A_766 = tpu.vector_load %arg6[%get3A_765] {strides = array<i32>} : memref<1024xf32, #tpu.memory_space<vmem>>, vector<16xf32>,
          %get3A_767 = vector.shape_cast %get3A_766 : vector<16xf32> to vector<16xf32>
          %add3A_768 = vector.broadcast %squeeze3A_759 : f32 to vector<16xf32>
          %add3A_769 = arith.addf %add3A_768, %get3A_764 : vector<16xf32>
          %add3A_770 = vector.broadcast %squeeze3A_761 : f32 to vector<16xf32>
          %add3A_771 = arith.addf %add3A_769, %add3A_770 : vector<16xf32>
          %max3A_772 = arith.maximumf %max3A_752, %add3A_771 : vector<16xf32>
          %add3A_773 = vector.broadcast %squeeze3A_759 : f32 to vector<16xf32>
          %add3A_774 = arith.addf %add3A_773, %get3A_767 : vector<16xf32>
          %add3A_775 = vector.broadcast %squeeze3A_761 : f32 to vector<16xf32>
          %add3A_776 = arith.addf %add3A_774, %add3A_775 : vector<16xf32>
          %max3A_777 = arith.maximumf %max3A_757, %add3A_776 : vector<16xf32>
          %slice3A_778 = vector.extract_strided_slice %get3A_315 {offsets = [7], sizes = [1], strides = [1]} : vector<16xf32> to vector<1xf32>
          %squeeze3A_779 = vector.extract %slice3A_778[0] : f32 from vector<1xf32>
          %slice3A_780 = vector.extract_strided_slice %while3A_296 {offsets = [7], sizes = [1], strides = [1]} : vector<16xf32> to vector<1xf32>
          %squeeze3A_781 = vector.extract %slice3A_780[0] : f32 from vector<1xf32>
          %get3A_782 = arith.constant 736 : index
          %get3A_783 = tpu.vector_load %arg6[%get3A_782] {strides = array<i32>} : memref<1024xf32, #tpu.memory_space<vmem>>, vector<16xf32>,
          %get3A_784 = vector.shape_cast %get3A_783 : vector<16xf32> to vector<16xf32>
          %get3A_785 = arith.constant 752 : index
          %get3A_786 = tpu.vector_load %arg6[%get3A_785] {strides = array<i32>} : memref<1024xf32, #tpu.memory_space<vmem>>, vector<16xf32>,
          %get3A_787 = vector.shape_cast %get3A_786 : vector<16xf32> to vector<16xf32>
          %add3A_788 = vector.broadcast %squeeze3A_779 : f32 to vector<16xf32>
          %add3A_789 = arith.addf %add3A_788, %get3A_784 : vector<16xf32>
          %add3A_790 = vector.broadcast %squeeze3A_781 : f32 to vector<16xf32>
          %add3A_791 = arith.addf %add3A_789, %add3A_790 : vector<16xf32>
          %max3A_792 = arith.maximumf %max3A_772, %add3A_791 : vector<16xf32>
          %add3A_793 = vector.broadcast %squeeze3A_779 : f32 to vector<16xf32>
          %add3A_794 = arith.addf %add3A_793, %get3A_787 : vector<16xf32>
          %add3A_795 = vector.broadcast %squeeze3A_781 : f32 to vector<16xf32>
          %add3A_796 = arith.addf %add3A_794, %add3A_795 : vector<16xf32>
          %max3A_797 = arith.maximumf %max3A_777, %add3A_796 : vector<16xf32>
          %slice3A_798 = vector.extract_strided_slice %get3A_315 {offsets = [8], sizes = [1], strides = [1]} : vector<16xf32> to vector<1xf32>
          %squeeze3A_799 = vector.extract %slice3A_798[0] : f32 from vector<1xf32>
          %slice3A_800 = vector.extract_strided_slice %while3A_296 {offsets = [8], sizes = [1], strides = [1]} : vector<16xf32> to vector<1xf32>
          %squeeze3A_801 = vector.extract %slice3A_800[0] : f32 from vector<1xf32>
          %get3A_802 = arith.constant 768 : index
          %get3A_803 = tpu.vector_load %arg6[%get3A_802] {strides = array<i32>} : memref<1024xf32, #tpu.memory_space<vmem>>, vector<16xf32>,
          %get3A_804 = vector.shape_cast %get3A_803 : vector<16xf32> to vector<16xf32>
          %get3A_805 = arith.constant 784 : index
          %get3A_806 = tpu.vector_load %arg6[%get3A_805] {strides = array<i32>} : memref<1024xf32, #tpu.memory_space<vmem>>, vector<16xf32>,
          %get3A_807 = vector.shape_cast %get3A_806 : vector<16xf32> to vector<16xf32>
          %add3A_808 = vector.broadcast %squeeze3A_799 : f32 to vector<16xf32>
          %add3A_809 = arith.addf %add3A_808, %get3A_804 : vector<16xf32>
          %add3A_810 = vector.broadcast %squeeze3A_801 : f32 to vector<16xf32>
          %add3A_811 = arith.addf %add3A_809, %add3A_810 : vector<16xf32>
          %max3A_812 = arith.maximumf %max3A_792, %add3A_811 : vector<16xf32>
          %add3A_813 = vector.broadcast %squeeze3A_799 : f32 to vector<16xf32>
          %add3A_814 = arith.addf %add3A_813, %get3A_807 : vector<16xf32>
          %add3A_815 = vector.broadcast %squeeze3A_801 : f32 to vector<16xf32>
          %add3A_816 = arith.addf %add3A_814, %add3A_815 : vector<16xf32>
          %max3A_817 = arith.maximumf %max3A_797, %add3A_816 : vector<16xf32>
          %slice3A_818 = vector.extract_strided_slice %get3A_315 {offsets = [9], sizes = [1], strides = [1]} : vector<16xf32> to vector<1xf32>
          %squeeze3A_819 = vector.extract %slice3A_818[0] : f32 from vector<1xf32>
          %slice3A_820 = vector.extract_strided_slice %while3A_296 {offsets = [9], sizes = [1], strides = [1]} : vector<16xf32> to vector<1xf32>
          %squeeze3A_821 = vector.extract %slice3A_820[0] : f32 from vector<1xf32>
          %get3A_822 = arith.constant 800 : index
          %get3A_823 = tpu.vector_load %arg6[%get3A_822] {strides = array<i32>} : memref<1024xf32, #tpu.memory_space<vmem>>, vector<16xf32>,
          %get3A_824 = vector.shape_cast %get3A_823 : vector<16xf32> to vector<16xf32>
          %get3A_825 = arith.constant 816 : index
          %get3A_826 = tpu.vector_load %arg6[%get3A_825] {strides = array<i32>} : memref<1024xf32, #tpu.memory_space<vmem>>, vector<16xf32>,
          %get3A_827 = vector.shape_cast %get3A_826 : vector<16xf32> to vector<16xf32>
          %add3A_828 = vector.broadcast %squeeze3A_819 : f32 to vector<16xf32>
          %add3A_829 = arith.addf %add3A_828, %get3A_824 : vector<16xf32>
          %add3A_830 = vector.broadcast %squeeze3A_821 : f32 to vector<16xf32>
          %add3A_831 = arith.addf %add3A_829, %add3A_830 : vector<16xf32>
          %max3A_832 = arith.maximumf %max3A_812, %add3A_831 : vector<16xf32>
          %add3A_833 = vector.broadcast %squeeze3A_819 : f32 to vector<16xf32>
          %add3A_834 = arith.addf %add3A_833, %get3A_827 : vector<16xf32>
          %add3A_835 = vector.broadcast %squeeze3A_821 : f32 to vector<16xf32>
          %add3A_836 = arith.addf %add3A_834, %add3A_835 : vector<16xf32>
          %max3A_837 = arith.maximumf %max3A_817, %add3A_836 : vector<16xf32>
          %mul3A_838 = arith.constant 32 : i32
          %mul3A_839 = arith.muli %add3A_299, %mul3A_838 : i32
          %swap3A_840 = arith.index_cast %mul3A_839 : i32 to index
          %swap3A_841 = tpu.vector_load %arg7[%swap3A_840] {strides = array<i32>} : memref<16896xf32, #tpu.memory_space<vmem>>, vector<16xf32>,
          %swap3A_842 = vector.shape_cast %swap3A_841 : vector<16xf32> to vector<16xf32>
          %swap3A_843 = vector.shape_cast %max3A_832 : vector<16xf32> to vector<16xf32>
          tpu.vector_store %arg7[%swap3A_840], %swap3A_843 {strides = array<i32>} : memref<16896xf32, #tpu.memory_space<vmem>>, vector<16xf32>,
          %mul3A_844 = arith.constant 32 : i32
          %mul3A_845 = arith.muli %add3A_299, %mul3A_844 : i32
          %add3A_846 = arith.constant 16 : i32
          %add3A_847 = arith.addi %mul3A_845, %add3A_846 : i32
          %swap3A_848 = arith.index_cast %add3A_847 : i32 to index
          %swap3A_849 = tpu.vector_load %arg7[%swap3A_848] {strides = array<i32>} : memref<16896xf32, #tpu.memory_space<vmem>>, vector<16xf32>,
          %swap3A_850 = vector.shape_cast %swap3A_849 : vector<16xf32> to vector<16xf32>
          %swap3A_851 = vector.shape_cast %max3A_837 : vector<16xf32> to vector<16xf32>
          tpu.vector_store %arg7[%swap3A_848], %swap3A_851 {strides = array<i32>} : memref<16896xf32, #tpu.memory_space<vmem>>, vector<16xf32>,
          scf.yield %max3A_832, %max3A_837 : vector<16xf32>, vector<16xf32>
        }
        %mul3A_288 = arith.constant 32 : i32
        %mul3A_289 = arith.muli %mul3A_273, %mul3A_288 : i32
        %mul3A_290 = arith.constant 32 : i32
        %mul3A_291 = arith.muli %mul3A_273, %mul3A_290 : i32
        %add3A_292 = arith.addi %mul3A_34, %mul3A_291 : i32
        "tpu.region"() ({
          %run_scoped3A = tpu.sem_alloc : memref<!tpu.dma_semaphore, #tpu.memory_space<semaphore_mem>>
          %dma_start3A = tpu.memref_slice %arg7[%mul3A_289] : memref<16896xf32, #tpu.memory_space<vmem>> -> memref<2080xf32, #tpu.memory_space<vmem>>
          %dma_start3A_294 = tpu.memref_slice %arg11[%add3A_292] : memref<33792xf32, #tpu.memory_space<vmem_shared>> -> memref<2080xf32, #tpu.memory_space<vmem_shared>>
          %dma_start3A_295 = tpu.memref_slice %arg11[%add3A_292] : memref<33792xf32, #tpu.memory_space<vmem_shared>> -> memref<2080xf32, #tpu.memory_space<vmem_shared>>
          %dma_start3A_296 = tpu.memref_slice %arg7[%mul3A_289] : memref<16896xf32, #tpu.memory_space<vmem>> -> memref<2080xf32, #tpu.memory_space<vmem>>
          tpu.enqueue_dma source(%dma_start3A_296 : memref<2080xf32, #tpu.memory_space<vmem>>) target(%dma_start3A_295 : memref<2080xf32, #tpu.memory_space<vmem_shared>>) target_semaphore(%run_scoped3A : memref<!tpu.dma_semaphore, #tpu.memory_space<semaphore_mem>>)
          %dma_wait3A = tpu.memref_slice %arg7[%mul3A_289] : memref<16896xf32, #tpu.memory_space<vmem>> -> memref<2080xf32, #tpu.memory_space<vmem>>
          %dma_wait3A_297 = tpu.memref_slice %arg11[%add3A_292] : memref<33792xf32, #tpu.memory_space<vmem_shared>> -> memref<2080xf32, #tpu.memory_space<vmem_shared>>
          %dma_wait3A_298 = tpu.memref_slice %arg11[%add3A_292] : memref<33792xf32, #tpu.memory_space<vmem_shared>> -> memref<2080xf32, #tpu.memory_space<vmem_shared>>
          %dma_wait3A_299 = tpu.memref_slice %arg7[%mul3A_289] : memref<16896xf32, #tpu.memory_space<vmem>> -> memref<2080xf32, #tpu.memory_space<vmem>>
          tpu.wait_dma2 semaphore(%run_scoped3A : memref<!tpu.dma_semaphore, #tpu.memory_space<semaphore_mem>>) src(%dma_wait3A_299 : memref<2080xf32, #tpu.memory_space<vmem>>) dst(%dma_wait3A_298 : memref<2080xf32, #tpu.memory_space<vmem_shared>>)
          tpu.yield
        }) : () -> ()
        %barrier3A_293 = arith.constant 0 : index
        tpu.barrier barrier_id(%barrier3A_293)
        scf.yield %while3A_287#0, %while3A_287#1 : vector<16xf32>, vector<16xf32>
      }
      %scan3A_55 = arith.constant 8 : i32
      %barrier3A = arith.constant 0 : index
      tpu.barrier barrier_id(%barrier3A)
      "tpu.region"() ({
        %run_scoped3A = tpu.sem_alloc : memref<!tpu.dma_semaphore, #tpu.memory_space<semaphore_mem>>
        %dma_start3A = tpu.memref_slice %arg12[%mul3A_34] : memref<33792xi32, #tpu.memory_space<vmem_shared>> -> memref<16384xi32, #tpu.memory_space<vmem_shared>>
        %dma_start3A_269 = tpu.memref_slice %arg12[%mul3A_34] : memref<33792xi32, #tpu.memory_space<vmem_shared>> -> memref<16384xi32, #tpu.memory_space<vmem_shared>>
        tpu.enqueue_dma source(%dma_start3A_269 : memref<16384xi32, #tpu.memory_space<vmem_shared>>) target(%arg8 : memref<16384xi32, #tpu.memory_space<vmem>>) target_semaphore(%run_scoped3A : memref<!tpu.dma_semaphore, #tpu.memory_space<semaphore_mem>>)
        %dma_wait3A = tpu.memref_slice %arg12[%mul3A_34] : memref<33792xi32, #tpu.memory_space<vmem_shared>> -> memref<16384xi32, #tpu.memory_space<vmem_shared>>
        %dma_wait3A_270 = tpu.memref_slice %arg12[%mul3A_34] : memref<33792xi32, #tpu.memory_space<vmem_shared>> -> memref<16384xi32, #tpu.memory_space<vmem_shared>>
        tpu.wait_dma2 semaphore(%run_scoped3A : memref<!tpu.dma_semaphore, #tpu.memory_space<semaphore_mem>>) src(%dma_wait3A_270 : memref<16384xi32, #tpu.memory_space<vmem_shared>>) dst(%arg8 : memref<16384xi32, #tpu.memory_space<vmem>>)
        tpu.yield
      }) : () -> ()
      %get3A = arith.constant 16352 : index
      %get3A_56 = tpu.vector_load %arg5[%get3A] {strides = array<i32>} : memref<16896xf32, #tpu.memory_space<vmem>>, vector<16xf32>,
      %get3A_57 = vector.shape_cast %get3A_56 : vector<16xf32> to vector<16xf32>
      %add3A_58 = arith.addf %get3A_57, %scan3A_54#0 : vector<16xf32>
      %get3A_59 = arith.constant 16368 : index
      %get3A_60 = tpu.vector_load %arg5[%get3A_59] {strides = array<i32>} : memref<16896xf32, #tpu.memory_space<vmem>>, vector<16xf32>,
      %get3A_61 = vector.shape_cast %get3A_60 : vector<16xf32> to vector<16xf32>
      %add3A_62 = arith.addf %get3A_61, %scan3A_54#1 : vector<16xf32>
      %xor3A = arith.constant 8 : i32
      %xor3A_63 = vector.broadcast %xor3A : i32 to vector<16xi32>
      %xor3A_64 = arith.xori %iota3A, %xor3A_63 : vector<16xi32>
      %lt3A_65 = arith.constant 0 : i32
      %lt3A_66 = vector.broadcast %lt3A_65 : i32 to vector<16xi32>
      %lt3A_67 = arith.cmpi slt, %xor3A_64, %lt3A_66 : vector<16xi32>
      %add3A_68 = arith.constant 16 : i32
      %add3A_69 = vector.broadcast %add3A_68 : i32 to vector<16xi32>
      %add3A_70 = arith.addi %xor3A_64, %add3A_69 : vector<16xi32>
      %select_n3A_71 = arith.select %lt3A_67, %add3A_70, %xor3A_64 : vector<16xi1>, vector<16xi32>
      %broadcast_in_dim3A_72 = vector.shape_cast %select_n3A_71 : vector<16xi32> to vector<16x1xi32>
      %gather3A = vector.shape_cast %broadcast_in_dim3A_72 : vector<16x1xi32> to vector<16xi32>
      %gather3A_73 = tpu.dynamic_gather %add3A_58[%gather3A] in [0] : vector<16xf32>, vector<16xi32> -> vector<16xf32>
      %max3A = arith.maximumf %add3A_58, %gather3A_73 : vector<16xf32>
      %xor3A_74 = arith.constant 4 : i32
      %xor3A_75 = vector.broadcast %xor3A_74 : i32 to vector<16xi32>
      %xor3A_76 = arith.xori %iota3A, %xor3A_75 : vector<16xi32>
      %lt3A_77 = arith.constant 0 : i32
      %lt3A_78 = vector.broadcast %lt3A_77 : i32 to vector<16xi32>
      %lt3A_79 = arith.cmpi slt, %xor3A_76, %lt3A_78 : vector<16xi32>
      %add3A_80 = arith.constant 16 : i32
      %add3A_81 = vector.broadcast %add3A_80 : i32 to vector<16xi32>
      %add3A_82 = arith.addi %xor3A_76, %add3A_81 : vector<16xi32>
      %select_n3A_83 = arith.select %lt3A_79, %add3A_82, %xor3A_76 : vector<16xi1>, vector<16xi32>
      %broadcast_in_dim3A_84 = vector.shape_cast %select_n3A_83 : vector<16xi32> to vector<16x1xi32>
      %gather3A_85 = vector.shape_cast %broadcast_in_dim3A_84 : vector<16x1xi32> to vector<16xi32>
      %gather3A_86 = tpu.dynamic_gather %max3A[%gather3A_85] in [0] : vector<16xf32>, vector<16xi32> -> vector<16xf32>
      %max3A_87 = arith.maximumf %max3A, %gather3A_86 : vector<16xf32>
      %xor3A_88 = arith.constant 2 : i32
      %xor3A_89 = vector.broadcast %xor3A_88 : i32 to vector<16xi32>
      %xor3A_90 = arith.xori %iota3A, %xor3A_89 : vector<16xi32>
      %lt3A_91 = arith.constant 0 : i32
      %lt3A_92 = vector.broadcast %lt3A_91 : i32 to vector<16xi32>
      %lt3A_93 = arith.cmpi slt, %xor3A_90, %lt3A_92 : vector<16xi32>
      %add3A_94 = arith.constant 16 : i32
      %add3A_95 = vector.broadcast %add3A_94 : i32 to vector<16xi32>
      %add3A_96 = arith.addi %xor3A_90, %add3A_95 : vector<16xi32>
      %select_n3A_97 = arith.select %lt3A_93, %add3A_96, %xor3A_90 : vector<16xi1>, vector<16xi32>
      %broadcast_in_dim3A_98 = vector.shape_cast %select_n3A_97 : vector<16xi32> to vector<16x1xi32>
      %gather3A_99 = vector.shape_cast %broadcast_in_dim3A_98 : vector<16x1xi32> to vector<16xi32>
      %gather3A_100 = tpu.dynamic_gather %max3A_87[%gather3A_99] in [0] : vector<16xf32>, vector<16xi32> -> vector<16xf32>
      %max3A_101 = arith.maximumf %max3A_87, %gather3A_100 : vector<16xf32>
      %xor3A_102 = arith.constant 1 : i32
      %xor3A_103 = vector.broadcast %xor3A_102 : i32 to vector<16xi32>
      %xor3A_104 = arith.xori %iota3A, %xor3A_103 : vector<16xi32>
      %lt3A_105 = arith.constant 0 : i32
      %lt3A_106 = vector.broadcast %lt3A_105 : i32 to vector<16xi32>
      %lt3A_107 = arith.cmpi slt, %xor3A_104, %lt3A_106 : vector<16xi32>
      %add3A_108 = arith.constant 16 : i32
      %add3A_109 = vector.broadcast %add3A_108 : i32 to vector<16xi32>
      %add3A_110 = arith.addi %xor3A_104, %add3A_109 : vector<16xi32>
      %select_n3A_111 = arith.select %lt3A_107, %add3A_110, %xor3A_104 : vector<16xi1>, vector<16xi32>
      %broadcast_in_dim3A_112 = vector.shape_cast %select_n3A_111 : vector<16xi32> to vector<16x1xi32>
      %gather3A_113 = vector.shape_cast %broadcast_in_dim3A_112 : vector<16x1xi32> to vector<16xi32>
      %gather3A_114 = tpu.dynamic_gather %max3A_101[%gather3A_113] in [0] : vector<16xf32>, vector<16xi32> -> vector<16xf32>
      %max3A_115 = arith.maximumf %max3A_101, %gather3A_114 : vector<16xf32>
      %xor3A_116 = arith.constant 8 : i32
      %xor3A_117 = vector.broadcast %xor3A_116 : i32 to vector<16xi32>
      %xor3A_118 = arith.xori %iota3A, %xor3A_117 : vector<16xi32>
      %lt3A_119 = arith.constant 0 : i32
      %lt3A_120 = vector.broadcast %lt3A_119 : i32 to vector<16xi32>
      %lt3A_121 = arith.cmpi slt, %xor3A_118, %lt3A_120 : vector<16xi32>
      %add3A_122 = arith.constant 16 : i32
      %add3A_123 = vector.broadcast %add3A_122 : i32 to vector<16xi32>
      %add3A_124 = arith.addi %xor3A_118, %add3A_123 : vector<16xi32>
      %select_n3A_125 = arith.select %lt3A_121, %add3A_124, %xor3A_118 : vector<16xi1>, vector<16xi32>
      %broadcast_in_dim3A_126 = vector.shape_cast %select_n3A_125 : vector<16xi32> to vector<16x1xi32>
      %gather3A_127 = vector.shape_cast %broadcast_in_dim3A_126 : vector<16x1xi32> to vector<16xi32>
      %gather3A_128 = tpu.dynamic_gather %add3A_62[%gather3A_127] in [0] : vector<16xf32>, vector<16xi32> -> vector<16xf32>
      %max3A_129 = arith.maximumf %add3A_62, %gather3A_128 : vector<16xf32>
      %xor3A_130 = arith.constant 4 : i32
      %xor3A_131 = vector.broadcast %xor3A_130 : i32 to vector<16xi32>
      %xor3A_132 = arith.xori %iota3A, %xor3A_131 : vector<16xi32>
      %lt3A_133 = arith.constant 0 : i32
      %lt3A_134 = vector.broadcast %lt3A_133 : i32 to vector<16xi32>
      %lt3A_135 = arith.cmpi slt, %xor3A_132, %lt3A_134 : vector<16xi32>
      %add3A_136 = arith.constant 16 : i32
      %add3A_137 = vector.broadcast %add3A_136 : i32 to vector<16xi32>
      %add3A_138 = arith.addi %xor3A_132, %add3A_137 : vector<16xi32>
      %select_n3A_139 = arith.select %lt3A_135, %add3A_138, %xor3A_132 : vector<16xi1>, vector<16xi32>
      %broadcast_in_dim3A_140 = vector.shape_cast %select_n3A_139 : vector<16xi32> to vector<16x1xi32>
      %gather3A_141 = vector.shape_cast %broadcast_in_dim3A_140 : vector<16x1xi32> to vector<16xi32>
      %gather3A_142 = tpu.dynamic_gather %max3A_129[%gather3A_141] in [0] : vector<16xf32>, vector<16xi32> -> vector<16xf32>
      %max3A_143 = arith.maximumf %max3A_129, %gather3A_142 : vector<16xf32>
      %xor3A_144 = arith.constant 2 : i32
      %xor3A_145 = vector.broadcast %xor3A_144 : i32 to vector<16xi32>
      %xor3A_146 = arith.xori %iota3A, %xor3A_145 : vector<16xi32>
      %lt3A_147 = arith.constant 0 : i32
      %lt3A_148 = vector.broadcast %lt3A_147 : i32 to vector<16xi32>
      %lt3A_149 = arith.cmpi slt, %xor3A_146, %lt3A_148 : vector<16xi32>
      %add3A_150 = arith.constant 16 : i32
      %add3A_151 = vector.broadcast %add3A_150 : i32 to vector<16xi32>
      %add3A_152 = arith.addi %xor3A_146, %add3A_151 : vector<16xi32>
      %select_n3A_153 = arith.select %lt3A_149, %add3A_152, %xor3A_146 : vector<16xi1>, vector<16xi32>
      %broadcast_in_dim3A_154 = vector.shape_cast %select_n3A_153 : vector<16xi32> to vector<16x1xi32>
      %gather3A_155 = vector.shape_cast %broadcast_in_dim3A_154 : vector<16x1xi32> to vector<16xi32>
      %gather3A_156 = tpu.dynamic_gather %max3A_143[%gather3A_155] in [0] : vector<16xf32>, vector<16xi32> -> vector<16xf32>
      %max3A_157 = arith.maximumf %max3A_143, %gather3A_156 : vector<16xf32>
      %xor3A_158 = arith.constant 1 : i32
      %xor3A_159 = vector.broadcast %xor3A_158 : i32 to vector<16xi32>
      %xor3A_160 = arith.xori %iota3A, %xor3A_159 : vector<16xi32>
      %lt3A_161 = arith.constant 0 : i32
      %lt3A_162 = vector.broadcast %lt3A_161 : i32 to vector<16xi32>
      %lt3A_163 = arith.cmpi slt, %xor3A_160, %lt3A_162 : vector<16xi32>
      %add3A_164 = arith.constant 16 : i32
      %add3A_165 = vector.broadcast %add3A_164 : i32 to vector<16xi32>
      %add3A_166 = arith.addi %xor3A_160, %add3A_165 : vector<16xi32>
      %select_n3A_167 = arith.select %lt3A_163, %add3A_166, %xor3A_160 : vector<16xi1>, vector<16xi32>
      %broadcast_in_dim3A_168 = vector.shape_cast %select_n3A_167 : vector<16xi32> to vector<16x1xi32>
      %gather3A_169 = vector.shape_cast %broadcast_in_dim3A_168 : vector<16x1xi32> to vector<16xi32>
      %gather3A_170 = tpu.dynamic_gather %max3A_157[%gather3A_169] in [0] : vector<16xf32>, vector<16xi32> -> vector<16xf32>
      %max3A_171 = arith.maximumf %max3A_157, %gather3A_170 : vector<16xf32>
      %max3A_172 = arith.maximumf %max3A_115, %max3A_171 : vector<16xf32>
      %broadcast_in_dim3A_173 = arith.constant 32 : i32
      %broadcast_in_dim3A_174 = vector.broadcast %broadcast_in_dim3A_173 : i32 to vector<16xi32>
      %eq3A_175 = arith.cmpf oeq, %add3A_58, %max3A_172 : vector<16xf32>
      %select_n3A_176 = arith.select %eq3A_175, %iota3A, %broadcast_in_dim3A_174 : vector<16xi1>, vector<16xi32>
      %eq3A_177 = arith.cmpf oeq, %add3A_62, %max3A_172 : vector<16xf32>
      %lt3A_178 = arith.constant 26 : i32
      %lt3A_179 = vector.broadcast %lt3A_178 : i32 to vector<16xi32>
      %lt3A_180 = arith.cmpi slt, %add3A_37, %lt3A_179 : vector<16xi32>
      %and3A_181 = arith.andi %eq3A_177, %lt3A_180 : vector<16xi1>
      %select_n3A_182 = arith.select %and3A_181, %add3A_37, %broadcast_in_dim3A_174 : vector<16xi1>, vector<16xi32>
      %min3A = arith.minsi %select_n3A_176, %select_n3A_182 : vector<16xi32>
      %xor3A_183 = arith.constant 8 : i32
      %xor3A_184 = vector.broadcast %xor3A_183 : i32 to vector<16xi32>
      %xor3A_185 = arith.xori %iota3A, %xor3A_184 : vector<16xi32>
      %lt3A_186 = arith.constant 0 : i32
      %lt3A_187 = vector.broadcast %lt3A_186 : i32 to vector<16xi32>
      %lt3A_188 = arith.cmpi slt, %xor3A_185, %lt3A_187 : vector<16xi32>
      %add3A_189 = arith.constant 16 : i32
      %add3A_190 = vector.broadcast %add3A_189 : i32 to vector<16xi32>
      %add3A_191 = arith.addi %xor3A_185, %add3A_190 : vector<16xi32>
      %select_n3A_192 = arith.select %lt3A_188, %add3A_191, %xor3A_185 : vector<16xi1>, vector<16xi32>
      %broadcast_in_dim3A_193 = vector.shape_cast %select_n3A_192 : vector<16xi32> to vector<16x1xi32>
      %gather3A_194 = vector.shape_cast %broadcast_in_dim3A_193 : vector<16x1xi32> to vector<16xi32>
      %gather3A_195 = tpu.dynamic_gather %min3A[%gather3A_194] in [0] : vector<16xi32>, vector<16xi32> -> vector<16xi32>
      %min3A_196 = arith.minsi %min3A, %gather3A_195 : vector<16xi32>
      %xor3A_197 = arith.constant 4 : i32
      %xor3A_198 = vector.broadcast %xor3A_197 : i32 to vector<16xi32>
      %xor3A_199 = arith.xori %iota3A, %xor3A_198 : vector<16xi32>
      %lt3A_200 = arith.constant 0 : i32
      %lt3A_201 = vector.broadcast %lt3A_200 : i32 to vector<16xi32>
      %lt3A_202 = arith.cmpi slt, %xor3A_199, %lt3A_201 : vector<16xi32>
      %add3A_203 = arith.constant 16 : i32
      %add3A_204 = vector.broadcast %add3A_203 : i32 to vector<16xi32>
      %add3A_205 = arith.addi %xor3A_199, %add3A_204 : vector<16xi32>
      %select_n3A_206 = arith.select %lt3A_202, %add3A_205, %xor3A_199 : vector<16xi1>, vector<16xi32>
      %broadcast_in_dim3A_207 = vector.shape_cast %select_n3A_206 : vector<16xi32> to vector<16x1xi32>
      %gather3A_208 = vector.shape_cast %broadcast_in_dim3A_207 : vector<16x1xi32> to vector<16xi32>
      %gather3A_209 = tpu.dynamic_gather %min3A_196[%gather3A_208] in [0] : vector<16xi32>, vector<16xi32> -> vector<16xi32>
      %min3A_210 = arith.minsi %min3A_196, %gather3A_209 : vector<16xi32>
      %xor3A_211 = arith.constant 2 : i32
      %xor3A_212 = vector.broadcast %xor3A_211 : i32 to vector<16xi32>
      %xor3A_213 = arith.xori %iota3A, %xor3A_212 : vector<16xi32>
      %lt3A_214 = arith.constant 0 : i32
      %lt3A_215 = vector.broadcast %lt3A_214 : i32 to vector<16xi32>
      %lt3A_216 = arith.cmpi slt, %xor3A_213, %lt3A_215 : vector<16xi32>
      %add3A_217 = arith.constant 16 : i32
      %add3A_218 = vector.broadcast %add3A_217 : i32 to vector<16xi32>
      %add3A_219 = arith.addi %xor3A_213, %add3A_218 : vector<16xi32>
      %select_n3A_220 = arith.select %lt3A_216, %add3A_219, %xor3A_213 : vector<16xi1>, vector<16xi32>
      %broadcast_in_dim3A_221 = vector.shape_cast %select_n3A_220 : vector<16xi32> to vector<16x1xi32>
      %gather3A_222 = vector.shape_cast %broadcast_in_dim3A_221 : vector<16x1xi32> to vector<16xi32>
      %gather3A_223 = tpu.dynamic_gather %min3A_210[%gather3A_222] in [0] : vector<16xi32>, vector<16xi32> -> vector<16xi32>
      %min3A_224 = arith.minsi %min3A_210, %gather3A_223 : vector<16xi32>
      %xor3A_225 = arith.constant 1 : i32
      %xor3A_226 = vector.broadcast %xor3A_225 : i32 to vector<16xi32>
      %xor3A_227 = arith.xori %iota3A, %xor3A_226 : vector<16xi32>
      %lt3A_228 = arith.constant 0 : i32
      %lt3A_229 = vector.broadcast %lt3A_228 : i32 to vector<16xi32>
      %lt3A_230 = arith.cmpi slt, %xor3A_227, %lt3A_229 : vector<16xi32>
      %add3A_231 = arith.constant 16 : i32
      %add3A_232 = vector.broadcast %add3A_231 : i32 to vector<16xi32>
      %add3A_233 = arith.addi %xor3A_227, %add3A_232 : vector<16xi32>
      %select_n3A_234 = arith.select %lt3A_230, %add3A_233, %xor3A_227 : vector<16xi1>, vector<16xi32>
      %broadcast_in_dim3A_235 = vector.shape_cast %select_n3A_234 : vector<16xi32> to vector<16x1xi32>
      %gather3A_236 = vector.shape_cast %broadcast_in_dim3A_235 : vector<16x1xi32> to vector<16xi32>
      %gather3A_237 = tpu.dynamic_gather %min3A_224[%gather3A_236] in [0] : vector<16xi32>, vector<16xi32> -> vector<16xi32>
      %min3A_238 = arith.minsi %min3A_224, %gather3A_237 : vector<16xi32>
      %eq3A_239 = arith.cmpi eq, %iota3A, %min3A_238 : vector<16xi32>
      %jit3A_240 = arith.constant 1.000000e+00 : f32
      %jit3A_241 = arith.constant 0.000000e+00 : f32
      %broadcast_in_dim3A_242 = vector.broadcast %jit3A_240 : f32 to vector<16xf32>
      %broadcast_in_dim3A_243 = vector.broadcast %jit3A_241 : f32 to vector<16xf32>
      %select_n3A_244 = arith.select %eq3A_239, %broadcast_in_dim3A_242, %broadcast_in_dim3A_243 : vector<16xi1>, vector<16xf32>
      %swap3A_245 = arith.constant 16352 : index
      %swap3A_246 = tpu.vector_load %arg9[%swap3A_245] {strides = array<i32>} : memref<16384xf32, #tpu.memory_space<vmem>>, vector<16xf32>,
      %swap3A_247 = vector.shape_cast %swap3A_246 : vector<16xf32> to vector<16xf32>
      %swap3A_248 = vector.shape_cast %select_n3A_244 : vector<16xf32> to vector<16xf32>
      tpu.vector_store %arg9[%swap3A_245], %swap3A_248 {strides = array<i32>} : memref<16384xf32, #tpu.memory_space<vmem>>, vector<16xf32>,
      %eq3A_249 = arith.cmpi eq, %add3A_37, %min3A_238 : vector<16xi32>
      %jit3A_250 = arith.constant 1.000000e+00 : f32
      %jit3A_251 = arith.constant 0.000000e+00 : f32
      %broadcast_in_dim3A_252 = vector.broadcast %jit3A_250 : f32 to vector<16xf32>
      %broadcast_in_dim3A_253 = vector.broadcast %jit3A_251 : f32 to vector<16xf32>
      %select_n3A_254 = arith.select %eq3A_249, %broadcast_in_dim3A_252, %broadcast_in_dim3A_253 : vector<16xi1>, vector<16xf32>
      %swap3A_255 = arith.constant 16368 : index
      %swap3A_256 = tpu.vector_load %arg9[%swap3A_255] {strides = array<i32>} : memref<16384xf32, #tpu.memory_space<vmem>>, vector<16xf32>,
      %swap3A_257 = vector.shape_cast %swap3A_256 : vector<16xf32> to vector<16xf32>
      %swap3A_258 = vector.shape_cast %select_n3A_254 : vector<16xf32> to vector<16xf32>
      tpu.vector_store %arg9[%swap3A_255], %swap3A_258 {strides = array<i32>} : memref<16384xf32, #tpu.memory_space<vmem>>, vector<16xf32>,
      %broadcast_in_dim3A_259 = arith.constant 15 : i32
      %broadcast_in_dim3A_260 = vector.broadcast %broadcast_in_dim3A_259 : i32 to vector<16xi32>
      %scan3A_261 = arith.constant 1.000000e+00 : f32
      %scan3A_262 = arith.constant 0.000000e+00 : f32
      %scan3A_263 = arith.constant 0 : i32
      %scan3A_264 = arith.constant 511 : i32
      %scan3A_265 = arith.addi %scan3A_263, %scan3A_264 : i32
      %scan3A_266 = arith.constant 1 : i32
      %scan3A_267 = scf.for %scan3A_269 = %scan3A_263 to %scan3A_265 step %scan3A_266 iter_args(%scan3A_270 = %min3A_238) -> (vector<16xi32>)  : i32 {
        %sub3A_271 = arith.constant 510 : i32
        %sub3A_272 = arith.subi %sub3A_271, %scan3A_269 : i32
        %add3A_273 = arith.constant 1 : i32
        %add3A_274 = arith.addi %sub3A_272, %add3A_273 : i32
        %mul3A_275 = arith.constant 32 : i32
        %mul3A_276 = arith.muli %add3A_274, %mul3A_275 : i32
        %get3A_277 = arith.index_cast %mul3A_276 : i32 to index
        %get3A_278 = tpu.vector_load %arg8[%get3A_277] {strides = array<i32>} : memref<16384xi32, #tpu.memory_space<vmem>>, vector<16xi32>,
        %get3A_279 = vector.shape_cast %get3A_278 : vector<16xi32> to vector<16xi32>
        %add3A_280 = arith.constant 1 : i32
        %add3A_281 = arith.addi %sub3A_272, %add3A_280 : i32
        %mul3A_282 = arith.constant 32 : i32
        %mul3A_283 = arith.muli %add3A_281, %mul3A_282 : i32
        %add3A_284 = arith.constant 16 : i32
        %add3A_285 = arith.addi %mul3A_283, %add3A_284 : i32
        %get3A_286 = arith.index_cast %add3A_285 : i32 to index
        %get3A_287 = tpu.vector_load %arg8[%get3A_286] {strides = array<i32>} : memref<16384xi32, #tpu.memory_space<vmem>>, vector<16xi32>,
        %get3A_288 = vector.shape_cast %get3A_287 : vector<16xi32> to vector<16xi32>
        %min3A_289 = arith.minsi %scan3A_270, %broadcast_in_dim3A_260 : vector<16xi32>
        %lt3A_290 = arith.constant 0 : i32
        %lt3A_291 = vector.broadcast %lt3A_290 : i32 to vector<16xi32>
        %lt3A_292 = arith.cmpi slt, %min3A_289, %lt3A_291 : vector<16xi32>
        %add3A_293 = arith.constant 16 : i32
        %add3A_294 = vector.broadcast %add3A_293 : i32 to vector<16xi32>
        %add3A_295 = arith.addi %min3A_289, %add3A_294 : vector<16xi32>
        %select_n3A_296 = arith.select %lt3A_292, %add3A_295, %min3A_289 : vector<16xi1>, vector<16xi32>
        %broadcast_in_dim3A_297 = vector.shape_cast %select_n3A_296 : vector<16xi32> to vector<16x1xi32>
        %gather3A_298 = vector.shape_cast %broadcast_in_dim3A_297 : vector<16x1xi32> to vector<16xi32>
        %gather3A_299 = tpu.dynamic_gather %get3A_279[%gather3A_298] in [0] : vector<16xi32>, vector<16xi32> -> vector<16xi32>
        %sub3A_300 = arith.constant 16 : i32
        %sub3A_301 = vector.broadcast %sub3A_300 : i32 to vector<16xi32>
        %sub3A_302 = arith.subi %scan3A_270, %sub3A_301 : vector<16xi32>
        %max3A_303 = arith.constant 0 : i32
        %max3A_304 = vector.broadcast %max3A_303 : i32 to vector<16xi32>
        %max3A_305 = arith.maxsi %sub3A_302, %max3A_304 : vector<16xi32>
        %lt3A_306 = arith.constant 0 : i32
        %lt3A_307 = vector.broadcast %lt3A_306 : i32 to vector<16xi32>
        %lt3A_308 = arith.cmpi slt, %max3A_305, %lt3A_307 : vector<16xi32>
        %add3A_309 = arith.constant 16 : i32
        %add3A_310 = vector.broadcast %add3A_309 : i32 to vector<16xi32>
        %add3A_311 = arith.addi %max3A_305, %add3A_310 : vector<16xi32>
        %select_n3A_312 = arith.select %lt3A_308, %add3A_311, %max3A_305 : vector<16xi1>, vector<16xi32>
        %broadcast_in_dim3A_313 = vector.shape_cast %select_n3A_312 : vector<16xi32> to vector<16x1xi32>
        %gather3A_314 = vector.shape_cast %broadcast_in_dim3A_313 : vector<16x1xi32> to vector<16xi32>
        %gather3A_315 = tpu.dynamic_gather %get3A_288[%gather3A_314] in [0] : vector<16xi32>, vector<16xi32> -> vector<16xi32>
        %lt3A_316 = arith.constant 16 : i32
        %lt3A_317 = vector.broadcast %lt3A_316 : i32 to vector<16xi32>
        %lt3A_318 = arith.cmpi slt, %scan3A_270, %lt3A_317 : vector<16xi32>
        %select_n3A_319 = arith.select %lt3A_318, %gather3A_299, %gather3A_315 : vector<16xi1>, vector<16xi32>
        %eq3A_320 = arith.cmpi eq, %iota3A, %select_n3A_319 : vector<16xi32>
        %broadcast_in_dim3A_321 = vector.broadcast %scan3A_261 : f32 to vector<16xf32>
        %broadcast_in_dim3A_322 = vector.broadcast %scan3A_262 : f32 to vector<16xf32>
        %select_n3A_323 = arith.select %eq3A_320, %broadcast_in_dim3A_321, %broadcast_in_dim3A_322 : vector<16xi1>, vector<16xf32>
        %mul3A_324 = arith.constant 32 : i32
        %mul3A_325 = arith.muli %sub3A_272, %mul3A_324 : i32
        %swap3A_326 = arith.index_cast %mul3A_325 : i32 to index
        %swap3A_327 = tpu.vector_load %arg9[%swap3A_326] {strides = array<i32>} : memref<16384xf32, #tpu.memory_space<vmem>>, vector<16xf32>,
        %swap3A_328 = vector.shape_cast %swap3A_327 : vector<16xf32> to vector<16xf32>
        %swap3A_329 = vector.shape_cast %select_n3A_323 : vector<16xf32> to vector<16xf32>
        tpu.vector_store %arg9[%swap3A_326], %swap3A_329 {strides = array<i32>} : memref<16384xf32, #tpu.memory_space<vmem>>, vector<16xf32>,
        %eq3A_330 = arith.cmpi eq, %add3A_37, %select_n3A_319 : vector<16xi32>
        %broadcast_in_dim3A_331 = vector.broadcast %scan3A_261 : f32 to vector<16xf32>
        %broadcast_in_dim3A_332 = vector.broadcast %scan3A_262 : f32 to vector<16xf32>
        %select_n3A_333 = arith.select %eq3A_330, %broadcast_in_dim3A_331, %broadcast_in_dim3A_332 : vector<16xi1>, vector<16xf32>
        %mul3A_334 = arith.constant 32 : i32
        %mul3A_335 = arith.muli %sub3A_272, %mul3A_334 : i32
        %add3A_336 = arith.constant 16 : i32
        %add3A_337 = arith.addi %mul3A_335, %add3A_336 : i32
        %swap3A_338 = arith.index_cast %add3A_337 : i32 to index
        %swap3A_339 = tpu.vector_load %arg9[%swap3A_338] {strides = array<i32>} : memref<16384xf32, #tpu.memory_space<vmem>>, vector<16xf32>,
        %swap3A_340 = vector.shape_cast %swap3A_339 : vector<16xf32> to vector<16xf32>
        %swap3A_341 = vector.shape_cast %select_n3A_333 : vector<16xf32> to vector<16xf32>
        tpu.vector_store %arg9[%swap3A_338], %swap3A_341 {strides = array<i32>} : memref<16384xf32, #tpu.memory_space<vmem>>, vector<16xf32>,
        scf.yield %select_n3A_319 : vector<16xi32>
      }
      %scan3A_268 = arith.constant 511 : i32
      "tpu.region"() ({
        %run_scoped3A = tpu.sem_alloc : memref<!tpu.dma_semaphore, #tpu.memory_space<semaphore_mem>>
        %dma_start3A = arith.constant 0 : i32
        %dma_start3A_269 = tpu.memref_slice %arg4[%add3A, %dma_start3A] : memref<4x16384xf32, #tpu.memory_space<hbm>> -> memref<1x16384xf32, #tpu.memory_space<hbm>>
        %dma_start3A_270 = tpu.memref_squeeze %dma_start3A_269 : memref<1x16384xf32, #tpu.memory_space<hbm>> -> memref<16384xf32, #tpu.memory_space<hbm>>
        %dma_start3A_271 = arith.constant 0 : i32
        %dma_start3A_272 = tpu.memref_slice %arg4[%add3A, %dma_start3A_271] : memref<4x16384xf32, #tpu.memory_space<hbm>> -> memref<1x16384xf32, #tpu.memory_space<hbm>>
        %dma_start3A_273 = tpu.memref_squeeze %dma_start3A_272 : memref<1x16384xf32, #tpu.memory_space<hbm>> -> memref<16384xf32, #tpu.memory_space<hbm>>
        tpu.enqueue_dma source(%arg9 : memref<16384xf32, #tpu.memory_space<vmem>>) target(%dma_start3A_273 : memref<16384xf32, #tpu.memory_space<hbm>>) target_semaphore(%run_scoped3A : memref<!tpu.dma_semaphore, #tpu.memory_space<semaphore_mem>>)
        %dma_wait3A = arith.constant 0 : i32
        %dma_wait3A_274 = tpu.memref_slice %arg4[%add3A, %dma_wait3A] : memref<4x16384xf32, #tpu.memory_space<hbm>> -> memref<1x16384xf32, #tpu.memory_space<hbm>>
        %dma_wait3A_275 = tpu.memref_squeeze %dma_wait3A_274 : memref<1x16384xf32, #tpu.memory_space<hbm>> -> memref<16384xf32, #tpu.memory_space<hbm>>
        %dma_wait3A_276 = arith.constant 0 : i32
        %dma_wait3A_277 = tpu.memref_slice %arg4[%add3A, %dma_wait3A_276] : memref<4x16384xf32, #tpu.memory_space<hbm>> -> memref<1x16384xf32, #tpu.memory_space<hbm>>
        %dma_wait3A_278 = tpu.memref_squeeze %dma_wait3A_277 : memref<1x16384xf32, #tpu.memory_space<hbm>> -> memref<16384xf32, #tpu.memory_space<hbm>>
        tpu.wait_dma2 semaphore(%run_scoped3A : memref<!tpu.dma_semaphore, #tpu.memory_space<semaphore_mem>>) src(%arg9 : memref<16384xf32, #tpu.memory_space<vmem>>) dst(%dma_wait3A_278 : memref<16384xf32, #tpu.memory_space<hbm>>)
        tpu.yield
      }) : () -> ()
    } else {
    }
    %not3A = arith.constant true
    %not3A_40 = arith.xori %eq3A_32, %not3A : i1
    %convert_element_type3A_41 = arith.extui %not3A_40 : i1 to i32
    %cond3A_42 = arith.constant 0 : i32
    %cond3A_43 = arith.cmpi ne, %convert_element_type3A_41, %cond3A_42 : i32
    scf.if %cond3A_43 {
      %sub3A_44 = arith.constant 1 : i32
      %sub3A_45 = arith.subi %select_n3A_30, %sub3A_44 : i32
      %scan3A = arith.constant 0 : i32
      %scan3A_46 = arith.constant 0 : i32
      %scan3A_47 = arith.constant 8 : i32
      %scan3A_48 = arith.addi %scan3A_46, %scan3A_47 : i32
      %scan3A_49 = arith.constant 1 : i32
      scf.for %scan3A_51 = %scan3A_46 to %scan3A_48 step %scan3A_49  : i32 {
        %mul3A_52 = arith.constant 64 : i32
        %mul3A_53 = arith.muli %scan3A_51, %mul3A_52 : i32
        %barrier3A_54 = arith.constant 0 : index
        tpu.barrier barrier_id(%barrier3A_54)
        %mul3A_55 = arith.constant 32 : i32
        %mul3A_56 = arith.muli %mul3A_53, %mul3A_55 : i32
        %add3A_57 = arith.addi %mul3A_34, %mul3A_56 : i32
        "tpu.region"() ({
          %run_scoped3A = tpu.sem_alloc : memref<!tpu.dma_semaphore, #tpu.memory_space<semaphore_mem>>
          %dma_start3A = arith.constant 0 : i32
          %dma_start3A_72 = tpu.memref_slice %arg10[%dma_start3A] : memref<2560xf32, #tpu.memory_space<vmem>> -> memref<2080xf32, #tpu.memory_space<vmem>>
          %dma_start3A_73 = tpu.memref_slice %arg11[%add3A_57] : memref<33792xf32, #tpu.memory_space<vmem_shared>> -> memref<2080xf32, #tpu.memory_space<vmem_shared>>
          %dma_start3A_74 = arith.constant 0 : i32
          %dma_start3A_75 = tpu.memref_slice %arg10[%dma_start3A_74] : memref<2560xf32, #tpu.memory_space<vmem>> -> memref<2080xf32, #tpu.memory_space<vmem>>
          %dma_start3A_76 = tpu.memref_slice %arg11[%add3A_57] : memref<33792xf32, #tpu.memory_space<vmem_shared>> -> memref<2080xf32, #tpu.memory_space<vmem_shared>>
          tpu.enqueue_dma source(%dma_start3A_76 : memref<2080xf32, #tpu.memory_space<vmem_shared>>) target(%dma_start3A_75 : memref<2080xf32, #tpu.memory_space<vmem>>) target_semaphore(%run_scoped3A : memref<!tpu.dma_semaphore, #tpu.memory_space<semaphore_mem>>)
          %dma_wait3A = arith.constant 0 : i32
          %dma_wait3A_77 = tpu.memref_slice %arg10[%dma_wait3A] : memref<2560xf32, #tpu.memory_space<vmem>> -> memref<2080xf32, #tpu.memory_space<vmem>>
          %dma_wait3A_78 = tpu.memref_slice %arg11[%add3A_57] : memref<33792xf32, #tpu.memory_space<vmem_shared>> -> memref<2080xf32, #tpu.memory_space<vmem_shared>>
          %dma_wait3A_79 = arith.constant 0 : i32
          %dma_wait3A_80 = tpu.memref_slice %arg10[%dma_wait3A_79] : memref<2560xf32, #tpu.memory_space<vmem>> -> memref<2080xf32, #tpu.memory_space<vmem>>
          %dma_wait3A_81 = tpu.memref_slice %arg11[%add3A_57] : memref<33792xf32, #tpu.memory_space<vmem_shared>> -> memref<2080xf32, #tpu.memory_space<vmem_shared>>
          tpu.wait_dma2 semaphore(%run_scoped3A : memref<!tpu.dma_semaphore, #tpu.memory_space<semaphore_mem>>) src(%dma_wait3A_81 : memref<2080xf32, #tpu.memory_space<vmem_shared>>) dst(%dma_wait3A_80 : memref<2080xf32, #tpu.memory_space<vmem>>)
          tpu.yield
        }) : () -> ()
        %scan3A_58 = arith.constant 0 : i32
        %scan3A_59 = arith.constant 0 : i32
        %scan3A_60 = arith.constant 10 : i32
        %scan3A_61 = arith.addi %scan3A_59, %scan3A_60 : i32
        %scan3A_62 = arith.constant 1 : i32
        scf.for %scan3A_72 = %scan3A_59 to %scan3A_61 step %scan3A_62  : i32 {
          %add3A_73 = arith.constant 1 : i32
          %add3A_74 = arith.addi %mul3A_53, %add3A_73 : i32
          %mul3A_75 = arith.constant 10 : i32
          %mul3A_76 = arith.muli %sub3A_45, %mul3A_75 : i32
          %add3A_77 = arith.addi %add3A_74, %mul3A_76 : i32
          %add3A_78 = arith.addi %add3A_77, %scan3A_72 : i32
          %sub3A_79 = arith.subi %add3A_78, %mul3A_53 : i32
          %sub3A_80 = arith.constant 1 : i32
          %sub3A_81 = arith.subi %add3A_78, %sub3A_80 : i32
          %mul3A_82 = arith.constant 32 : i32
          %mul3A_83 = arith.muli %sub3A_81, %mul3A_82 : i32
          %get3A = arith.index_cast %mul3A_83 : i32 to index
          %get3A_84 = tpu.vector_load %arg5[%get3A] {strides = array<i32>} : memref<16896xf32, #tpu.memory_space<vmem>>, vector<16xf32>,
          %get3A_85 = vector.shape_cast %get3A_84 : vector<16xf32> to vector<16xf32>
          %sub3A_86 = arith.constant 1 : i32
          %sub3A_87 = arith.subi %add3A_78, %sub3A_86 : i32
          %mul3A_88 = arith.constant 32 : i32
          %mul3A_89 = arith.muli %sub3A_87, %mul3A_88 : i32
          %add3A_90 = arith.constant 16 : i32
          %add3A_91 = arith.addi %mul3A_89, %add3A_90 : i32
          %get3A_92 = arith.index_cast %add3A_91 : i32 to index
          %get3A_93 = tpu.vector_load %arg5[%get3A_92] {strides = array<i32>} : memref<16896xf32, #tpu.memory_space<vmem>>, vector<16xf32>,
          %get3A_94 = vector.shape_cast %get3A_93 : vector<16xf32> to vector<16xf32>
          %mul3A_95 = arith.constant 32 : i32
          %mul3A_96 = arith.muli %sub3A_79, %mul3A_95 : i32
          %get3A_97 = arith.index_cast %mul3A_96 : i32 to index
          %get3A_98 = tpu.vector_load %arg10[%get3A_97] {strides = array<i32>} : memref<2560xf32, #tpu.memory_space<vmem>>, vector<16xf32>,
          %get3A_99 = vector.shape_cast %get3A_98 : vector<16xf32> to vector<16xf32>
          %mul3A_100 = arith.constant 32 : i32
          %mul3A_101 = arith.muli %sub3A_79, %mul3A_100 : i32
          %add3A_102 = arith.constant 16 : i32
          %add3A_103 = arith.addi %mul3A_101, %add3A_102 : i32
          %get3A_104 = arith.index_cast %add3A_103 : i32 to index
          %get3A_105 = tpu.vector_load %arg10[%get3A_104] {strides = array<i32>} : memref<2560xf32, #tpu.memory_space<vmem>>, vector<16xf32>,
          %get3A_106 = vector.shape_cast %get3A_105 : vector<16xf32> to vector<16xf32>
          %sub3A_107 = arith.constant 1 : i32
          %sub3A_108 = arith.subi %sub3A_79, %sub3A_107 : i32
          %mul3A_109 = arith.constant 32 : i32
          %mul3A_110 = arith.muli %sub3A_108, %mul3A_109 : i32
          %get3A_111 = arith.index_cast %mul3A_110 : i32 to index
          %get3A_112 = tpu.vector_load %arg10[%get3A_111] {strides = array<i32>} : memref<2560xf32, #tpu.memory_space<vmem>>, vector<16xf32>,
          %get3A_113 = vector.shape_cast %get3A_112 : vector<16xf32> to vector<16xf32>
          %sub3A_114 = arith.constant 1 : i32
          %sub3A_115 = arith.subi %sub3A_79, %sub3A_114 : i32
          %mul3A_116 = arith.constant 32 : i32
          %mul3A_117 = arith.muli %sub3A_115, %mul3A_116 : i32
          %add3A_118 = arith.constant 16 : i32
          %add3A_119 = arith.addi %mul3A_117, %add3A_118 : i32
          %get3A_120 = arith.index_cast %add3A_119 : i32 to index
          %get3A_121 = tpu.vector_load %arg10[%get3A_120] {strides = array<i32>} : memref<2560xf32, #tpu.memory_space<vmem>>, vector<16xf32>,
          %get3A_122 = vector.shape_cast %get3A_121 : vector<16xf32> to vector<16xf32>
          %broadcast_in_dim3A_123 = arith.constant 32 : i32
          %broadcast_in_dim3A_124 = vector.broadcast %broadcast_in_dim3A_123 : i32 to vector<16xi32>
          %broadcast_in_dim3A_125 = arith.constant 32 : i32
          %broadcast_in_dim3A_126 = vector.broadcast %broadcast_in_dim3A_125 : i32 to vector<16xi32>
          %slice3A = vector.extract_strided_slice %get3A_85 {offsets = [0], sizes = [1], strides = [1]} : vector<16xf32> to vector<1xf32>
          %squeeze3A = vector.extract %slice3A[0] : f32 from vector<1xf32>
          %slice3A_127 = vector.extract_strided_slice %get3A_113 {offsets = [0], sizes = [1], strides = [1]} : vector<16xf32> to vector<1xf32>
          %squeeze3A_128 = vector.extract %slice3A_127[0] : f32 from vector<1xf32>
          %get3A_129 = arith.constant 0 : index
          %get3A_130 = tpu.vector_load %arg6[%get3A_129] {strides = array<i32>} : memref<1024xf32, #tpu.memory_space<vmem>>, vector<16xf32>,
          %get3A_131 = vector.shape_cast %get3A_130 : vector<16xf32> to vector<16xf32>
          %get3A_132 = arith.constant 16 : index
          %get3A_133 = tpu.vector_load %arg6[%get3A_132] {strides = array<i32>} : memref<1024xf32, #tpu.memory_space<vmem>>, vector<16xf32>,
          %get3A_134 = vector.shape_cast %get3A_133 : vector<16xf32> to vector<16xf32>
          %add3A_135 = vector.broadcast %squeeze3A : f32 to vector<16xf32>
          %add3A_136 = arith.addf %add3A_135, %get3A_131 : vector<16xf32>
          %add3A_137 = vector.broadcast %squeeze3A_128 : f32 to vector<16xf32>
          %add3A_138 = arith.addf %add3A_136, %add3A_137 : vector<16xf32>
          %add3A_139 = vector.broadcast %squeeze3A : f32 to vector<16xf32>
          %add3A_140 = arith.addf %add3A_139, %get3A_134 : vector<16xf32>
          %add3A_141 = vector.broadcast %squeeze3A_128 : f32 to vector<16xf32>
          %add3A_142 = arith.addf %add3A_140, %add3A_141 : vector<16xf32>
          %eq3A_143 = arith.cmpf oeq, %add3A_138, %get3A_99 : vector<16xf32>
          %jit3A_144 = arith.constant 0 : i32
          %jit3A_145 = arith.constant 32 : i32
          %broadcast_in_dim3A_146 = vector.broadcast %jit3A_144 : i32 to vector<16xi32>
          %broadcast_in_dim3A_147 = vector.broadcast %jit3A_145 : i32 to vector<16xi32>
          %select_n3A_148 = arith.select %eq3A_143, %broadcast_in_dim3A_146, %broadcast_in_dim3A_147 : vector<16xi1>, vector<16xi32>
          %min3A = arith.minsi %broadcast_in_dim3A_124, %select_n3A_148 : vector<16xi32>
          %eq3A_149 = arith.cmpf oeq, %add3A_142, %get3A_106 : vector<16xf32>
          %jit3A_150 = arith.constant 0 : i32
          %jit3A_151 = arith.constant 32 : i32
          %broadcast_in_dim3A_152 = vector.broadcast %jit3A_150 : i32 to vector<16xi32>
          %broadcast_in_dim3A_153 = vector.broadcast %jit3A_151 : i32 to vector<16xi32>
          %select_n3A_154 = arith.select %eq3A_149, %broadcast_in_dim3A_152, %broadcast_in_dim3A_153 : vector<16xi1>, vector<16xi32>
          %min3A_155 = arith.minsi %broadcast_in_dim3A_126, %select_n3A_154 : vector<16xi32>
          %slice3A_156 = vector.extract_strided_slice %get3A_85 {offsets = [1], sizes = [1], strides = [1]} : vector<16xf32> to vector<1xf32>
          %squeeze3A_157 = vector.extract %slice3A_156[0] : f32 from vector<1xf32>
          %slice3A_158 = vector.extract_strided_slice %get3A_113 {offsets = [1], sizes = [1], strides = [1]} : vector<16xf32> to vector<1xf32>
          %squeeze3A_159 = vector.extract %slice3A_158[0] : f32 from vector<1xf32>
          %get3A_160 = arith.constant 32 : index
          %get3A_161 = tpu.vector_load %arg6[%get3A_160] {strides = array<i32>} : memref<1024xf32, #tpu.memory_space<vmem>>, vector<16xf32>,
          %get3A_162 = vector.shape_cast %get3A_161 : vector<16xf32> to vector<16xf32>
          %get3A_163 = arith.constant 48 : index
          %get3A_164 = tpu.vector_load %arg6[%get3A_163] {strides = array<i32>} : memref<1024xf32, #tpu.memory_space<vmem>>, vector<16xf32>,
          %get3A_165 = vector.shape_cast %get3A_164 : vector<16xf32> to vector<16xf32>
          %add3A_166 = vector.broadcast %squeeze3A_157 : f32 to vector<16xf32>
          %add3A_167 = arith.addf %add3A_166, %get3A_162 : vector<16xf32>
          %add3A_168 = vector.broadcast %squeeze3A_159 : f32 to vector<16xf32>
          %add3A_169 = arith.addf %add3A_167, %add3A_168 : vector<16xf32>
          %add3A_170 = vector.broadcast %squeeze3A_157 : f32 to vector<16xf32>
          %add3A_171 = arith.addf %add3A_170, %get3A_165 : vector<16xf32>
          %add3A_172 = vector.broadcast %squeeze3A_159 : f32 to vector<16xf32>
          %add3A_173 = arith.addf %add3A_171, %add3A_172 : vector<16xf32>
          %eq3A_174 = arith.cmpf oeq, %add3A_169, %get3A_99 : vector<16xf32>
          %jit3A_175 = arith.constant 1 : i32
          %jit3A_176 = arith.constant 32 : i32
          %broadcast_in_dim3A_177 = vector.broadcast %jit3A_175 : i32 to vector<16xi32>
          %broadcast_in_dim3A_178 = vector.broadcast %jit3A_176 : i32 to vector<16xi32>
          %select_n3A_179 = arith.select %eq3A_174, %broadcast_in_dim3A_177, %broadcast_in_dim3A_178 : vector<16xi1>, vector<16xi32>
          %min3A_180 = arith.minsi %min3A, %select_n3A_179 : vector<16xi32>
          %eq3A_181 = arith.cmpf oeq, %add3A_173, %get3A_106 : vector<16xf32>
          %jit3A_182 = arith.constant 1 : i32
          %jit3A_183 = arith.constant 32 : i32
          %broadcast_in_dim3A_184 = vector.broadcast %jit3A_182 : i32 to vector<16xi32>
          %broadcast_in_dim3A_185 = vector.broadcast %jit3A_183 : i32 to vector<16xi32>
          %select_n3A_186 = arith.select %eq3A_181, %broadcast_in_dim3A_184, %broadcast_in_dim3A_185 : vector<16xi1>, vector<16xi32>
          %min3A_187 = arith.minsi %min3A_155, %select_n3A_186 : vector<16xi32>
          %slice3A_188 = vector.extract_strided_slice %get3A_85 {offsets = [2], sizes = [1], strides = [1]} : vector<16xf32> to vector<1xf32>
          %squeeze3A_189 = vector.extract %slice3A_188[0] : f32 from vector<1xf32>
          %slice3A_190 = vector.extract_strided_slice %get3A_113 {offsets = [2], sizes = [1], strides = [1]} : vector<16xf32> to vector<1xf32>
          %squeeze3A_191 = vector.extract %slice3A_190[0] : f32 from vector<1xf32>
          %get3A_192 = arith.constant 64 : index
          %get3A_193 = tpu.vector_load %arg6[%get3A_192] {strides = array<i32>} : memref<1024xf32, #tpu.memory_space<vmem>>, vector<16xf32>,
          %get3A_194 = vector.shape_cast %get3A_193 : vector<16xf32> to vector<16xf32>
          %get3A_195 = arith.constant 80 : index
          %get3A_196 = tpu.vector_load %arg6[%get3A_195] {strides = array<i32>} : memref<1024xf32, #tpu.memory_space<vmem>>, vector<16xf32>,
          %get3A_197 = vector.shape_cast %get3A_196 : vector<16xf32> to vector<16xf32>
          %add3A_198 = vector.broadcast %squeeze3A_189 : f32 to vector<16xf32>
          %add3A_199 = arith.addf %add3A_198, %get3A_194 : vector<16xf32>
          %add3A_200 = vector.broadcast %squeeze3A_191 : f32 to vector<16xf32>
          %add3A_201 = arith.addf %add3A_199, %add3A_200 : vector<16xf32>
          %add3A_202 = vector.broadcast %squeeze3A_189 : f32 to vector<16xf32>
          %add3A_203 = arith.addf %add3A_202, %get3A_197 : vector<16xf32>
          %add3A_204 = vector.broadcast %squeeze3A_191 : f32 to vector<16xf32>
          %add3A_205 = arith.addf %add3A_203, %add3A_204 : vector<16xf32>
          %eq3A_206 = arith.cmpf oeq, %add3A_201, %get3A_99 : vector<16xf32>
          %jit3A_207 = arith.constant 2 : i32
          %jit3A_208 = arith.constant 32 : i32
          %broadcast_in_dim3A_209 = vector.broadcast %jit3A_207 : i32 to vector<16xi32>
          %broadcast_in_dim3A_210 = vector.broadcast %jit3A_208 : i32 to vector<16xi32>
          %select_n3A_211 = arith.select %eq3A_206, %broadcast_in_dim3A_209, %broadcast_in_dim3A_210 : vector<16xi1>, vector<16xi32>
          %min3A_212 = arith.minsi %min3A_180, %select_n3A_211 : vector<16xi32>
          %eq3A_213 = arith.cmpf oeq, %add3A_205, %get3A_106 : vector<16xf32>
          %jit3A_214 = arith.constant 2 : i32
          %jit3A_215 = arith.constant 32 : i32
          %broadcast_in_dim3A_216 = vector.broadcast %jit3A_214 : i32 to vector<16xi32>
          %broadcast_in_dim3A_217 = vector.broadcast %jit3A_215 : i32 to vector<16xi32>
          %select_n3A_218 = arith.select %eq3A_213, %broadcast_in_dim3A_216, %broadcast_in_dim3A_217 : vector<16xi1>, vector<16xi32>
          %min3A_219 = arith.minsi %min3A_187, %select_n3A_218 : vector<16xi32>
          %slice3A_220 = vector.extract_strided_slice %get3A_85 {offsets = [3], sizes = [1], strides = [1]} : vector<16xf32> to vector<1xf32>
          %squeeze3A_221 = vector.extract %slice3A_220[0] : f32 from vector<1xf32>
          %slice3A_222 = vector.extract_strided_slice %get3A_113 {offsets = [3], sizes = [1], strides = [1]} : vector<16xf32> to vector<1xf32>
          %squeeze3A_223 = vector.extract %slice3A_222[0] : f32 from vector<1xf32>
          %get3A_224 = arith.constant 96 : index
          %get3A_225 = tpu.vector_load %arg6[%get3A_224] {strides = array<i32>} : memref<1024xf32, #tpu.memory_space<vmem>>, vector<16xf32>,
          %get3A_226 = vector.shape_cast %get3A_225 : vector<16xf32> to vector<16xf32>
          %get3A_227 = arith.constant 112 : index
          %get3A_228 = tpu.vector_load %arg6[%get3A_227] {strides = array<i32>} : memref<1024xf32, #tpu.memory_space<vmem>>, vector<16xf32>,
          %get3A_229 = vector.shape_cast %get3A_228 : vector<16xf32> to vector<16xf32>
          %add3A_230 = vector.broadcast %squeeze3A_221 : f32 to vector<16xf32>
          %add3A_231 = arith.addf %add3A_230, %get3A_226 : vector<16xf32>
          %add3A_232 = vector.broadcast %squeeze3A_223 : f32 to vector<16xf32>
          %add3A_233 = arith.addf %add3A_231, %add3A_232 : vector<16xf32>
          %add3A_234 = vector.broadcast %squeeze3A_221 : f32 to vector<16xf32>
          %add3A_235 = arith.addf %add3A_234, %get3A_229 : vector<16xf32>
          %add3A_236 = vector.broadcast %squeeze3A_223 : f32 to vector<16xf32>
          %add3A_237 = arith.addf %add3A_235, %add3A_236 : vector<16xf32>
          %eq3A_238 = arith.cmpf oeq, %add3A_233, %get3A_99 : vector<16xf32>
          %jit3A_239 = arith.constant 3 : i32
          %jit3A_240 = arith.constant 32 : i32
          %broadcast_in_dim3A_241 = vector.broadcast %jit3A_239 : i32 to vector<16xi32>
          %broadcast_in_dim3A_242 = vector.broadcast %jit3A_240 : i32 to vector<16xi32>
          %select_n3A_243 = arith.select %eq3A_238, %broadcast_in_dim3A_241, %broadcast_in_dim3A_242 : vector<16xi1>, vector<16xi32>
          %min3A_244 = arith.minsi %min3A_212, %select_n3A_243 : vector<16xi32>
          %eq3A_245 = arith.cmpf oeq, %add3A_237, %get3A_106 : vector<16xf32>
          %jit3A_246 = arith.constant 3 : i32
          %jit3A_247 = arith.constant 32 : i32
          %broadcast_in_dim3A_248 = vector.broadcast %jit3A_246 : i32 to vector<16xi32>
          %broadcast_in_dim3A_249 = vector.broadcast %jit3A_247 : i32 to vector<16xi32>
          %select_n3A_250 = arith.select %eq3A_245, %broadcast_in_dim3A_248, %broadcast_in_dim3A_249 : vector<16xi1>, vector<16xi32>
          %min3A_251 = arith.minsi %min3A_219, %select_n3A_250 : vector<16xi32>
          %slice3A_252 = vector.extract_strided_slice %get3A_85 {offsets = [4], sizes = [1], strides = [1]} : vector<16xf32> to vector<1xf32>
          %squeeze3A_253 = vector.extract %slice3A_252[0] : f32 from vector<1xf32>
          %slice3A_254 = vector.extract_strided_slice %get3A_113 {offsets = [4], sizes = [1], strides = [1]} : vector<16xf32> to vector<1xf32>
          %squeeze3A_255 = vector.extract %slice3A_254[0] : f32 from vector<1xf32>
          %get3A_256 = arith.constant 128 : index
          %get3A_257 = tpu.vector_load %arg6[%get3A_256] {strides = array<i32>} : memref<1024xf32, #tpu.memory_space<vmem>>, vector<16xf32>,
          %get3A_258 = vector.shape_cast %get3A_257 : vector<16xf32> to vector<16xf32>
          %get3A_259 = arith.constant 144 : index
          %get3A_260 = tpu.vector_load %arg6[%get3A_259] {strides = array<i32>} : memref<1024xf32, #tpu.memory_space<vmem>>, vector<16xf32>,
          %get3A_261 = vector.shape_cast %get3A_260 : vector<16xf32> to vector<16xf32>
          %add3A_262 = vector.broadcast %squeeze3A_253 : f32 to vector<16xf32>
          %add3A_263 = arith.addf %add3A_262, %get3A_258 : vector<16xf32>
          %add3A_264 = vector.broadcast %squeeze3A_255 : f32 to vector<16xf32>
          %add3A_265 = arith.addf %add3A_263, %add3A_264 : vector<16xf32>
          %add3A_266 = vector.broadcast %squeeze3A_253 : f32 to vector<16xf32>
          %add3A_267 = arith.addf %add3A_266, %get3A_261 : vector<16xf32>
          %add3A_268 = vector.broadcast %squeeze3A_255 : f32 to vector<16xf32>
          %add3A_269 = arith.addf %add3A_267, %add3A_268 : vector<16xf32>
          %eq3A_270 = arith.cmpf oeq, %add3A_265, %get3A_99 : vector<16xf32>
          %jit3A_271 = arith.constant 4 : i32
          %jit3A_272 = arith.constant 32 : i32
          %broadcast_in_dim3A_273 = vector.broadcast %jit3A_271 : i32 to vector<16xi32>
          %broadcast_in_dim3A_274 = vector.broadcast %jit3A_272 : i32 to vector<16xi32>
          %select_n3A_275 = arith.select %eq3A_270, %broadcast_in_dim3A_273, %broadcast_in_dim3A_274 : vector<16xi1>, vector<16xi32>
          %min3A_276 = arith.minsi %min3A_244, %select_n3A_275 : vector<16xi32>
          %eq3A_277 = arith.cmpf oeq, %add3A_269, %get3A_106 : vector<16xf32>
          %jit3A_278 = arith.constant 4 : i32
          %jit3A_279 = arith.constant 32 : i32
          %broadcast_in_dim3A_280 = vector.broadcast %jit3A_278 : i32 to vector<16xi32>
          %broadcast_in_dim3A_281 = vector.broadcast %jit3A_279 : i32 to vector<16xi32>
          %select_n3A_282 = arith.select %eq3A_277, %broadcast_in_dim3A_280, %broadcast_in_dim3A_281 : vector<16xi1>, vector<16xi32>
          %min3A_283 = arith.minsi %min3A_251, %select_n3A_282 : vector<16xi32>
          %slice3A_284 = vector.extract_strided_slice %get3A_85 {offsets = [5], sizes = [1], strides = [1]} : vector<16xf32> to vector<1xf32>
          %squeeze3A_285 = vector.extract %slice3A_284[0] : f32 from vector<1xf32>
          %slice3A_286 = vector.extract_strided_slice %get3A_113 {offsets = [5], sizes = [1], strides = [1]} : vector<16xf32> to vector<1xf32>
          %squeeze3A_287 = vector.extract %slice3A_286[0] : f32 from vector<1xf32>
          %get3A_288 = arith.constant 160 : index
          %get3A_289 = tpu.vector_load %arg6[%get3A_288] {strides = array<i32>} : memref<1024xf32, #tpu.memory_space<vmem>>, vector<16xf32>,
          %get3A_290 = vector.shape_cast %get3A_289 : vector<16xf32> to vector<16xf32>
          %get3A_291 = arith.constant 176 : index
          %get3A_292 = tpu.vector_load %arg6[%get3A_291] {strides = array<i32>} : memref<1024xf32, #tpu.memory_space<vmem>>, vector<16xf32>,
          %get3A_293 = vector.shape_cast %get3A_292 : vector<16xf32> to vector<16xf32>
          %add3A_294 = vector.broadcast %squeeze3A_285 : f32 to vector<16xf32>
          %add3A_295 = arith.addf %add3A_294, %get3A_290 : vector<16xf32>
          %add3A_296 = vector.broadcast %squeeze3A_287 : f32 to vector<16xf32>
          %add3A_297 = arith.addf %add3A_295, %add3A_296 : vector<16xf32>
          %add3A_298 = vector.broadcast %squeeze3A_285 : f32 to vector<16xf32>
          %add3A_299 = arith.addf %add3A_298, %get3A_293 : vector<16xf32>
          %add3A_300 = vector.broadcast %squeeze3A_287 : f32 to vector<16xf32>
          %add3A_301 = arith.addf %add3A_299, %add3A_300 : vector<16xf32>
          %eq3A_302 = arith.cmpf oeq, %add3A_297, %get3A_99 : vector<16xf32>
          %jit3A_303 = arith.constant 5 : i32
          %jit3A_304 = arith.constant 32 : i32
          %broadcast_in_dim3A_305 = vector.broadcast %jit3A_303 : i32 to vector<16xi32>
          %broadcast_in_dim3A_306 = vector.broadcast %jit3A_304 : i32 to vector<16xi32>
          %select_n3A_307 = arith.select %eq3A_302, %broadcast_in_dim3A_305, %broadcast_in_dim3A_306 : vector<16xi1>, vector<16xi32>
          %min3A_308 = arith.minsi %min3A_276, %select_n3A_307 : vector<16xi32>
          %eq3A_309 = arith.cmpf oeq, %add3A_301, %get3A_106 : vector<16xf32>
          %jit3A_310 = arith.constant 5 : i32
          %jit3A_311 = arith.constant 32 : i32
          %broadcast_in_dim3A_312 = vector.broadcast %jit3A_310 : i32 to vector<16xi32>
          %broadcast_in_dim3A_313 = vector.broadcast %jit3A_311 : i32 to vector<16xi32>
          %select_n3A_314 = arith.select %eq3A_309, %broadcast_in_dim3A_312, %broadcast_in_dim3A_313 : vector<16xi1>, vector<16xi32>
          %min3A_315 = arith.minsi %min3A_283, %select_n3A_314 : vector<16xi32>
          %slice3A_316 = vector.extract_strided_slice %get3A_85 {offsets = [6], sizes = [1], strides = [1]} : vector<16xf32> to vector<1xf32>
          %squeeze3A_317 = vector.extract %slice3A_316[0] : f32 from vector<1xf32>
          %slice3A_318 = vector.extract_strided_slice %get3A_113 {offsets = [6], sizes = [1], strides = [1]} : vector<16xf32> to vector<1xf32>
          %squeeze3A_319 = vector.extract %slice3A_318[0] : f32 from vector<1xf32>
          %get3A_320 = arith.constant 192 : index
          %get3A_321 = tpu.vector_load %arg6[%get3A_320] {strides = array<i32>} : memref<1024xf32, #tpu.memory_space<vmem>>, vector<16xf32>,
          %get3A_322 = vector.shape_cast %get3A_321 : vector<16xf32> to vector<16xf32>
          %get3A_323 = arith.constant 208 : index
          %get3A_324 = tpu.vector_load %arg6[%get3A_323] {strides = array<i32>} : memref<1024xf32, #tpu.memory_space<vmem>>, vector<16xf32>,
          %get3A_325 = vector.shape_cast %get3A_324 : vector<16xf32> to vector<16xf32>
          %add3A_326 = vector.broadcast %squeeze3A_317 : f32 to vector<16xf32>
          %add3A_327 = arith.addf %add3A_326, %get3A_322 : vector<16xf32>
          %add3A_328 = vector.broadcast %squeeze3A_319 : f32 to vector<16xf32>
          %add3A_329 = arith.addf %add3A_327, %add3A_328 : vector<16xf32>
          %add3A_330 = vector.broadcast %squeeze3A_317 : f32 to vector<16xf32>
          %add3A_331 = arith.addf %add3A_330, %get3A_325 : vector<16xf32>
          %add3A_332 = vector.broadcast %squeeze3A_319 : f32 to vector<16xf32>
          %add3A_333 = arith.addf %add3A_331, %add3A_332 : vector<16xf32>
          %eq3A_334 = arith.cmpf oeq, %add3A_329, %get3A_99 : vector<16xf32>
          %jit3A_335 = arith.constant 6 : i32
          %jit3A_336 = arith.constant 32 : i32
          %broadcast_in_dim3A_337 = vector.broadcast %jit3A_335 : i32 to vector<16xi32>
          %broadcast_in_dim3A_338 = vector.broadcast %jit3A_336 : i32 to vector<16xi32>
          %select_n3A_339 = arith.select %eq3A_334, %broadcast_in_dim3A_337, %broadcast_in_dim3A_338 : vector<16xi1>, vector<16xi32>
          %min3A_340 = arith.minsi %min3A_308, %select_n3A_339 : vector<16xi32>
          %eq3A_341 = arith.cmpf oeq, %add3A_333, %get3A_106 : vector<16xf32>
          %jit3A_342 = arith.constant 6 : i32
          %jit3A_343 = arith.constant 32 : i32
          %broadcast_in_dim3A_344 = vector.broadcast %jit3A_342 : i32 to vector<16xi32>
          %broadcast_in_dim3A_345 = vector.broadcast %jit3A_343 : i32 to vector<16xi32>
          %select_n3A_346 = arith.select %eq3A_341, %broadcast_in_dim3A_344, %broadcast_in_dim3A_345 : vector<16xi1>, vector<16xi32>
          %min3A_347 = arith.minsi %min3A_315, %select_n3A_346 : vector<16xi32>
          %slice3A_348 = vector.extract_strided_slice %get3A_85 {offsets = [7], sizes = [1], strides = [1]} : vector<16xf32> to vector<1xf32>
          %squeeze3A_349 = vector.extract %slice3A_348[0] : f32 from vector<1xf32>
          %slice3A_350 = vector.extract_strided_slice %get3A_113 {offsets = [7], sizes = [1], strides = [1]} : vector<16xf32> to vector<1xf32>
          %squeeze3A_351 = vector.extract %slice3A_350[0] : f32 from vector<1xf32>
          %get3A_352 = arith.constant 224 : index
          %get3A_353 = tpu.vector_load %arg6[%get3A_352] {strides = array<i32>} : memref<1024xf32, #tpu.memory_space<vmem>>, vector<16xf32>,
          %get3A_354 = vector.shape_cast %get3A_353 : vector<16xf32> to vector<16xf32>
          %get3A_355 = arith.constant 240 : index
          %get3A_356 = tpu.vector_load %arg6[%get3A_355] {strides = array<i32>} : memref<1024xf32, #tpu.memory_space<vmem>>, vector<16xf32>,
          %get3A_357 = vector.shape_cast %get3A_356 : vector<16xf32> to vector<16xf32>
          %add3A_358 = vector.broadcast %squeeze3A_349 : f32 to vector<16xf32>
          %add3A_359 = arith.addf %add3A_358, %get3A_354 : vector<16xf32>
          %add3A_360 = vector.broadcast %squeeze3A_351 : f32 to vector<16xf32>
          %add3A_361 = arith.addf %add3A_359, %add3A_360 : vector<16xf32>
          %add3A_362 = vector.broadcast %squeeze3A_349 : f32 to vector<16xf32>
          %add3A_363 = arith.addf %add3A_362, %get3A_357 : vector<16xf32>
          %add3A_364 = vector.broadcast %squeeze3A_351 : f32 to vector<16xf32>
          %add3A_365 = arith.addf %add3A_363, %add3A_364 : vector<16xf32>
          %eq3A_366 = arith.cmpf oeq, %add3A_361, %get3A_99 : vector<16xf32>
          %jit3A_367 = arith.constant 7 : i32
          %jit3A_368 = arith.constant 32 : i32
          %broadcast_in_dim3A_369 = vector.broadcast %jit3A_367 : i32 to vector<16xi32>
          %broadcast_in_dim3A_370 = vector.broadcast %jit3A_368 : i32 to vector<16xi32>
          %select_n3A_371 = arith.select %eq3A_366, %broadcast_in_dim3A_369, %broadcast_in_dim3A_370 : vector<16xi1>, vector<16xi32>
          %min3A_372 = arith.minsi %min3A_340, %select_n3A_371 : vector<16xi32>
          %eq3A_373 = arith.cmpf oeq, %add3A_365, %get3A_106 : vector<16xf32>
          %jit3A_374 = arith.constant 7 : i32
          %jit3A_375 = arith.constant 32 : i32
          %broadcast_in_dim3A_376 = vector.broadcast %jit3A_374 : i32 to vector<16xi32>
          %broadcast_in_dim3A_377 = vector.broadcast %jit3A_375 : i32 to vector<16xi32>
          %select_n3A_378 = arith.select %eq3A_373, %broadcast_in_dim3A_376, %broadcast_in_dim3A_377 : vector<16xi1>, vector<16xi32>
          %min3A_379 = arith.minsi %min3A_347, %select_n3A_378 : vector<16xi32>
          %slice3A_380 = vector.extract_strided_slice %get3A_85 {offsets = [8], sizes = [1], strides = [1]} : vector<16xf32> to vector<1xf32>
          %squeeze3A_381 = vector.extract %slice3A_380[0] : f32 from vector<1xf32>
          %slice3A_382 = vector.extract_strided_slice %get3A_113 {offsets = [8], sizes = [1], strides = [1]} : vector<16xf32> to vector<1xf32>
          %squeeze3A_383 = vector.extract %slice3A_382[0] : f32 from vector<1xf32>
          %get3A_384 = arith.constant 256 : index
          %get3A_385 = tpu.vector_load %arg6[%get3A_384] {strides = array<i32>} : memref<1024xf32, #tpu.memory_space<vmem>>, vector<16xf32>,
          %get3A_386 = vector.shape_cast %get3A_385 : vector<16xf32> to vector<16xf32>
          %get3A_387 = arith.constant 272 : index
          %get3A_388 = tpu.vector_load %arg6[%get3A_387] {strides = array<i32>} : memref<1024xf32, #tpu.memory_space<vmem>>, vector<16xf32>,
          %get3A_389 = vector.shape_cast %get3A_388 : vector<16xf32> to vector<16xf32>
          %add3A_390 = vector.broadcast %squeeze3A_381 : f32 to vector<16xf32>
          %add3A_391 = arith.addf %add3A_390, %get3A_386 : vector<16xf32>
          %add3A_392 = vector.broadcast %squeeze3A_383 : f32 to vector<16xf32>
          %add3A_393 = arith.addf %add3A_391, %add3A_392 : vector<16xf32>
          %add3A_394 = vector.broadcast %squeeze3A_381 : f32 to vector<16xf32>
          %add3A_395 = arith.addf %add3A_394, %get3A_389 : vector<16xf32>
          %add3A_396 = vector.broadcast %squeeze3A_383 : f32 to vector<16xf32>
          %add3A_397 = arith.addf %add3A_395, %add3A_396 : vector<16xf32>
          %eq3A_398 = arith.cmpf oeq, %add3A_393, %get3A_99 : vector<16xf32>
          %jit3A_399 = arith.constant 8 : i32
          %jit3A_400 = arith.constant 32 : i32
          %broadcast_in_dim3A_401 = vector.broadcast %jit3A_399 : i32 to vector<16xi32>
          %broadcast_in_dim3A_402 = vector.broadcast %jit3A_400 : i32 to vector<16xi32>
          %select_n3A_403 = arith.select %eq3A_398, %broadcast_in_dim3A_401, %broadcast_in_dim3A_402 : vector<16xi1>, vector<16xi32>
          %min3A_404 = arith.minsi %min3A_372, %select_n3A_403 : vector<16xi32>
          %eq3A_405 = arith.cmpf oeq, %add3A_397, %get3A_106 : vector<16xf32>
          %jit3A_406 = arith.constant 8 : i32
          %jit3A_407 = arith.constant 32 : i32
          %broadcast_in_dim3A_408 = vector.broadcast %jit3A_406 : i32 to vector<16xi32>
          %broadcast_in_dim3A_409 = vector.broadcast %jit3A_407 : i32 to vector<16xi32>
          %select_n3A_410 = arith.select %eq3A_405, %broadcast_in_dim3A_408, %broadcast_in_dim3A_409 : vector<16xi1>, vector<16xi32>
          %min3A_411 = arith.minsi %min3A_379, %select_n3A_410 : vector<16xi32>
          %slice3A_412 = vector.extract_strided_slice %get3A_85 {offsets = [9], sizes = [1], strides = [1]} : vector<16xf32> to vector<1xf32>
          %squeeze3A_413 = vector.extract %slice3A_412[0] : f32 from vector<1xf32>
          %slice3A_414 = vector.extract_strided_slice %get3A_113 {offsets = [9], sizes = [1], strides = [1]} : vector<16xf32> to vector<1xf32>
          %squeeze3A_415 = vector.extract %slice3A_414[0] : f32 from vector<1xf32>
          %get3A_416 = arith.constant 288 : index
          %get3A_417 = tpu.vector_load %arg6[%get3A_416] {strides = array<i32>} : memref<1024xf32, #tpu.memory_space<vmem>>, vector<16xf32>,
          %get3A_418 = vector.shape_cast %get3A_417 : vector<16xf32> to vector<16xf32>
          %get3A_419 = arith.constant 304 : index
          %get3A_420 = tpu.vector_load %arg6[%get3A_419] {strides = array<i32>} : memref<1024xf32, #tpu.memory_space<vmem>>, vector<16xf32>,
          %get3A_421 = vector.shape_cast %get3A_420 : vector<16xf32> to vector<16xf32>
          %add3A_422 = vector.broadcast %squeeze3A_413 : f32 to vector<16xf32>
          %add3A_423 = arith.addf %add3A_422, %get3A_418 : vector<16xf32>
          %add3A_424 = vector.broadcast %squeeze3A_415 : f32 to vector<16xf32>
          %add3A_425 = arith.addf %add3A_423, %add3A_424 : vector<16xf32>
          %add3A_426 = vector.broadcast %squeeze3A_413 : f32 to vector<16xf32>
          %add3A_427 = arith.addf %add3A_426, %get3A_421 : vector<16xf32>
          %add3A_428 = vector.broadcast %squeeze3A_415 : f32 to vector<16xf32>
          %add3A_429 = arith.addf %add3A_427, %add3A_428 : vector<16xf32>
          %eq3A_430 = arith.cmpf oeq, %add3A_425, %get3A_99 : vector<16xf32>
          %jit3A_431 = arith.constant 9 : i32
          %jit3A_432 = arith.constant 32 : i32
          %broadcast_in_dim3A_433 = vector.broadcast %jit3A_431 : i32 to vector<16xi32>
          %broadcast_in_dim3A_434 = vector.broadcast %jit3A_432 : i32 to vector<16xi32>
          %select_n3A_435 = arith.select %eq3A_430, %broadcast_in_dim3A_433, %broadcast_in_dim3A_434 : vector<16xi1>, vector<16xi32>
          %min3A_436 = arith.minsi %min3A_404, %select_n3A_435 : vector<16xi32>
          %eq3A_437 = arith.cmpf oeq, %add3A_429, %get3A_106 : vector<16xf32>
          %jit3A_438 = arith.constant 9 : i32
          %jit3A_439 = arith.constant 32 : i32
          %broadcast_in_dim3A_440 = vector.broadcast %jit3A_438 : i32 to vector<16xi32>
          %broadcast_in_dim3A_441 = vector.broadcast %jit3A_439 : i32 to vector<16xi32>
          %select_n3A_442 = arith.select %eq3A_437, %broadcast_in_dim3A_440, %broadcast_in_dim3A_441 : vector<16xi1>, vector<16xi32>
          %min3A_443 = arith.minsi %min3A_411, %select_n3A_442 : vector<16xi32>
          %slice3A_444 = vector.extract_strided_slice %get3A_85 {offsets = [10], sizes = [1], strides = [1]} : vector<16xf32> to vector<1xf32>
          %squeeze3A_445 = vector.extract %slice3A_444[0] : f32 from vector<1xf32>
          %slice3A_446 = vector.extract_strided_slice %get3A_113 {offsets = [10], sizes = [1], strides = [1]} : vector<16xf32> to vector<1xf32>
          %squeeze3A_447 = vector.extract %slice3A_446[0] : f32 from vector<1xf32>
          %get3A_448 = arith.constant 320 : index
          %get3A_449 = tpu.vector_load %arg6[%get3A_448] {strides = array<i32>} : memref<1024xf32, #tpu.memory_space<vmem>>, vector<16xf32>,
          %get3A_450 = vector.shape_cast %get3A_449 : vector<16xf32> to vector<16xf32>
          %get3A_451 = arith.constant 336 : index
          %get3A_452 = tpu.vector_load %arg6[%get3A_451] {strides = array<i32>} : memref<1024xf32, #tpu.memory_space<vmem>>, vector<16xf32>,
          %get3A_453 = vector.shape_cast %get3A_452 : vector<16xf32> to vector<16xf32>
          %add3A_454 = vector.broadcast %squeeze3A_445 : f32 to vector<16xf32>
          %add3A_455 = arith.addf %add3A_454, %get3A_450 : vector<16xf32>
          %add3A_456 = vector.broadcast %squeeze3A_447 : f32 to vector<16xf32>
          %add3A_457 = arith.addf %add3A_455, %add3A_456 : vector<16xf32>
          %add3A_458 = vector.broadcast %squeeze3A_445 : f32 to vector<16xf32>
          %add3A_459 = arith.addf %add3A_458, %get3A_453 : vector<16xf32>
          %add3A_460 = vector.broadcast %squeeze3A_447 : f32 to vector<16xf32>
          %add3A_461 = arith.addf %add3A_459, %add3A_460 : vector<16xf32>
          %eq3A_462 = arith.cmpf oeq, %add3A_457, %get3A_99 : vector<16xf32>
          %jit3A_463 = arith.constant 10 : i32
          %jit3A_464 = arith.constant 32 : i32
          %broadcast_in_dim3A_465 = vector.broadcast %jit3A_463 : i32 to vector<16xi32>
          %broadcast_in_dim3A_466 = vector.broadcast %jit3A_464 : i32 to vector<16xi32>
          %select_n3A_467 = arith.select %eq3A_462, %broadcast_in_dim3A_465, %broadcast_in_dim3A_466 : vector<16xi1>, vector<16xi32>
          %min3A_468 = arith.minsi %min3A_436, %select_n3A_467 : vector<16xi32>
          %eq3A_469 = arith.cmpf oeq, %add3A_461, %get3A_106 : vector<16xf32>
          %jit3A_470 = arith.constant 10 : i32
          %jit3A_471 = arith.constant 32 : i32
          %broadcast_in_dim3A_472 = vector.broadcast %jit3A_470 : i32 to vector<16xi32>
          %broadcast_in_dim3A_473 = vector.broadcast %jit3A_471 : i32 to vector<16xi32>
          %select_n3A_474 = arith.select %eq3A_469, %broadcast_in_dim3A_472, %broadcast_in_dim3A_473 : vector<16xi1>, vector<16xi32>
          %min3A_475 = arith.minsi %min3A_443, %select_n3A_474 : vector<16xi32>
          %slice3A_476 = vector.extract_strided_slice %get3A_85 {offsets = [11], sizes = [1], strides = [1]} : vector<16xf32> to vector<1xf32>
          %squeeze3A_477 = vector.extract %slice3A_476[0] : f32 from vector<1xf32>
          %slice3A_478 = vector.extract_strided_slice %get3A_113 {offsets = [11], sizes = [1], strides = [1]} : vector<16xf32> to vector<1xf32>
          %squeeze3A_479 = vector.extract %slice3A_478[0] : f32 from vector<1xf32>
          %get3A_480 = arith.constant 352 : index
          %get3A_481 = tpu.vector_load %arg6[%get3A_480] {strides = array<i32>} : memref<1024xf32, #tpu.memory_space<vmem>>, vector<16xf32>,
          %get3A_482 = vector.shape_cast %get3A_481 : vector<16xf32> to vector<16xf32>
          %get3A_483 = arith.constant 368 : index
          %get3A_484 = tpu.vector_load %arg6[%get3A_483] {strides = array<i32>} : memref<1024xf32, #tpu.memory_space<vmem>>, vector<16xf32>,
          %get3A_485 = vector.shape_cast %get3A_484 : vector<16xf32> to vector<16xf32>
          %add3A_486 = vector.broadcast %squeeze3A_477 : f32 to vector<16xf32>
          %add3A_487 = arith.addf %add3A_486, %get3A_482 : vector<16xf32>
          %add3A_488 = vector.broadcast %squeeze3A_479 : f32 to vector<16xf32>
          %add3A_489 = arith.addf %add3A_487, %add3A_488 : vector<16xf32>
          %add3A_490 = vector.broadcast %squeeze3A_477 : f32 to vector<16xf32>
          %add3A_491 = arith.addf %add3A_490, %get3A_485 : vector<16xf32>
          %add3A_492 = vector.broadcast %squeeze3A_479 : f32 to vector<16xf32>
          %add3A_493 = arith.addf %add3A_491, %add3A_492 : vector<16xf32>
          %eq3A_494 = arith.cmpf oeq, %add3A_489, %get3A_99 : vector<16xf32>
          %jit3A_495 = arith.constant 11 : i32
          %jit3A_496 = arith.constant 32 : i32
          %broadcast_in_dim3A_497 = vector.broadcast %jit3A_495 : i32 to vector<16xi32>
          %broadcast_in_dim3A_498 = vector.broadcast %jit3A_496 : i32 to vector<16xi32>
          %select_n3A_499 = arith.select %eq3A_494, %broadcast_in_dim3A_497, %broadcast_in_dim3A_498 : vector<16xi1>, vector<16xi32>
          %min3A_500 = arith.minsi %min3A_468, %select_n3A_499 : vector<16xi32>
          %eq3A_501 = arith.cmpf oeq, %add3A_493, %get3A_106 : vector<16xf32>
          %jit3A_502 = arith.constant 11 : i32
          %jit3A_503 = arith.constant 32 : i32
          %broadcast_in_dim3A_504 = vector.broadcast %jit3A_502 : i32 to vector<16xi32>
          %broadcast_in_dim3A_505 = vector.broadcast %jit3A_503 : i32 to vector<16xi32>
          %select_n3A_506 = arith.select %eq3A_501, %broadcast_in_dim3A_504, %broadcast_in_dim3A_505 : vector<16xi1>, vector<16xi32>
          %min3A_507 = arith.minsi %min3A_475, %select_n3A_506 : vector<16xi32>
          %slice3A_508 = vector.extract_strided_slice %get3A_85 {offsets = [12], sizes = [1], strides = [1]} : vector<16xf32> to vector<1xf32>
          %squeeze3A_509 = vector.extract %slice3A_508[0] : f32 from vector<1xf32>
          %slice3A_510 = vector.extract_strided_slice %get3A_113 {offsets = [12], sizes = [1], strides = [1]} : vector<16xf32> to vector<1xf32>
          %squeeze3A_511 = vector.extract %slice3A_510[0] : f32 from vector<1xf32>
          %get3A_512 = arith.constant 384 : index
          %get3A_513 = tpu.vector_load %arg6[%get3A_512] {strides = array<i32>} : memref<1024xf32, #tpu.memory_space<vmem>>, vector<16xf32>,
          %get3A_514 = vector.shape_cast %get3A_513 : vector<16xf32> to vector<16xf32>
          %get3A_515 = arith.constant 400 : index
          %get3A_516 = tpu.vector_load %arg6[%get3A_515] {strides = array<i32>} : memref<1024xf32, #tpu.memory_space<vmem>>, vector<16xf32>,
          %get3A_517 = vector.shape_cast %get3A_516 : vector<16xf32> to vector<16xf32>
          %add3A_518 = vector.broadcast %squeeze3A_509 : f32 to vector<16xf32>
          %add3A_519 = arith.addf %add3A_518, %get3A_514 : vector<16xf32>
          %add3A_520 = vector.broadcast %squeeze3A_511 : f32 to vector<16xf32>
          %add3A_521 = arith.addf %add3A_519, %add3A_520 : vector<16xf32>
          %add3A_522 = vector.broadcast %squeeze3A_509 : f32 to vector<16xf32>
          %add3A_523 = arith.addf %add3A_522, %get3A_517 : vector<16xf32>
          %add3A_524 = vector.broadcast %squeeze3A_511 : f32 to vector<16xf32>
          %add3A_525 = arith.addf %add3A_523, %add3A_524 : vector<16xf32>
          %eq3A_526 = arith.cmpf oeq, %add3A_521, %get3A_99 : vector<16xf32>
          %jit3A_527 = arith.constant 12 : i32
          %jit3A_528 = arith.constant 32 : i32
          %broadcast_in_dim3A_529 = vector.broadcast %jit3A_527 : i32 to vector<16xi32>
          %broadcast_in_dim3A_530 = vector.broadcast %jit3A_528 : i32 to vector<16xi32>
          %select_n3A_531 = arith.select %eq3A_526, %broadcast_in_dim3A_529, %broadcast_in_dim3A_530 : vector<16xi1>, vector<16xi32>
          %min3A_532 = arith.minsi %min3A_500, %select_n3A_531 : vector<16xi32>
          %eq3A_533 = arith.cmpf oeq, %add3A_525, %get3A_106 : vector<16xf32>
          %jit3A_534 = arith.constant 12 : i32
          %jit3A_535 = arith.constant 32 : i32
          %broadcast_in_dim3A_536 = vector.broadcast %jit3A_534 : i32 to vector<16xi32>
          %broadcast_in_dim3A_537 = vector.broadcast %jit3A_535 : i32 to vector<16xi32>
          %select_n3A_538 = arith.select %eq3A_533, %broadcast_in_dim3A_536, %broadcast_in_dim3A_537 : vector<16xi1>, vector<16xi32>
          %min3A_539 = arith.minsi %min3A_507, %select_n3A_538 : vector<16xi32>
          %slice3A_540 = vector.extract_strided_slice %get3A_85 {offsets = [13], sizes = [1], strides = [1]} : vector<16xf32> to vector<1xf32>
          %squeeze3A_541 = vector.extract %slice3A_540[0] : f32 from vector<1xf32>
          %slice3A_542 = vector.extract_strided_slice %get3A_113 {offsets = [13], sizes = [1], strides = [1]} : vector<16xf32> to vector<1xf32>
          %squeeze3A_543 = vector.extract %slice3A_542[0] : f32 from vector<1xf32>
          %get3A_544 = arith.constant 416 : index
          %get3A_545 = tpu.vector_load %arg6[%get3A_544] {strides = array<i32>} : memref<1024xf32, #tpu.memory_space<vmem>>, vector<16xf32>,
          %get3A_546 = vector.shape_cast %get3A_545 : vector<16xf32> to vector<16xf32>
          %get3A_547 = arith.constant 432 : index
          %get3A_548 = tpu.vector_load %arg6[%get3A_547] {strides = array<i32>} : memref<1024xf32, #tpu.memory_space<vmem>>, vector<16xf32>,
          %get3A_549 = vector.shape_cast %get3A_548 : vector<16xf32> to vector<16xf32>
          %add3A_550 = vector.broadcast %squeeze3A_541 : f32 to vector<16xf32>
          %add3A_551 = arith.addf %add3A_550, %get3A_546 : vector<16xf32>
          %add3A_552 = vector.broadcast %squeeze3A_543 : f32 to vector<16xf32>
          %add3A_553 = arith.addf %add3A_551, %add3A_552 : vector<16xf32>
          %add3A_554 = vector.broadcast %squeeze3A_541 : f32 to vector<16xf32>
          %add3A_555 = arith.addf %add3A_554, %get3A_549 : vector<16xf32>
          %add3A_556 = vector.broadcast %squeeze3A_543 : f32 to vector<16xf32>
          %add3A_557 = arith.addf %add3A_555, %add3A_556 : vector<16xf32>
          %eq3A_558 = arith.cmpf oeq, %add3A_553, %get3A_99 : vector<16xf32>
          %jit3A_559 = arith.constant 13 : i32
          %jit3A_560 = arith.constant 32 : i32
          %broadcast_in_dim3A_561 = vector.broadcast %jit3A_559 : i32 to vector<16xi32>
          %broadcast_in_dim3A_562 = vector.broadcast %jit3A_560 : i32 to vector<16xi32>
          %select_n3A_563 = arith.select %eq3A_558, %broadcast_in_dim3A_561, %broadcast_in_dim3A_562 : vector<16xi1>, vector<16xi32>
          %min3A_564 = arith.minsi %min3A_532, %select_n3A_563 : vector<16xi32>
          %eq3A_565 = arith.cmpf oeq, %add3A_557, %get3A_106 : vector<16xf32>
          %jit3A_566 = arith.constant 13 : i32
          %jit3A_567 = arith.constant 32 : i32
          %broadcast_in_dim3A_568 = vector.broadcast %jit3A_566 : i32 to vector<16xi32>
          %broadcast_in_dim3A_569 = vector.broadcast %jit3A_567 : i32 to vector<16xi32>
          %select_n3A_570 = arith.select %eq3A_565, %broadcast_in_dim3A_568, %broadcast_in_dim3A_569 : vector<16xi1>, vector<16xi32>
          %min3A_571 = arith.minsi %min3A_539, %select_n3A_570 : vector<16xi32>
          %slice3A_572 = vector.extract_strided_slice %get3A_85 {offsets = [14], sizes = [1], strides = [1]} : vector<16xf32> to vector<1xf32>
          %squeeze3A_573 = vector.extract %slice3A_572[0] : f32 from vector<1xf32>
          %slice3A_574 = vector.extract_strided_slice %get3A_113 {offsets = [14], sizes = [1], strides = [1]} : vector<16xf32> to vector<1xf32>
          %squeeze3A_575 = vector.extract %slice3A_574[0] : f32 from vector<1xf32>
          %get3A_576 = arith.constant 448 : index
          %get3A_577 = tpu.vector_load %arg6[%get3A_576] {strides = array<i32>} : memref<1024xf32, #tpu.memory_space<vmem>>, vector<16xf32>,
          %get3A_578 = vector.shape_cast %get3A_577 : vector<16xf32> to vector<16xf32>
          %get3A_579 = arith.constant 464 : index
          %get3A_580 = tpu.vector_load %arg6[%get3A_579] {strides = array<i32>} : memref<1024xf32, #tpu.memory_space<vmem>>, vector<16xf32>,
          %get3A_581 = vector.shape_cast %get3A_580 : vector<16xf32> to vector<16xf32>
          %add3A_582 = vector.broadcast %squeeze3A_573 : f32 to vector<16xf32>
          %add3A_583 = arith.addf %add3A_582, %get3A_578 : vector<16xf32>
          %add3A_584 = vector.broadcast %squeeze3A_575 : f32 to vector<16xf32>
          %add3A_585 = arith.addf %add3A_583, %add3A_584 : vector<16xf32>
          %add3A_586 = vector.broadcast %squeeze3A_573 : f32 to vector<16xf32>
          %add3A_587 = arith.addf %add3A_586, %get3A_581 : vector<16xf32>
          %add3A_588 = vector.broadcast %squeeze3A_575 : f32 to vector<16xf32>
          %add3A_589 = arith.addf %add3A_587, %add3A_588 : vector<16xf32>
          %eq3A_590 = arith.cmpf oeq, %add3A_585, %get3A_99 : vector<16xf32>
          %jit3A_591 = arith.constant 14 : i32
          %jit3A_592 = arith.constant 32 : i32
          %broadcast_in_dim3A_593 = vector.broadcast %jit3A_591 : i32 to vector<16xi32>
          %broadcast_in_dim3A_594 = vector.broadcast %jit3A_592 : i32 to vector<16xi32>
          %select_n3A_595 = arith.select %eq3A_590, %broadcast_in_dim3A_593, %broadcast_in_dim3A_594 : vector<16xi1>, vector<16xi32>
          %min3A_596 = arith.minsi %min3A_564, %select_n3A_595 : vector<16xi32>
          %eq3A_597 = arith.cmpf oeq, %add3A_589, %get3A_106 : vector<16xf32>
          %jit3A_598 = arith.constant 14 : i32
          %jit3A_599 = arith.constant 32 : i32
          %broadcast_in_dim3A_600 = vector.broadcast %jit3A_598 : i32 to vector<16xi32>
          %broadcast_in_dim3A_601 = vector.broadcast %jit3A_599 : i32 to vector<16xi32>
          %select_n3A_602 = arith.select %eq3A_597, %broadcast_in_dim3A_600, %broadcast_in_dim3A_601 : vector<16xi1>, vector<16xi32>
          %min3A_603 = arith.minsi %min3A_571, %select_n3A_602 : vector<16xi32>
          %slice3A_604 = vector.extract_strided_slice %get3A_85 {offsets = [15], sizes = [1], strides = [1]} : vector<16xf32> to vector<1xf32>
          %squeeze3A_605 = vector.extract %slice3A_604[0] : f32 from vector<1xf32>
          %slice3A_606 = vector.extract_strided_slice %get3A_113 {offsets = [15], sizes = [1], strides = [1]} : vector<16xf32> to vector<1xf32>
          %squeeze3A_607 = vector.extract %slice3A_606[0] : f32 from vector<1xf32>
          %get3A_608 = arith.constant 480 : index
          %get3A_609 = tpu.vector_load %arg6[%get3A_608] {strides = array<i32>} : memref<1024xf32, #tpu.memory_space<vmem>>, vector<16xf32>,
          %get3A_610 = vector.shape_cast %get3A_609 : vector<16xf32> to vector<16xf32>
          %get3A_611 = arith.constant 496 : index
          %get3A_612 = tpu.vector_load %arg6[%get3A_611] {strides = array<i32>} : memref<1024xf32, #tpu.memory_space<vmem>>, vector<16xf32>,
          %get3A_613 = vector.shape_cast %get3A_612 : vector<16xf32> to vector<16xf32>
          %add3A_614 = vector.broadcast %squeeze3A_605 : f32 to vector<16xf32>
          %add3A_615 = arith.addf %add3A_614, %get3A_610 : vector<16xf32>
          %add3A_616 = vector.broadcast %squeeze3A_607 : f32 to vector<16xf32>
          %add3A_617 = arith.addf %add3A_615, %add3A_616 : vector<16xf32>
          %add3A_618 = vector.broadcast %squeeze3A_605 : f32 to vector<16xf32>
          %add3A_619 = arith.addf %add3A_618, %get3A_613 : vector<16xf32>
          %add3A_620 = vector.broadcast %squeeze3A_607 : f32 to vector<16xf32>
          %add3A_621 = arith.addf %add3A_619, %add3A_620 : vector<16xf32>
          %eq3A_622 = arith.cmpf oeq, %add3A_617, %get3A_99 : vector<16xf32>
          %jit3A_623 = arith.constant 15 : i32
          %jit3A_624 = arith.constant 32 : i32
          %broadcast_in_dim3A_625 = vector.broadcast %jit3A_623 : i32 to vector<16xi32>
          %broadcast_in_dim3A_626 = vector.broadcast %jit3A_624 : i32 to vector<16xi32>
          %select_n3A_627 = arith.select %eq3A_622, %broadcast_in_dim3A_625, %broadcast_in_dim3A_626 : vector<16xi1>, vector<16xi32>
          %min3A_628 = arith.minsi %min3A_596, %select_n3A_627 : vector<16xi32>
          %eq3A_629 = arith.cmpf oeq, %add3A_621, %get3A_106 : vector<16xf32>
          %jit3A_630 = arith.constant 15 : i32
          %jit3A_631 = arith.constant 32 : i32
          %broadcast_in_dim3A_632 = vector.broadcast %jit3A_630 : i32 to vector<16xi32>
          %broadcast_in_dim3A_633 = vector.broadcast %jit3A_631 : i32 to vector<16xi32>
          %select_n3A_634 = arith.select %eq3A_629, %broadcast_in_dim3A_632, %broadcast_in_dim3A_633 : vector<16xi1>, vector<16xi32>
          %min3A_635 = arith.minsi %min3A_603, %select_n3A_634 : vector<16xi32>
          %slice3A_636 = vector.extract_strided_slice %get3A_94 {offsets = [0], sizes = [1], strides = [1]} : vector<16xf32> to vector<1xf32>
          %squeeze3A_637 = vector.extract %slice3A_636[0] : f32 from vector<1xf32>
          %slice3A_638 = vector.extract_strided_slice %get3A_122 {offsets = [0], sizes = [1], strides = [1]} : vector<16xf32> to vector<1xf32>
          %squeeze3A_639 = vector.extract %slice3A_638[0] : f32 from vector<1xf32>
          %get3A_640 = arith.constant 512 : index
          %get3A_641 = tpu.vector_load %arg6[%get3A_640] {strides = array<i32>} : memref<1024xf32, #tpu.memory_space<vmem>>, vector<16xf32>,
          %get3A_642 = vector.shape_cast %get3A_641 : vector<16xf32> to vector<16xf32>
          %get3A_643 = arith.constant 528 : index
          %get3A_644 = tpu.vector_load %arg6[%get3A_643] {strides = array<i32>} : memref<1024xf32, #tpu.memory_space<vmem>>, vector<16xf32>,
          %get3A_645 = vector.shape_cast %get3A_644 : vector<16xf32> to vector<16xf32>
          %add3A_646 = vector.broadcast %squeeze3A_637 : f32 to vector<16xf32>
          %add3A_647 = arith.addf %add3A_646, %get3A_642 : vector<16xf32>
          %add3A_648 = vector.broadcast %squeeze3A_639 : f32 to vector<16xf32>
          %add3A_649 = arith.addf %add3A_647, %add3A_648 : vector<16xf32>
          %add3A_650 = vector.broadcast %squeeze3A_637 : f32 to vector<16xf32>
          %add3A_651 = arith.addf %add3A_650, %get3A_645 : vector<16xf32>
          %add3A_652 = vector.broadcast %squeeze3A_639 : f32 to vector<16xf32>
          %add3A_653 = arith.addf %add3A_651, %add3A_652 : vector<16xf32>
          %eq3A_654 = arith.cmpf oeq, %add3A_649, %get3A_99 : vector<16xf32>
          %jit3A_655 = arith.constant 16 : i32
          %jit3A_656 = arith.constant 32 : i32
          %broadcast_in_dim3A_657 = vector.broadcast %jit3A_655 : i32 to vector<16xi32>
          %broadcast_in_dim3A_658 = vector.broadcast %jit3A_656 : i32 to vector<16xi32>
          %select_n3A_659 = arith.select %eq3A_654, %broadcast_in_dim3A_657, %broadcast_in_dim3A_658 : vector<16xi1>, vector<16xi32>
          %min3A_660 = arith.minsi %min3A_628, %select_n3A_659 : vector<16xi32>
          %eq3A_661 = arith.cmpf oeq, %add3A_653, %get3A_106 : vector<16xf32>
          %jit3A_662 = arith.constant 16 : i32
          %jit3A_663 = arith.constant 32 : i32
          %broadcast_in_dim3A_664 = vector.broadcast %jit3A_662 : i32 to vector<16xi32>
          %broadcast_in_dim3A_665 = vector.broadcast %jit3A_663 : i32 to vector<16xi32>
          %select_n3A_666 = arith.select %eq3A_661, %broadcast_in_dim3A_664, %broadcast_in_dim3A_665 : vector<16xi1>, vector<16xi32>
          %min3A_667 = arith.minsi %min3A_635, %select_n3A_666 : vector<16xi32>
          %slice3A_668 = vector.extract_strided_slice %get3A_94 {offsets = [1], sizes = [1], strides = [1]} : vector<16xf32> to vector<1xf32>
          %squeeze3A_669 = vector.extract %slice3A_668[0] : f32 from vector<1xf32>
          %slice3A_670 = vector.extract_strided_slice %get3A_122 {offsets = [1], sizes = [1], strides = [1]} : vector<16xf32> to vector<1xf32>
          %squeeze3A_671 = vector.extract %slice3A_670[0] : f32 from vector<1xf32>
          %get3A_672 = arith.constant 544 : index
          %get3A_673 = tpu.vector_load %arg6[%get3A_672] {strides = array<i32>} : memref<1024xf32, #tpu.memory_space<vmem>>, vector<16xf32>,
          %get3A_674 = vector.shape_cast %get3A_673 : vector<16xf32> to vector<16xf32>
          %get3A_675 = arith.constant 560 : index
          %get3A_676 = tpu.vector_load %arg6[%get3A_675] {strides = array<i32>} : memref<1024xf32, #tpu.memory_space<vmem>>, vector<16xf32>,
          %get3A_677 = vector.shape_cast %get3A_676 : vector<16xf32> to vector<16xf32>
          %add3A_678 = vector.broadcast %squeeze3A_669 : f32 to vector<16xf32>
          %add3A_679 = arith.addf %add3A_678, %get3A_674 : vector<16xf32>
          %add3A_680 = vector.broadcast %squeeze3A_671 : f32 to vector<16xf32>
          %add3A_681 = arith.addf %add3A_679, %add3A_680 : vector<16xf32>
          %add3A_682 = vector.broadcast %squeeze3A_669 : f32 to vector<16xf32>
          %add3A_683 = arith.addf %add3A_682, %get3A_677 : vector<16xf32>
          %add3A_684 = vector.broadcast %squeeze3A_671 : f32 to vector<16xf32>
          %add3A_685 = arith.addf %add3A_683, %add3A_684 : vector<16xf32>
          %eq3A_686 = arith.cmpf oeq, %add3A_681, %get3A_99 : vector<16xf32>
          %jit3A_687 = arith.constant 17 : i32
          %jit3A_688 = arith.constant 32 : i32
          %broadcast_in_dim3A_689 = vector.broadcast %jit3A_687 : i32 to vector<16xi32>
          %broadcast_in_dim3A_690 = vector.broadcast %jit3A_688 : i32 to vector<16xi32>
          %select_n3A_691 = arith.select %eq3A_686, %broadcast_in_dim3A_689, %broadcast_in_dim3A_690 : vector<16xi1>, vector<16xi32>
          %min3A_692 = arith.minsi %min3A_660, %select_n3A_691 : vector<16xi32>
          %eq3A_693 = arith.cmpf oeq, %add3A_685, %get3A_106 : vector<16xf32>
          %jit3A_694 = arith.constant 17 : i32
          %jit3A_695 = arith.constant 32 : i32
          %broadcast_in_dim3A_696 = vector.broadcast %jit3A_694 : i32 to vector<16xi32>
          %broadcast_in_dim3A_697 = vector.broadcast %jit3A_695 : i32 to vector<16xi32>
          %select_n3A_698 = arith.select %eq3A_693, %broadcast_in_dim3A_696, %broadcast_in_dim3A_697 : vector<16xi1>, vector<16xi32>
          %min3A_699 = arith.minsi %min3A_667, %select_n3A_698 : vector<16xi32>
          %slice3A_700 = vector.extract_strided_slice %get3A_94 {offsets = [2], sizes = [1], strides = [1]} : vector<16xf32> to vector<1xf32>
          %squeeze3A_701 = vector.extract %slice3A_700[0] : f32 from vector<1xf32>
          %slice3A_702 = vector.extract_strided_slice %get3A_122 {offsets = [2], sizes = [1], strides = [1]} : vector<16xf32> to vector<1xf32>
          %squeeze3A_703 = vector.extract %slice3A_702[0] : f32 from vector<1xf32>
          %get3A_704 = arith.constant 576 : index
          %get3A_705 = tpu.vector_load %arg6[%get3A_704] {strides = array<i32>} : memref<1024xf32, #tpu.memory_space<vmem>>, vector<16xf32>,
          %get3A_706 = vector.shape_cast %get3A_705 : vector<16xf32> to vector<16xf32>
          %get3A_707 = arith.constant 592 : index
          %get3A_708 = tpu.vector_load %arg6[%get3A_707] {strides = array<i32>} : memref<1024xf32, #tpu.memory_space<vmem>>, vector<16xf32>,
          %get3A_709 = vector.shape_cast %get3A_708 : vector<16xf32> to vector<16xf32>
          %add3A_710 = vector.broadcast %squeeze3A_701 : f32 to vector<16xf32>
          %add3A_711 = arith.addf %add3A_710, %get3A_706 : vector<16xf32>
          %add3A_712 = vector.broadcast %squeeze3A_703 : f32 to vector<16xf32>
          %add3A_713 = arith.addf %add3A_711, %add3A_712 : vector<16xf32>
          %add3A_714 = vector.broadcast %squeeze3A_701 : f32 to vector<16xf32>
          %add3A_715 = arith.addf %add3A_714, %get3A_709 : vector<16xf32>
          %add3A_716 = vector.broadcast %squeeze3A_703 : f32 to vector<16xf32>
          %add3A_717 = arith.addf %add3A_715, %add3A_716 : vector<16xf32>
          %eq3A_718 = arith.cmpf oeq, %add3A_713, %get3A_99 : vector<16xf32>
          %jit3A_719 = arith.constant 18 : i32
          %jit3A_720 = arith.constant 32 : i32
          %broadcast_in_dim3A_721 = vector.broadcast %jit3A_719 : i32 to vector<16xi32>
          %broadcast_in_dim3A_722 = vector.broadcast %jit3A_720 : i32 to vector<16xi32>
          %select_n3A_723 = arith.select %eq3A_718, %broadcast_in_dim3A_721, %broadcast_in_dim3A_722 : vector<16xi1>, vector<16xi32>
          %min3A_724 = arith.minsi %min3A_692, %select_n3A_723 : vector<16xi32>
          %eq3A_725 = arith.cmpf oeq, %add3A_717, %get3A_106 : vector<16xf32>
          %jit3A_726 = arith.constant 18 : i32
          %jit3A_727 = arith.constant 32 : i32
          %broadcast_in_dim3A_728 = vector.broadcast %jit3A_726 : i32 to vector<16xi32>
          %broadcast_in_dim3A_729 = vector.broadcast %jit3A_727 : i32 to vector<16xi32>
          %select_n3A_730 = arith.select %eq3A_725, %broadcast_in_dim3A_728, %broadcast_in_dim3A_729 : vector<16xi1>, vector<16xi32>
          %min3A_731 = arith.minsi %min3A_699, %select_n3A_730 : vector<16xi32>
          %slice3A_732 = vector.extract_strided_slice %get3A_94 {offsets = [3], sizes = [1], strides = [1]} : vector<16xf32> to vector<1xf32>
          %squeeze3A_733 = vector.extract %slice3A_732[0] : f32 from vector<1xf32>
          %slice3A_734 = vector.extract_strided_slice %get3A_122 {offsets = [3], sizes = [1], strides = [1]} : vector<16xf32> to vector<1xf32>
          %squeeze3A_735 = vector.extract %slice3A_734[0] : f32 from vector<1xf32>
          %get3A_736 = arith.constant 608 : index
          %get3A_737 = tpu.vector_load %arg6[%get3A_736] {strides = array<i32>} : memref<1024xf32, #tpu.memory_space<vmem>>, vector<16xf32>,
          %get3A_738 = vector.shape_cast %get3A_737 : vector<16xf32> to vector<16xf32>
          %get3A_739 = arith.constant 624 : index
          %get3A_740 = tpu.vector_load %arg6[%get3A_739] {strides = array<i32>} : memref<1024xf32, #tpu.memory_space<vmem>>, vector<16xf32>,
          %get3A_741 = vector.shape_cast %get3A_740 : vector<16xf32> to vector<16xf32>
          %add3A_742 = vector.broadcast %squeeze3A_733 : f32 to vector<16xf32>
          %add3A_743 = arith.addf %add3A_742, %get3A_738 : vector<16xf32>
          %add3A_744 = vector.broadcast %squeeze3A_735 : f32 to vector<16xf32>
          %add3A_745 = arith.addf %add3A_743, %add3A_744 : vector<16xf32>
          %add3A_746 = vector.broadcast %squeeze3A_733 : f32 to vector<16xf32>
          %add3A_747 = arith.addf %add3A_746, %get3A_741 : vector<16xf32>
          %add3A_748 = vector.broadcast %squeeze3A_735 : f32 to vector<16xf32>
          %add3A_749 = arith.addf %add3A_747, %add3A_748 : vector<16xf32>
          %eq3A_750 = arith.cmpf oeq, %add3A_745, %get3A_99 : vector<16xf32>
          %jit3A_751 = arith.constant 19 : i32
          %jit3A_752 = arith.constant 32 : i32
          %broadcast_in_dim3A_753 = vector.broadcast %jit3A_751 : i32 to vector<16xi32>
          %broadcast_in_dim3A_754 = vector.broadcast %jit3A_752 : i32 to vector<16xi32>
          %select_n3A_755 = arith.select %eq3A_750, %broadcast_in_dim3A_753, %broadcast_in_dim3A_754 : vector<16xi1>, vector<16xi32>
          %min3A_756 = arith.minsi %min3A_724, %select_n3A_755 : vector<16xi32>
          %eq3A_757 = arith.cmpf oeq, %add3A_749, %get3A_106 : vector<16xf32>
          %jit3A_758 = arith.constant 19 : i32
          %jit3A_759 = arith.constant 32 : i32
          %broadcast_in_dim3A_760 = vector.broadcast %jit3A_758 : i32 to vector<16xi32>
          %broadcast_in_dim3A_761 = vector.broadcast %jit3A_759 : i32 to vector<16xi32>
          %select_n3A_762 = arith.select %eq3A_757, %broadcast_in_dim3A_760, %broadcast_in_dim3A_761 : vector<16xi1>, vector<16xi32>
          %min3A_763 = arith.minsi %min3A_731, %select_n3A_762 : vector<16xi32>
          %slice3A_764 = vector.extract_strided_slice %get3A_94 {offsets = [4], sizes = [1], strides = [1]} : vector<16xf32> to vector<1xf32>
          %squeeze3A_765 = vector.extract %slice3A_764[0] : f32 from vector<1xf32>
          %slice3A_766 = vector.extract_strided_slice %get3A_122 {offsets = [4], sizes = [1], strides = [1]} : vector<16xf32> to vector<1xf32>
          %squeeze3A_767 = vector.extract %slice3A_766[0] : f32 from vector<1xf32>
          %get3A_768 = arith.constant 640 : index
          %get3A_769 = tpu.vector_load %arg6[%get3A_768] {strides = array<i32>} : memref<1024xf32, #tpu.memory_space<vmem>>, vector<16xf32>,
          %get3A_770 = vector.shape_cast %get3A_769 : vector<16xf32> to vector<16xf32>
          %get3A_771 = arith.constant 656 : index
          %get3A_772 = tpu.vector_load %arg6[%get3A_771] {strides = array<i32>} : memref<1024xf32, #tpu.memory_space<vmem>>, vector<16xf32>,
          %get3A_773 = vector.shape_cast %get3A_772 : vector<16xf32> to vector<16xf32>
          %add3A_774 = vector.broadcast %squeeze3A_765 : f32 to vector<16xf32>
          %add3A_775 = arith.addf %add3A_774, %get3A_770 : vector<16xf32>
          %add3A_776 = vector.broadcast %squeeze3A_767 : f32 to vector<16xf32>
          %add3A_777 = arith.addf %add3A_775, %add3A_776 : vector<16xf32>
          %add3A_778 = vector.broadcast %squeeze3A_765 : f32 to vector<16xf32>
          %add3A_779 = arith.addf %add3A_778, %get3A_773 : vector<16xf32>
          %add3A_780 = vector.broadcast %squeeze3A_767 : f32 to vector<16xf32>
          %add3A_781 = arith.addf %add3A_779, %add3A_780 : vector<16xf32>
          %eq3A_782 = arith.cmpf oeq, %add3A_777, %get3A_99 : vector<16xf32>
          %jit3A_783 = arith.constant 20 : i32
          %jit3A_784 = arith.constant 32 : i32
          %broadcast_in_dim3A_785 = vector.broadcast %jit3A_783 : i32 to vector<16xi32>
          %broadcast_in_dim3A_786 = vector.broadcast %jit3A_784 : i32 to vector<16xi32>
          %select_n3A_787 = arith.select %eq3A_782, %broadcast_in_dim3A_785, %broadcast_in_dim3A_786 : vector<16xi1>, vector<16xi32>
          %min3A_788 = arith.minsi %min3A_756, %select_n3A_787 : vector<16xi32>
          %eq3A_789 = arith.cmpf oeq, %add3A_781, %get3A_106 : vector<16xf32>
          %jit3A_790 = arith.constant 20 : i32
          %jit3A_791 = arith.constant 32 : i32
          %broadcast_in_dim3A_792 = vector.broadcast %jit3A_790 : i32 to vector<16xi32>
          %broadcast_in_dim3A_793 = vector.broadcast %jit3A_791 : i32 to vector<16xi32>
          %select_n3A_794 = arith.select %eq3A_789, %broadcast_in_dim3A_792, %broadcast_in_dim3A_793 : vector<16xi1>, vector<16xi32>
          %min3A_795 = arith.minsi %min3A_763, %select_n3A_794 : vector<16xi32>
          %slice3A_796 = vector.extract_strided_slice %get3A_94 {offsets = [5], sizes = [1], strides = [1]} : vector<16xf32> to vector<1xf32>
          %squeeze3A_797 = vector.extract %slice3A_796[0] : f32 from vector<1xf32>
          %slice3A_798 = vector.extract_strided_slice %get3A_122 {offsets = [5], sizes = [1], strides = [1]} : vector<16xf32> to vector<1xf32>
          %squeeze3A_799 = vector.extract %slice3A_798[0] : f32 from vector<1xf32>
          %get3A_800 = arith.constant 672 : index
          %get3A_801 = tpu.vector_load %arg6[%get3A_800] {strides = array<i32>} : memref<1024xf32, #tpu.memory_space<vmem>>, vector<16xf32>,
          %get3A_802 = vector.shape_cast %get3A_801 : vector<16xf32> to vector<16xf32>
          %get3A_803 = arith.constant 688 : index
          %get3A_804 = tpu.vector_load %arg6[%get3A_803] {strides = array<i32>} : memref<1024xf32, #tpu.memory_space<vmem>>, vector<16xf32>,
          %get3A_805 = vector.shape_cast %get3A_804 : vector<16xf32> to vector<16xf32>
          %add3A_806 = vector.broadcast %squeeze3A_797 : f32 to vector<16xf32>
          %add3A_807 = arith.addf %add3A_806, %get3A_802 : vector<16xf32>
          %add3A_808 = vector.broadcast %squeeze3A_799 : f32 to vector<16xf32>
          %add3A_809 = arith.addf %add3A_807, %add3A_808 : vector<16xf32>
          %add3A_810 = vector.broadcast %squeeze3A_797 : f32 to vector<16xf32>
          %add3A_811 = arith.addf %add3A_810, %get3A_805 : vector<16xf32>
          %add3A_812 = vector.broadcast %squeeze3A_799 : f32 to vector<16xf32>
          %add3A_813 = arith.addf %add3A_811, %add3A_812 : vector<16xf32>
          %eq3A_814 = arith.cmpf oeq, %add3A_809, %get3A_99 : vector<16xf32>
          %jit3A_815 = arith.constant 21 : i32
          %jit3A_816 = arith.constant 32 : i32
          %broadcast_in_dim3A_817 = vector.broadcast %jit3A_815 : i32 to vector<16xi32>
          %broadcast_in_dim3A_818 = vector.broadcast %jit3A_816 : i32 to vector<16xi32>
          %select_n3A_819 = arith.select %eq3A_814, %broadcast_in_dim3A_817, %broadcast_in_dim3A_818 : vector<16xi1>, vector<16xi32>
          %min3A_820 = arith.minsi %min3A_788, %select_n3A_819 : vector<16xi32>
          %eq3A_821 = arith.cmpf oeq, %add3A_813, %get3A_106 : vector<16xf32>
          %jit3A_822 = arith.constant 21 : i32
          %jit3A_823 = arith.constant 32 : i32
          %broadcast_in_dim3A_824 = vector.broadcast %jit3A_822 : i32 to vector<16xi32>
          %broadcast_in_dim3A_825 = vector.broadcast %jit3A_823 : i32 to vector<16xi32>
          %select_n3A_826 = arith.select %eq3A_821, %broadcast_in_dim3A_824, %broadcast_in_dim3A_825 : vector<16xi1>, vector<16xi32>
          %min3A_827 = arith.minsi %min3A_795, %select_n3A_826 : vector<16xi32>
          %slice3A_828 = vector.extract_strided_slice %get3A_94 {offsets = [6], sizes = [1], strides = [1]} : vector<16xf32> to vector<1xf32>
          %squeeze3A_829 = vector.extract %slice3A_828[0] : f32 from vector<1xf32>
          %slice3A_830 = vector.extract_strided_slice %get3A_122 {offsets = [6], sizes = [1], strides = [1]} : vector<16xf32> to vector<1xf32>
          %squeeze3A_831 = vector.extract %slice3A_830[0] : f32 from vector<1xf32>
          %get3A_832 = arith.constant 704 : index
          %get3A_833 = tpu.vector_load %arg6[%get3A_832] {strides = array<i32>} : memref<1024xf32, #tpu.memory_space<vmem>>, vector<16xf32>,
          %get3A_834 = vector.shape_cast %get3A_833 : vector<16xf32> to vector<16xf32>
          %get3A_835 = arith.constant 720 : index
          %get3A_836 = tpu.vector_load %arg6[%get3A_835] {strides = array<i32>} : memref<1024xf32, #tpu.memory_space<vmem>>, vector<16xf32>,
          %get3A_837 = vector.shape_cast %get3A_836 : vector<16xf32> to vector<16xf32>
          %add3A_838 = vector.broadcast %squeeze3A_829 : f32 to vector<16xf32>
          %add3A_839 = arith.addf %add3A_838, %get3A_834 : vector<16xf32>
          %add3A_840 = vector.broadcast %squeeze3A_831 : f32 to vector<16xf32>
          %add3A_841 = arith.addf %add3A_839, %add3A_840 : vector<16xf32>
          %add3A_842 = vector.broadcast %squeeze3A_829 : f32 to vector<16xf32>
          %add3A_843 = arith.addf %add3A_842, %get3A_837 : vector<16xf32>
          %add3A_844 = vector.broadcast %squeeze3A_831 : f32 to vector<16xf32>
          %add3A_845 = arith.addf %add3A_843, %add3A_844 : vector<16xf32>
          %eq3A_846 = arith.cmpf oeq, %add3A_841, %get3A_99 : vector<16xf32>
          %jit3A_847 = arith.constant 22 : i32
          %jit3A_848 = arith.constant 32 : i32
          %broadcast_in_dim3A_849 = vector.broadcast %jit3A_847 : i32 to vector<16xi32>
          %broadcast_in_dim3A_850 = vector.broadcast %jit3A_848 : i32 to vector<16xi32>
          %select_n3A_851 = arith.select %eq3A_846, %broadcast_in_dim3A_849, %broadcast_in_dim3A_850 : vector<16xi1>, vector<16xi32>
          %min3A_852 = arith.minsi %min3A_820, %select_n3A_851 : vector<16xi32>
          %eq3A_853 = arith.cmpf oeq, %add3A_845, %get3A_106 : vector<16xf32>
          %jit3A_854 = arith.constant 22 : i32
          %jit3A_855 = arith.constant 32 : i32
          %broadcast_in_dim3A_856 = vector.broadcast %jit3A_854 : i32 to vector<16xi32>
          %broadcast_in_dim3A_857 = vector.broadcast %jit3A_855 : i32 to vector<16xi32>
          %select_n3A_858 = arith.select %eq3A_853, %broadcast_in_dim3A_856, %broadcast_in_dim3A_857 : vector<16xi1>, vector<16xi32>
          %min3A_859 = arith.minsi %min3A_827, %select_n3A_858 : vector<16xi32>
          %slice3A_860 = vector.extract_strided_slice %get3A_94 {offsets = [7], sizes = [1], strides = [1]} : vector<16xf32> to vector<1xf32>
          %squeeze3A_861 = vector.extract %slice3A_860[0] : f32 from vector<1xf32>
          %slice3A_862 = vector.extract_strided_slice %get3A_122 {offsets = [7], sizes = [1], strides = [1]} : vector<16xf32> to vector<1xf32>
          %squeeze3A_863 = vector.extract %slice3A_862[0] : f32 from vector<1xf32>
          %get3A_864 = arith.constant 736 : index
          %get3A_865 = tpu.vector_load %arg6[%get3A_864] {strides = array<i32>} : memref<1024xf32, #tpu.memory_space<vmem>>, vector<16xf32>,
          %get3A_866 = vector.shape_cast %get3A_865 : vector<16xf32> to vector<16xf32>
          %get3A_867 = arith.constant 752 : index
          %get3A_868 = tpu.vector_load %arg6[%get3A_867] {strides = array<i32>} : memref<1024xf32, #tpu.memory_space<vmem>>, vector<16xf32>,
          %get3A_869 = vector.shape_cast %get3A_868 : vector<16xf32> to vector<16xf32>
          %add3A_870 = vector.broadcast %squeeze3A_861 : f32 to vector<16xf32>
          %add3A_871 = arith.addf %add3A_870, %get3A_866 : vector<16xf32>
          %add3A_872 = vector.broadcast %squeeze3A_863 : f32 to vector<16xf32>
          %add3A_873 = arith.addf %add3A_871, %add3A_872 : vector<16xf32>
          %add3A_874 = vector.broadcast %squeeze3A_861 : f32 to vector<16xf32>
          %add3A_875 = arith.addf %add3A_874, %get3A_869 : vector<16xf32>
          %add3A_876 = vector.broadcast %squeeze3A_863 : f32 to vector<16xf32>
          %add3A_877 = arith.addf %add3A_875, %add3A_876 : vector<16xf32>
          %eq3A_878 = arith.cmpf oeq, %add3A_873, %get3A_99 : vector<16xf32>
          %jit3A_879 = arith.constant 23 : i32
          %jit3A_880 = arith.constant 32 : i32
          %broadcast_in_dim3A_881 = vector.broadcast %jit3A_879 : i32 to vector<16xi32>
          %broadcast_in_dim3A_882 = vector.broadcast %jit3A_880 : i32 to vector<16xi32>
          %select_n3A_883 = arith.select %eq3A_878, %broadcast_in_dim3A_881, %broadcast_in_dim3A_882 : vector<16xi1>, vector<16xi32>
          %min3A_884 = arith.minsi %min3A_852, %select_n3A_883 : vector<16xi32>
          %eq3A_885 = arith.cmpf oeq, %add3A_877, %get3A_106 : vector<16xf32>
          %jit3A_886 = arith.constant 23 : i32
          %jit3A_887 = arith.constant 32 : i32
          %broadcast_in_dim3A_888 = vector.broadcast %jit3A_886 : i32 to vector<16xi32>
          %broadcast_in_dim3A_889 = vector.broadcast %jit3A_887 : i32 to vector<16xi32>
          %select_n3A_890 = arith.select %eq3A_885, %broadcast_in_dim3A_888, %broadcast_in_dim3A_889 : vector<16xi1>, vector<16xi32>
          %min3A_891 = arith.minsi %min3A_859, %select_n3A_890 : vector<16xi32>
          %slice3A_892 = vector.extract_strided_slice %get3A_94 {offsets = [8], sizes = [1], strides = [1]} : vector<16xf32> to vector<1xf32>
          %squeeze3A_893 = vector.extract %slice3A_892[0] : f32 from vector<1xf32>
          %slice3A_894 = vector.extract_strided_slice %get3A_122 {offsets = [8], sizes = [1], strides = [1]} : vector<16xf32> to vector<1xf32>
          %squeeze3A_895 = vector.extract %slice3A_894[0] : f32 from vector<1xf32>
          %get3A_896 = arith.constant 768 : index
          %get3A_897 = tpu.vector_load %arg6[%get3A_896] {strides = array<i32>} : memref<1024xf32, #tpu.memory_space<vmem>>, vector<16xf32>,
          %get3A_898 = vector.shape_cast %get3A_897 : vector<16xf32> to vector<16xf32>
          %get3A_899 = arith.constant 784 : index
          %get3A_900 = tpu.vector_load %arg6[%get3A_899] {strides = array<i32>} : memref<1024xf32, #tpu.memory_space<vmem>>, vector<16xf32>,
          %get3A_901 = vector.shape_cast %get3A_900 : vector<16xf32> to vector<16xf32>
          %add3A_902 = vector.broadcast %squeeze3A_893 : f32 to vector<16xf32>
          %add3A_903 = arith.addf %add3A_902, %get3A_898 : vector<16xf32>
          %add3A_904 = vector.broadcast %squeeze3A_895 : f32 to vector<16xf32>
          %add3A_905 = arith.addf %add3A_903, %add3A_904 : vector<16xf32>
          %add3A_906 = vector.broadcast %squeeze3A_893 : f32 to vector<16xf32>
          %add3A_907 = arith.addf %add3A_906, %get3A_901 : vector<16xf32>
          %add3A_908 = vector.broadcast %squeeze3A_895 : f32 to vector<16xf32>
          %add3A_909 = arith.addf %add3A_907, %add3A_908 : vector<16xf32>
          %eq3A_910 = arith.cmpf oeq, %add3A_905, %get3A_99 : vector<16xf32>
          %jit3A_911 = arith.constant 24 : i32
          %jit3A_912 = arith.constant 32 : i32
          %broadcast_in_dim3A_913 = vector.broadcast %jit3A_911 : i32 to vector<16xi32>
          %broadcast_in_dim3A_914 = vector.broadcast %jit3A_912 : i32 to vector<16xi32>
          %select_n3A_915 = arith.select %eq3A_910, %broadcast_in_dim3A_913, %broadcast_in_dim3A_914 : vector<16xi1>, vector<16xi32>
          %min3A_916 = arith.minsi %min3A_884, %select_n3A_915 : vector<16xi32>
          %eq3A_917 = arith.cmpf oeq, %add3A_909, %get3A_106 : vector<16xf32>
          %jit3A_918 = arith.constant 24 : i32
          %jit3A_919 = arith.constant 32 : i32
          %broadcast_in_dim3A_920 = vector.broadcast %jit3A_918 : i32 to vector<16xi32>
          %broadcast_in_dim3A_921 = vector.broadcast %jit3A_919 : i32 to vector<16xi32>
          %select_n3A_922 = arith.select %eq3A_917, %broadcast_in_dim3A_920, %broadcast_in_dim3A_921 : vector<16xi1>, vector<16xi32>
          %min3A_923 = arith.minsi %min3A_891, %select_n3A_922 : vector<16xi32>
          %slice3A_924 = vector.extract_strided_slice %get3A_94 {offsets = [9], sizes = [1], strides = [1]} : vector<16xf32> to vector<1xf32>
          %squeeze3A_925 = vector.extract %slice3A_924[0] : f32 from vector<1xf32>
          %slice3A_926 = vector.extract_strided_slice %get3A_122 {offsets = [9], sizes = [1], strides = [1]} : vector<16xf32> to vector<1xf32>
          %squeeze3A_927 = vector.extract %slice3A_926[0] : f32 from vector<1xf32>
          %get3A_928 = arith.constant 800 : index
          %get3A_929 = tpu.vector_load %arg6[%get3A_928] {strides = array<i32>} : memref<1024xf32, #tpu.memory_space<vmem>>, vector<16xf32>,
          %get3A_930 = vector.shape_cast %get3A_929 : vector<16xf32> to vector<16xf32>
          %get3A_931 = arith.constant 816 : index
          %get3A_932 = tpu.vector_load %arg6[%get3A_931] {strides = array<i32>} : memref<1024xf32, #tpu.memory_space<vmem>>, vector<16xf32>,
          %get3A_933 = vector.shape_cast %get3A_932 : vector<16xf32> to vector<16xf32>
          %add3A_934 = vector.broadcast %squeeze3A_925 : f32 to vector<16xf32>
          %add3A_935 = arith.addf %add3A_934, %get3A_930 : vector<16xf32>
          %add3A_936 = vector.broadcast %squeeze3A_927 : f32 to vector<16xf32>
          %add3A_937 = arith.addf %add3A_935, %add3A_936 : vector<16xf32>
          %add3A_938 = vector.broadcast %squeeze3A_925 : f32 to vector<16xf32>
          %add3A_939 = arith.addf %add3A_938, %get3A_933 : vector<16xf32>
          %add3A_940 = vector.broadcast %squeeze3A_927 : f32 to vector<16xf32>
          %add3A_941 = arith.addf %add3A_939, %add3A_940 : vector<16xf32>
          %eq3A_942 = arith.cmpf oeq, %add3A_937, %get3A_99 : vector<16xf32>
          %jit3A_943 = arith.constant 25 : i32
          %jit3A_944 = arith.constant 32 : i32
          %broadcast_in_dim3A_945 = vector.broadcast %jit3A_943 : i32 to vector<16xi32>
          %broadcast_in_dim3A_946 = vector.broadcast %jit3A_944 : i32 to vector<16xi32>
          %select_n3A_947 = arith.select %eq3A_942, %broadcast_in_dim3A_945, %broadcast_in_dim3A_946 : vector<16xi1>, vector<16xi32>
          %min3A_948 = arith.minsi %min3A_916, %select_n3A_947 : vector<16xi32>
          %eq3A_949 = arith.cmpf oeq, %add3A_941, %get3A_106 : vector<16xf32>
          %jit3A_950 = arith.constant 25 : i32
          %jit3A_951 = arith.constant 32 : i32
          %broadcast_in_dim3A_952 = vector.broadcast %jit3A_950 : i32 to vector<16xi32>
          %broadcast_in_dim3A_953 = vector.broadcast %jit3A_951 : i32 to vector<16xi32>
          %select_n3A_954 = arith.select %eq3A_949, %broadcast_in_dim3A_952, %broadcast_in_dim3A_953 : vector<16xi1>, vector<16xi32>
          %min3A_955 = arith.minsi %min3A_923, %select_n3A_954 : vector<16xi32>
          %mul3A_956 = arith.constant 32 : i32
          %mul3A_957 = arith.muli %scan3A_72, %mul3A_956 : i32
          %swap3A = arith.index_cast %mul3A_957 : i32 to index
          %swap3A_958 = tpu.vector_load %arg8[%swap3A] {strides = array<i32>} : memref<16384xi32, #tpu.memory_space<vmem>>, vector<16xi32>,
          %swap3A_959 = vector.shape_cast %swap3A_958 : vector<16xi32> to vector<16xi32>
          %swap3A_960 = vector.shape_cast %min3A_948 : vector<16xi32> to vector<16xi32>
          tpu.vector_store %arg8[%swap3A], %swap3A_960 {strides = array<i32>} : memref<16384xi32, #tpu.memory_space<vmem>>, vector<16xi32>,
          %mul3A_961 = arith.constant 32 : i32
          %mul3A_962 = arith.muli %scan3A_72, %mul3A_961 : i32
          %add3A_963 = arith.constant 16 : i32
          %add3A_964 = arith.addi %mul3A_962, %add3A_963 : i32
          %swap3A_965 = arith.index_cast %add3A_964 : i32 to index
          %swap3A_966 = tpu.vector_load %arg8[%swap3A_965] {strides = array<i32>} : memref<16384xi32, #tpu.memory_space<vmem>>, vector<16xi32>,
          %swap3A_967 = vector.shape_cast %swap3A_966 : vector<16xi32> to vector<16xi32>
          %swap3A_968 = vector.shape_cast %min3A_955 : vector<16xi32> to vector<16xi32>
          tpu.vector_store %arg8[%swap3A_965], %swap3A_968 {strides = array<i32>} : memref<16384xi32, #tpu.memory_space<vmem>>, vector<16xi32>,
        }
        %scan3A_63 = arith.constant 10 : i32
        %add3A_64 = arith.constant 1 : i32
        %add3A_65 = arith.addi %mul3A_53, %add3A_64 : i32
        %mul3A_66 = arith.constant 10 : i32
        %mul3A_67 = arith.muli %sub3A_45, %mul3A_66 : i32
        %add3A_68 = arith.addi %add3A_65, %mul3A_67 : i32
        %mul3A_69 = arith.constant 32 : i32
        %mul3A_70 = arith.muli %add3A_68, %mul3A_69 : i32
        %add3A_71 = arith.addi %mul3A_34, %mul3A_70 : i32
        "tpu.region"() ({
          %run_scoped3A = tpu.sem_alloc : memref<!tpu.dma_semaphore, #tpu.memory_space<semaphore_mem>>
          %dma_start3A = arith.constant 0 : i32
          %dma_start3A_72 = tpu.memref_slice %arg8[%dma_start3A] : memref<16384xi32, #tpu.memory_space<vmem>> -> memref<320xi32, #tpu.memory_space<vmem>>
          %dma_start3A_73 = tpu.memref_slice %arg12[%add3A_71] : memref<33792xi32, #tpu.memory_space<vmem_shared>> -> memref<320xi32, #tpu.memory_space<vmem_shared>>
          %dma_start3A_74 = tpu.memref_slice %arg12[%add3A_71] : memref<33792xi32, #tpu.memory_space<vmem_shared>> -> memref<320xi32, #tpu.memory_space<vmem_shared>>
          %dma_start3A_75 = arith.constant 0 : i32
          %dma_start3A_76 = tpu.memref_slice %arg8[%dma_start3A_75] : memref<16384xi32, #tpu.memory_space<vmem>> -> memref<320xi32, #tpu.memory_space<vmem>>
          tpu.enqueue_dma source(%dma_start3A_76 : memref<320xi32, #tpu.memory_space<vmem>>) target(%dma_start3A_74 : memref<320xi32, #tpu.memory_space<vmem_shared>>) target_semaphore(%run_scoped3A : memref<!tpu.dma_semaphore, #tpu.memory_space<semaphore_mem>>)
          %dma_wait3A = arith.constant 0 : i32
          %dma_wait3A_77 = tpu.memref_slice %arg8[%dma_wait3A] : memref<16384xi32, #tpu.memory_space<vmem>> -> memref<320xi32, #tpu.memory_space<vmem>>
          %dma_wait3A_78 = tpu.memref_slice %arg12[%add3A_71] : memref<33792xi32, #tpu.memory_space<vmem_shared>> -> memref<320xi32, #tpu.memory_space<vmem_shared>>
          %dma_wait3A_79 = tpu.memref_slice %arg12[%add3A_71] : memref<33792xi32, #tpu.memory_space<vmem_shared>> -> memref<320xi32, #tpu.memory_space<vmem_shared>>
          %dma_wait3A_80 = arith.constant 0 : i32
          %dma_wait3A_81 = tpu.memref_slice %arg8[%dma_wait3A_80] : memref<16384xi32, #tpu.memory_space<vmem>> -> memref<320xi32, #tpu.memory_space<vmem>>
          tpu.wait_dma2 semaphore(%run_scoped3A : memref<!tpu.dma_semaphore, #tpu.memory_space<semaphore_mem>>) src(%dma_wait3A_81 : memref<320xi32, #tpu.memory_space<vmem>>) dst(%dma_wait3A_79 : memref<320xi32, #tpu.memory_space<vmem_shared>>)
          tpu.yield
        }) : () -> ()
      }
      %scan3A_50 = arith.constant 8 : i32
      %barrier3A = arith.constant 0 : index
      tpu.barrier barrier_id(%barrier3A)
    } else {
    }
    return
  }
}

module attributes {stable_mosaic.version = 14 : i64} {
  func.func @_emis_body(%arg0: i32, %arg1: memref<1x512x128xf32, #tpu.memory_space<vmem>>, %arg2: memref<128x26xf32, #tpu.memory_space<vmem>>, %arg3: memref<26x26xf32, #tpu.memory_space<vmem>>, %arg4: memref<1x512x32xf32, #tpu.memory_space<vmem>>, %arg5: memref<32x32xf32, #tpu.memory_space<vmem>>) attributes {dimension_semantics = [#tpu.dimension_semantics<arbitrary>], iteration_bounds = array<i64: 4>, scalar_prefetch = 0 : i64, scratch_operands = 0 : i64, tpu.core_type = #tpu.core_type<tc>, window_params = [{transform_indices = @transform_0, window_bounds = array<i64: 1, 512, 128>}, {pipeline_mode = #tpu.pipeline_mode<synchronous>, transform_indices = @transform_1, window_bounds = array<i64: 128, 26>}, {pipeline_mode = #tpu.pipeline_mode<synchronous>, transform_indices = @transform_2, window_bounds = array<i64: 26, 26>}, {transform_indices = @transform_3, window_bounds = array<i64: 1, 512, 32>}, {pipeline_mode = #tpu.pipeline_mode<synchronous>, transform_indices = @transform_4, window_bounds = array<i64: 32, 32>}]} {
    %get3A = arith.constant 0 : index
    %get3A_0 = arith.constant 0 : index
    %get3A_1 = arith.constant 0 : index
    %get3A_2 = vector.load %arg1[%get3A, %get3A_0, %get3A_1] : memref<1x512x128xf32, #tpu.memory_space<vmem>>, vector<1x512x128xf32>
    %get3A_3 = vector.shape_cast %get3A_2 : vector<1x512x128xf32> to vector<512x128xf32>
    %get3A_4 = arith.constant 0 : index
    %get3A_5 = arith.constant 0 : index
    %get3A_6 = vector.load %arg2[%get3A_4, %get3A_5] : memref<128x26xf32, #tpu.memory_space<vmem>>, vector<128x26xf32>
    %dot_general3A = arith.constant dense<0.000000e+00> : vector<512x26xf32>
    %dot_general3A_7 = tpu.matmul %get3A_3, %get3A_6, %dot_general3A {dimension_numbers = #tpu.dot_dimension_numbers<[1], [0], [0], [1], [0, 0, 1, 1], [], []>, transpose_lhs_hint = false} : vector<512x128xf32>, vector<128x26xf32>, vector<512x26xf32> -> vector<512x26xf32>
    %broadcast_in_dim3A = arith.constant -1.000000e+30 : f32
    %broadcast_in_dim3A_8 = vector.broadcast %broadcast_in_dim3A : f32 to vector<512x6xf32>
    %concatenate3A = tpu.concatenate %dot_general3A_7, %broadcast_in_dim3A_8 in 1 : vector<512x26xf32>, vector<512x6xf32> -> vector<512x32xf32>
    %swap3A = arith.constant 0 : index
    %swap3A_9 = arith.constant 0 : index
    %swap3A_10 = arith.constant 0 : index
    %swap3A_11 = vector.load %arg4[%swap3A, %swap3A_9, %swap3A_10] : memref<1x512x32xf32, #tpu.memory_space<vmem>>, vector<1x512x32xf32>
    %swap3A_12 = vector.shape_cast %swap3A_11 : vector<1x512x32xf32> to vector<512x32xf32>
    %swap3A_13 = vector.shape_cast %concatenate3A : vector<512x32xf32> to vector<1x512x32xf32>
    tpu.vector_store %arg4[%swap3A, %swap3A_9, %swap3A_10], %swap3A_13 {strides = array<i32>} : memref<1x512x32xf32, #tpu.memory_space<vmem>>, vector<1x512x32xf32>,
    %broadcast_in_dim3A_14 = arith.constant -1.000000e+30 : f32
    %broadcast_in_dim3A_15 = vector.broadcast %broadcast_in_dim3A_14 : f32 to vector<26x6xf32>
    %broadcast_in_dim3A_16 = arith.constant -1.000000e+30 : f32
    %broadcast_in_dim3A_17 = vector.broadcast %broadcast_in_dim3A_16 : f32 to vector<6x32xf32>
    %get3A_18 = arith.constant 0 : index
    %get3A_19 = arith.constant 0 : index
    %get3A_20 = vector.load %arg3[%get3A_18, %get3A_19] : memref<26x26xf32, #tpu.memory_space<vmem>>, vector<26x26xf32>
    %concatenate3A_21 = tpu.concatenate %get3A_20, %broadcast_in_dim3A_15 in 1 : vector<26x26xf32>, vector<26x6xf32> -> vector<26x32xf32>
    %concatenate3A_22 = tpu.concatenate %concatenate3A_21, %broadcast_in_dim3A_17 in 0 : vector<26x32xf32>, vector<6x32xf32> -> vector<32x32xf32>
    %swap3A_23 = arith.constant 0 : index
    %swap3A_24 = arith.constant 0 : index
    %swap3A_25 = vector.load %arg5[%swap3A_23, %swap3A_24] : memref<32x32xf32, #tpu.memory_space<vmem>>, vector<32x32xf32>
    tpu.vector_store %arg5[%swap3A_23, %swap3A_24], %concatenate3A_22 {strides = array<i32>} : memref<32x32xf32, #tpu.memory_space<vmem>>, vector<32x32xf32>,
    return
  }
  func.func @transform_0(%arg0: i32) -> (i32, i32, i32) {
    %c0_i32 = arith.constant 0 : i32
    %c0_i32_0 = arith.constant 0 : i32
    %c0_i32_1 = arith.constant 0 : i32
    return %arg0, %c0_i32, %c0_i32_0 : i32, i32, i32
  }
  func.func @transform_1(%arg0: i32) -> (i32, i32) {
    %c0_i32 = arith.constant 0 : i32
    %c0_i32_0 = arith.constant 0 : i32
    %c0_i32_1 = arith.constant 0 : i32
    return %c0_i32, %c0_i32_0 : i32, i32
  }
  func.func @transform_2(%arg0: i32) -> (i32, i32) {
    %c0_i32 = arith.constant 0 : i32
    %c0_i32_0 = arith.constant 0 : i32
    %c0_i32_1 = arith.constant 0 : i32
    return %c0_i32, %c0_i32_0 : i32, i32
  }
  func.func @transform_3(%arg0: i32) -> (i32, i32, i32) {
    %c0_i32 = arith.constant 0 : i32
    %c0_i32_0 = arith.constant 0 : i32
    %c0_i32_1 = arith.constant 0 : i32
    return %arg0, %c0_i32, %c0_i32_0 : i32, i32, i32
  }
  func.func @transform_4(%arg0: i32) -> (i32, i32) {
    %c0_i32 = arith.constant 0 : i32
    %c0_i32_0 = arith.constant 0 : i32
    %c0_i32_1 = arith.constant 0 : i32
    return %c0_i32, %c0_i32_0 : i32, i32
  }
}

</mosaic_0001>

<sc_bundles>
// kernel: kernel.4.cloned.1.call-start
scs
__scs_entry_jumppad:
0x0: {  	(pc) =	sbr.rel $0x88, $3  }
0x1: {  	(tag) =	ssettag $0x0;
	lr =	simm.s32 $0x1  }
0x2: {  	[smem:$0x3F9E] =	sst lr;
	_ =	strace $0xD0000000  }
0x3: {  	_ = 	snop  }
0x4: {  	_ = 	snop  }
0x5: {  	_ = 	snop  }
0x6: {  	_ = 	snop  }
0x7: {  	_ = 	snop  }
__scs_overlays_trampoline_lowered:
0x8: {  	[smem:$0x3FAD] =	sst s0  }
0x9: {  	[smem:$0x3FAE] =	sst s1  }
0xa: {  	[smem:$0x3FAF] =	sst s2  }
0xb: {  	[smem:$0x3FB0] =	sst s3  }
0xc: {  	[smem:$0x3FB1] =	sst s4  }
0xd: {  	[smem:$0x3FB2] =	sst s5  }
0xe: {  	[smem:$0x3FB3] =	sst s6  }
0xf: {  	[smem:$0x3FB4] =	sst s7  }
0x10: {  	[smem:$0x3FB5] =	sst s8  }
0x11: {  	[smem:$0x3FB6] =	sst s9;
	s0 =	simm.s32 @!p0 $0x0  }
0x12: {  	s1 =	sld [smem:$0x3F9C];
	s0 =	simm.s32 @p0 $0x1  }
0x13: {  	[smem:$0x3FB7] =	sst s0;
	s0 =	simm.s32 @!p1 $0x0  }
0x14: {  	s2 =	sld [smem:$0x3F9B];
	s0 =	simm.s32 @p1 $0x1  }
0x15: {  	[smem:$0x3FB8] =	sst s0;
	s0 =	simm.s32 @!p2 $0x0  }
0x16: {  	s3 =	sld [smem:$0x3FDB];
	s0 =	simm.s32 @p2 $0x1  }
0x17: {  	s4 =	simm.s32 $0x1BF5;
	[smem:$0x3FBA] =	sst s0  }
0x18: {  	s0 =	sld [smem:$0x3F9D];
	_ =	swait.ge [sflag:s4], $0x0  }
0x19: {  	s7 =	sld [smem:$0x3F9E]  }
0x1a: {  	s8 =	sadd.s32 $0xFFFFE003, lr  }
0x1b: {  	s9 =	sadd.s32 $0xFFFFFEF7, lr;
	s5 =	simm.s32 $0xFFFFFFFF;
	p2 =	slt.u32 s8, $0xFFFFF086  }
0x1c: {  	p1 =	slt.u32 s9, $0xF7A;
	s5 =	simm.s32 @!p2 $0x0  }
0x1d: {  	s5 =	simm.s32 @p1 $0x1;
	p0 =	seq.s32 s7, s2  }
0x1e: {  	s7 =	smul.u32 @!p0 $0xF7A, s2;
	p2 =	seq.s32 @!p0 s5, $0x0  }
0x1f: {  	s9 =	smul.u32 $0xF7A, s1;
	s8 =	simm.s32 @!p0 $0x1BF5;
	p2 =	por !p2, p0  }
0x20: {  	[sflag:s8] =	ssyncset.s32 @!p0 $0xFFFFF086;
	s6 =	sadd.s32 @!p0 s3, s7;
	s7 =	simm.s32 @!p0 $0x108  }
0x21: {  	s3 =	sadd.s32 s3, s9;
	s6 =	sadd.s32 @!p0 $0x88, s6;
	s7 =	simm.s32 @p2 $0x1082  }
0x22: {  	[simem:s7], [sflag:s8] =	dma.local @!p0 [hbm:s6], $0xF7A  }
0x23: {  	s9 =	sor.u32 $0xD0000000, s2;
	s6 =	simm.s32 $0x108;
	_ =	swait.ge @!p0 [sflag:s8], $0x0  }
0x24: {  	s3 =	sadd.s32 $0x88, s3;
	s6 =	simm.s32 @!p1 $0x1082;
	[sflag:s4] =	ssyncset.s32 $0xFFFFF086  }
0x25: {  	[simem:s6], [sflag:s4] =	dma.local [hbm:s3], $0xF7A  }
0x26: {  	[smem:$0x3F9E] =	sst s1;
	(tag) =	ssettag s2;
	_ =	strace s9  }
0x27: {  	s1 =	sld [smem:$0x3FAE]  }
0x28: {  	s2 =	sld [smem:$0x3FAF]  }
0x29: {  	s4 =	sld [smem:$0x3FB1]  }
0x2a: {  	p0 =	seq.s32 s5, $0x0;
	s5 =	sld [smem:$0x3FB2]  }
0x2b: {  	s6 =	sld [smem:$0x3FB3]  }
0x2c: {  	s7 =	sld [smem:$0x3FB4]  }
0x2d: {  	s3 =	simm.s32 $0x108;
	s8 =	sld [smem:$0x3FB5]  }
0x2e: {  	s3 =	simm.s32 @!p0 $0x1082;
	s9 =	sld [smem:$0x3FB6]  }
0x2f: {  	lr =	sadd.s32 s0, s3;
	s0 =	sld [smem:$0x3FAD]  }
0x30: {  	s3 =	sld [smem:$0x3FB0]  }
0x31: {  	[smem:$0x3FB9] =	sst s10  }
0x32: {  	s10 =	sld [smem:$0x3FB7];
	_ =	sdelay $0x3  }
0x33: {  	p0 =	seq.s32 s10, $0x1;
	s10 =	sld [smem:$0x3FB9];
	_ =	sdelay $0x3  }
0x34: {  	[smem:$0x3FB9] =	sst s10  }
0x35: {  	s10 =	sld [smem:$0x3FB8];
	_ =	sdelay $0x3  }
0x36: {  	p1 =	seq.s32 s10, $0x1;
	s10 =	sld [smem:$0x3FB9];
	_ =	sdelay $0x3  }
0x37: {  	[smem:$0x3FB9] =	sst s10  }
0x38: {  	s10 =	sld [smem:$0x3FBA]  }
0x39: {  	_ = 	snop;
	(pc) =	sbr.ind lr, $3  }
0x3a: {  	_ = 	snop  }
0x3b: {  	_ = 	snop  }
0x3c: {  	p2 =	seq.s32 s10, $0x1;
	s10 =	sld [smem:$0x3FB9]  }
0x3d: {  	_ =	shalt  }
0x3e: {  	_ =	shalt  }
0x3f: {  	_ =	shalt  }
0x40: {  	_ =	shalt  }
0x41: {  	_ =	shalt  }
0x42: {  	_ =	shalt  }
0x43: {  	_ =	shalt  }
0x44: {  	_ =	shalt  }
0x45: {  	_ =	shalt  }
0x46: {  	_ =	shalt  }
0x47: {  	_ =	shalt  }
0x48: {  	_ =	shalt  }
0x49: {  	_ =	shalt  }
0x4a: {  	_ =	shalt  }
0x4b: {  	_ =	shalt  }
0x4c: {  	_ =	shalt  }
0x4d: {  	_ =	shalt  }
0x4e: {  	_ =	shalt  }
0x4f: {  	_ =	shalt  }
0x50: {  	_ =	shalt  }
0x51: {  	_ =	shalt  }
0x52: {  	_ =	shalt  }
0x53: {  	_ =	shalt  }
0x54: {  	_ =	shalt  }
0x55: {  	_ =	shalt  }
0x56: {  	_ =	shalt  }
0x57: {  	_ =	shalt  }
0x58: {  	_ =	shalt  }
0x59: {  	_ =	shalt  }
0x5a: {  	_ =	shalt  }
0x5b: {  	_ =	shalt  }
0x5c: {  	_ =	shalt  }
0x5d: {  	_ =	shalt  }
0x5e: {  	_ =	shalt  }
0x5f: {  	_ =	shalt  }
0x60: {  	_ =	shalt  }
0x61: {  	_ =	shalt  }
0x62: {  	_ =	shalt  }
0x63: {  	_ =	shalt  }
0x64: {  	_ =	shalt  }
0x65: {  	_ =	shalt  }
0x66: {  	_ =	shalt  }
0x67: {  	_ =	shalt  }
0x68: {  	_ =	shalt  }
0x69: {  	_ =	shalt  }
0x6a: {  	_ =	shalt  }
0x6b: {  	_ =	shalt  }
0x6c: {  	_ =	shalt  }
0x6d: {  	_ =	shalt  }
0x6e: {  	_ =	shalt  }
0x6f: {  	_ =	shalt  }
0x70: {  	_ =	shalt  }
0x71: {  	_ =	shalt  }
0x72: {  	_ =	shalt  }
0x73: {  	_ =	shalt  }
0x74: {  	_ =	shalt  }
0x75: {  	_ =	shalt  }
0x76: {  	_ =	shalt  }
0x77: {  	_ =	shalt  }
0x78: {  	_ =	shalt  }
0x79: {  	_ =	shalt  }
0x7a: {  	_ =	shalt  }
0x7b: {  	_ =	shalt  }
0x7c: {  	_ =	shalt  }
0x7d: {  	_ =	shalt  }
0x7e: {  	_ =	shalt  }
0x7f: {  	_ =	shalt  }
0x80: {  	_ =	shalt  }
0x81: {  	_ =	shalt  }
0x82: {  	_ =	shalt  }
0x83: {  	_ =	shalt  }
0x84: {  	_ =	shalt  }
0x85: {  	_ =	shalt  }
0x86: {  	_ =	shalt  }
0x87: {  	_ =	shalt  }
.Lfunc_end0:
.L_simem_size_0:
called_computation_lowered:
.L_overlay_start_0:
0x88: {  	s2 =	sld [smem:$0x3FD9]  }
0x89: {  	s3 =	sld [smem:$0x3FFE];
	_ =	sdelay $0x1  }
0x8a: {  	s1 =	srdreg.scid  }
0x8b: {  	s0 =	sand.u32 $0x1, s1  }
0x8c: {  	s17 =	sshll.u32 s0, $0xA;
	s2 =	sadd.s32 s3, s2  }
0x8d: {  	s2 =	sadd.s32 s2, s17  }
0x8e: {  	[smem:$0x3FC5] =	sst s2  }
0x8f: {  	_ = 	snop  }
0x90: {  	s2 =	sld [smem:$0x3FD0];
	(tm) =	ssettm $0x1  }
0x91: {  	s18 =	sld [smem:$0x3FFB];
	_ =	sdelay $0x3  }
0x92: {  	_ =	strace s18  }
0x93: {  	s3 =	sld [smem:$0x3FFC];
	_ =	sdelay $0x3  }
0x94: {  	_ =	strace s3  }
0x95: {  	s3 =	sld [smem:$0x3FFD];
	_ =	sdelay $0x3  }
0x96: {  	_ =	strace s3  }
0x97: {  	_ =	strace $0x8FFFFFFF  }
0x98: {  	s19 =	sld [smem:$0x3FDB];
	_ =	sdelay $0x1  }
0x99: {  	s4 =	simm.s32 $_scs_section_size  }
0x9a: {  	s5 =	simm.s32 $_size__tile_overlayer_lowered;
	s6 =	simm.s32 $_tile_overlayer_lowered  }
0x9b: {  	s22 =	simm.s32 $0x1BFF;
	s21 =	sshll.u32 s6, $0x1;
	s3 =	sadd.s32 s4, s19  }
0x9c: {  	s7 =	simm.s32 $0x0;
	s20 =	sshll.u32 s5, $0x1;
	s5 =	sadd.s32 s21, s3  }
0x9d: {  	[timem:s7], [sflag:s22] =	dma.local [hbm:s5], s20  }
0x9e: {  	_ =	swait.ge [sflag:s22], s20  }
0x9f: {  	s4 =	ssub.s32 $0x0, s20;
	[sflag:s22] =	ssyncset.done $0x0  }
0xa0: {  	[sflag:s22] =	ssyncadd.s32 s4;
	_ =	sdelay $0x1  }
0xa1: {  	s23 =	simm.s32 $0x1B8B  }
0xa2: {  	_ =	swait.ge [sflag:s23], $0x1  }
0xa3: {  	[sflag:s23] =	ssyncset.done $0x0  }
0xa4: {  	s25 =	simm.s32 $0x1B8E;
	s24 =	sld [smem:$0x3FFE];
	[sflag:s23] =	ssyncadd.s32 $0xFFFFFFFF  }
0xa5: {  	s26 =	simm.s32 $execute0_lowered;
	[smem:$0x3FD2] =	sst s25  }
0xa6: {  	s5 =	sshll.u32 s26, $0x1;
	_ =	strace $0x80000046;
	[dreg:$0x1] =	wrdreg $0xFFFFFFFF  }
0xa7: {  	s28 =	simm.s32 $_size_execute0_lowered;
	s3 =	sadd.s32 s3, s5;
	[dreg:$0x0] =	wrdreg $0x0  }
0xa8: {  	s5 =	sshll.u32 s28, $0x1;
	[dreg:$0x2] =	wrdreg s3  }
0xa9: {  	[dreg:$0x3] =	wrdreg s5  }
0xaa: {  	[dreg:$0x4] =	wrdreg $0xC0  }
0xab: {  	_ =	task [dreg:s7], $0x5FFFF  }
0xac: {  	[dreg:$0x1] =	wrdreg $0xFFFFFFFF  }
0xad: {  	[dreg:$0x0] =	wrdreg $0x60  }
0xae: {  	[dreg:$0x2] =	wrdreg s24  }
0xaf: {  	[dreg:$0x3] =	wrdreg s2  }
0xb0: {  	[dreg:$0x4] =	wrdreg $0x112000  }
0xb1: {  	[dreg:$0x5] =	wrdreg $0x11A400  }
0xb2: {  	[dreg:$0x6] =	wrdreg $0x9  }
0xb3: {  	_ =	task.clear_ibuf [dreg:s7], $0x7FFFF;
	_ =	strace $0x90000046  }
0xb4: {  	s29 =	simm.s32 $0x9;
	_ =	strace $0x80000048  }
0xb5: {  	_ =	swait.ge [sflag:s29], $0x1  }
0xb6: {  	[sflag:s29] =	ssyncadd.s32 $0xFFFFFFFF  }
0xb7: {  	_ =	strace $0x90000048  }
0xb8: {  	_ =	sfence  }
0xb9: {  	s30 =	sld [smem:$0x0];
	_ =	sdelay $0x2  }
0xba: {  	s31 =	sshll.u32 s1, $0xD;
	s1 =	sshrl.u32 s1, $0x2  }
0xbb: {  	s3 =	sand.u32 $0x4000, s31;
	s1 =	sadd.s32 s1, s30  }
0xbc: {  	s0 =	sor.u32 s3, s0;
	s1 =	sshll.u32 s1, $0x11  }
0xbd: {  	s0 =	sor.u32 s1, s0  }
0xbe: {  	s0 =	sadd.s32 $0x8F2B, s0  }
0xbf: {  	[sflag:s0] =	ssyncadd.remote.s32 $0x1  }
0xc0: {  	_ =	sfence.sel $0xFFFF  }
0xc1: {  	[dreg:$0x0] =	wrdreg $0xFFFFFFFF;
	(pc) =	sbr.abs _section_cstart, $3  }
0xc2: {  	[dreg:$0x1] =	wrdreg $0xFFFFFFFF  }
0xc3: {  	_ =	task.clear_ibuf [dreg:s7], $0x2FFFF;
	_ =	strace $0x9FFFFFFF  }
0xc4: {  	(tm) =	ssettm $0x7FFFFFFF  }
0xc5: {  	_ =	shalt  }
tec
execute0_lowered:
.L_overlay_start_1:
0x0: {  	(tag) =	ssettag $0x1  }
0x1: {  	s4 =	rddreg [dreg:$0x0];
	v0 =	vimm.s32 $0x76543210  }
0x2: {  	s0 =	rddreg [dreg:$0x1];
	v1 =	vimm.s32 $0xFEDCBA98;
	v2 =	vimm.s32 $0xBA98FEDC;
	v3 =	vimm.s32 $0x32107654  }
0x3: {  	s5 =	rddreg [dreg:$0x2];
	v4 =	vimm.s32 $0xDCFE98BA;
	v5 =	vimm.s32 $0x54761032;
	v6 =	vimm.s32 $0xEFCDAB89  }
0x4: {  	s7 =	rddreg [dreg:$0x3];
	v7 =	vimm.s32 $0x67452301;
	v57 =	vimm.s32 $0x13121110;
	v59 =	vimm.s32 $0x17161514  }
0x5: {  	s1 =	rddreg [dreg:$0x4];
	s3 =	simm.s32 $0x0;
	vm0 =	vcmask $0xF00;
	v60 =	vimm.s32 $0x20201918;
	v0 =	vunpack.c.l.s4.s8 v0  }
0x6: {  	s6 =	srdreg.scid;
	s2 =	stileid.u32;
	s14 =	simm.s32 $0x4200;
	v1 =	vunpack.c.l.s4.s8 v1;
	v2 =	vunpack.c.l.s4.s8 v2;
	v3 =	vunpack.c.l.s4.s8 v3  }
0x7: {  	s15 =	simm.s32 $0x8800;
	s16 =	simm.s32 $0xC800;
	s17 =	simm.s32 $0x10800;
	v4 =	vunpack.c.l.s4.s8 v4;
	v5 =	vunpack.c.l.s4.s8 v5;
	v6 =	vunpack.c.l.s4.s8 v6  }
0x8: {  	[smem:$0x7FF] =	sst s3;
	s6 =	sand.u32 $0x1, s6;
	s8 =	sshrl.u32 s2, $0x3;
	v7 =	vunpack.c.l.s4.s8 v7;
	v0 =	vunpack.c.0.s8.s32 v0;
	v1 =	vunpack.c.0.s8.s32 v1  }
0x9: {  	s11 =	sand.u32 $0x7, s2;
	s10 =	sshll.u32 s8, $0x4;
	s8 =	smul.u32 $0x4200, s8;
	v2 =	vunpack.c.0.s8.s32 v2;
	v3 =	vunpack.c.0.s8.s32 v3;
	v51 =	vunpack.c.0.s8.s32 v4  }
0xa: {  	_ =	strace $0x80000047;
	s9 =	sshll.u32 s6, $0x5;
	s12 =	smul.u32 $0xA, s11;
	v52 =	vunpack.c.0.s8.s32 v5;
	v53 =	vunpack.c.0.s8.s32 v6;
	v1 =	vand.u32 $0xF, v1  }
0xb: {  	s6 =	ssub.s32 $0x2, s6;
	s13 =	smul.u32 $0x500, s11;
	p0 =	sne.s32 s11, $0x0;
	v54 =	vunpack.c.0.s8.s32 v7;
	v2 =	vcombine.low v3, v2;
	v0 =	vcombine.low v1, v0  }
0xc: {  	vm14 =	vcmask $0x1F10;
	s11 =	simm.s32 $0x80;
	s9 =	sor.u32 s9, s10;
	s30 =	sshrl.u32 s6, $0x1;
	v56 =	vcombine.low v52, v51;
	v3 =	vunpack.c.0.s8.s32 v57  }
.Ltmp0:
0xd: {  	v5 =	vunpack.c.0.s8.s32 v59;
	s9 =	sadd.s32 s9, s4;
	s10 =	ssub.s32 s6, s30;
	v58 =	vcombine.low v54, v53;
	v55 =	vand.u32 $0xF, v2;
	[tilespmem:$0x1FFB0] =	vst v0;
	(pc) =	sbr.rel .LBB2_1-.Ltmp0, $4  }
0xe: {  	v6 =	vunpack.c.0.s8.s32 v60;
	s5 =	sadd.s32 s8, s5;
	s6 =	sadd.s32 $0xFFFFFFF7, s12;
	s7 =	sadd.s32 s8, s7;
	v3 =	vnsel vm0, $0x20, v3;
	v61 =	vand.u32 $0xF, v56;
	[tilespmem:$0x1FFC0] =	vst v55  }
0xf: {  	vm15 =	vcmask $0x2F20;
	s31 =	sshrl.u32 s13, $0x2;
	s12 =	simm.s32 $0x200;
	s13 =	simm.s32 $0x1;
	v62 =	vand.u32 $0xF, v58;
	[tilespmem:$0x1FFD0] =	vst v61;
	v5 =	vsel vm14, v5, v3  }
0x10: {  	s4 =	sadd.s32 $0xA00, s9;
	s8 =	sadd.s32 $0x2A00, s9;
	s18 =	sadd.s32 $0x106C0, s31;
	[tilespmem:$0x1FFE0] =	vst v62;
	v63 =	vsel vm15, v6, v5  }
0x11: {  	s9 =	smax.u32 s10, $0x1;
	s10 =	sadd.s32 $0xFFFFFEC0, s31;
	[tilespmem:$0x1FFF0] =	vst v63;
	v63 =	vmov s18;
	s18 =	simm.s32 $0x0  }
.LBB2_13:
0x12: {  	s18 =	sadd.s32 $0x1, s18  }
0x13: {  	p1 =	sne.s32 s18, s9  }
.Ltmp1:
0x14: {  	_ = 	snop;
	(pc) =	sbr.rel @!p1 .LBB2_14-.Ltmp1, $1  }
0x15: {  	_ =	sdelay $0x3  }
.LBB2_1:
0x16: {  	[tilespmem:s3], [sflag:$0x1] =	stream.strided.gather [hbm4b:s4+s11], $0x4000, s12, s11, $0x38;
	[tilespmem:$0x12280] =	vst v63  }
0x17: {  	_ =	swait.ge [sflag:s13], $0x4000  }
0x18: {  	[sflag:s13] =	ssyncset.done $0x0  }
.Ltmp2:
0x19: {  	[sflag:s13] =	ssyncadd.s32 $0xFFFFC000;
	(pc) =	sbr.rel @!p0 .LBB2_2-.Ltmp2, $4  }
0x1a: {  	[tilespmem:s14], [sflag:$0x1] =	stream.linear.gather [hbm4b:s0+s3], $0x400, $0x38;
	[tilespmem:$0x12280] =	vst v63  }
0x1b: {  	_ =	swait.ge [sflag:s13], $0x400  }
0x1c: {  	[sflag:s13] =	ssyncset.done $0x0  }
0x1d: {  	s19 =	smov.u32 s10;
	s20 =	simm.s32 $0x0;
	[sflag:s13] =	ssyncadd.s32 $0xFFFFFC00  }
.LBB2_9:
0x1e: {  	s21 =	sshll.u32 s20, $0xB  }
0x1f: {  	s21 =	sand.u32 $0x3FFFF800, s21  }
0x20: {  	[bflag:$0x0] =	sbarrier.arrive $0xFFFF;
	s21 =	sadd.s32 s21, s5  }
0x21: {  	[tilespmem:s17], [sflag:$0x1] =	stream.linear.gather [spmem:s21], $0x820, $0x38;
	[tilespmem:$0x12280] =	vst v63  }
0x22: {  	_ =	swait.ge [sflag:s13], $0x820  }
0x23: {  	s31 =	sshll.u32 s20, $0x6;
	v0 =	vmov s19;
	[sflag:s13] =	ssyncset.done $0x0  }
0x24: {  	s22 =	simm.s32 $0x0;
	s21 =	sadd.s32 s31, s6;
	[tilespmem:$0x1FFA0] =	vst v0;
	[sflag:s13] =	ssyncadd.s32 $0xFFFFF7E0  }
.LBB2_10:
0x25: {  	v0 =	vld [tilespmem:$0x1FFA0]  }
0x26: {  	v10 =	vld [tilespmem:$0x4200]  }
0x27: {  	v11 =	vld [tilespmem:$0x4210]  }
0x28: {  	v12 =	vld [tilespmem:$0x4220]  }
0x29: {  	v13 =	vld [tilespmem:$0x4230]  }
0x2a: {  	v14 =	vld [tilespmem:$0x4240]  }
0x2b: {  	v15 =	vld [tilespmem:$0x4250]  }
0x2c: {  	v16 =	vld [tilespmem:$0x4260]  }
0x2d: {  	v17 =	vld [tilespmem:$0x4270]  }
0x2e: {  	s23 =	sshra.s32 s22, $0x2;
	v18 =	vld [tilespmem:$0x4280]  }
0x2f: {  	v21 =	vld.idx.msk [tilespmem:v63+s23+$0x0 ss:$0x1], $0xffff  }
0x30: {  	v19 =	vld [tilespmem:$0x4290]  }
0x31: {  	v27 =	vld.idx.msk [tilespmem:v0+s23+$0x0 ss:$0x1], $0xffff  }
0x32: {  	v20 =	vld [tilespmem:$0x42A0]  }
0x33: {  	v23 =	vld [tilespmem:$0x42B0]  }
0x34: {  	v26 =	vld [tilespmem:$0x42D0];
	v25 =	vbroadcast v21, $0x0  }
0x35: {  	v29 =	vld [tilespmem:$0x42E0];
	v60 =	vbroadcast v21, $0x1;
	v31 =	vbroadcast v21, $0x2  }
0x36: {  	v61 =	vld [tilespmem:$0x4300];
	v22 =	vbroadcast v27, $0x0;
	v28 =	vbroadcast v27, $0x1  }
0x37: {  	v38 =	vld [tilespmem:$0x4320];
	v30 =	vbroadcast v27, $0x2;
	v62 =	vbroadcast v27, $0x3  }
0x38: {  	v41 =	vld.idx.msk [tilespmem:v0+s23+$0x10 ss:$0x1], $0xffff;
	v0 =	vbroadcast v27, $0x4;
	v39 =	vbroadcast v27, $0x5  }
0x39: {  	v1 =	vld [tilespmem:$0x4330];
	v2 =	vbroadcast v27, $0x7;
	v3 =	vbroadcast v27, $0x6  }
0x3a: {  	v42 =	vld [tilespmem:$0x4340];
	v6 =	vbroadcast v27, $0x8;
	v10 =	vadd.f32 v10, v22;
	v22 =	vadd.f32 v11, v22  }
0x3b: {  	v45 =	vld [tilespmem:$0x4380];
	v7 =	vbroadcast v27, $0x9;
	v12 =	vadd.f32 v12, v28;
	v28 =	vadd.f32 v13, v28  }
0x3c: {  	v50 =	vld [tilespmem:$0x43E0];
	v8 =	vbroadcast v27, $0xA;
	v14 =	vadd.f32 v14, v30;
	v15 =	vadd.f32 v15, v30  }
0x3d: {  	v24 =	vld [tilespmem:$0x42C0];
	v57 =	vbroadcast v27, $0xC;
	v33 =	vadd.f32 v18, v0;
	v36 =	vadd.f32 v20, v39  }
0x3e: {  	v37 =	vld.idx.msk [tilespmem:v63+s23+$0x10 ss:$0x1], $0xffff;
	v51 =	vbroadcast v27, $0xD;
	v4 =	vadd.f32 v29, v2;
	v20 =	vadd.f32 v26, v3  }
0x3f: {  	v32 =	vld [tilespmem:$0x42F0];
	v53 =	vbroadcast v27, $0xF;
	v47 =	vadd.f32 v61, v6;
	v49 =	vadd.f32 v38, v7  }
0x40: {  	v34 =	vld [tilespmem:$0x4310];
	v55 =	vbroadcast v41, $0x1;
	v26 =	vadd.f32 v1, v7;
	v42 =	vadd.f32 v42, v8  }
0x41: {  	v43 =	vld [tilespmem:$0x4350];
	v18 =	vbroadcast v21, $0x6;
	v45 =	vadd.f32 v45, v57;
	v50 =	vadd.f32 v50, v53  }
0x42: {  	v44 =	vld [tilespmem:$0x4360];
	v29 =	vbroadcast v21, $0xA;
	v58 =	vadd.f32 v10, v25;
	v59 =	vadd.f32 v22, v25  }
0x43: {  	v46 =	vld [tilespmem:$0x4390];
	v38 =	vbroadcast v37, $0x2;
	v13 =	vadd.f32 v12, v60;
	v12 =	vadd.f32 v28, v60  }
0x44: {  	v48 =	vld [tilespmem:$0x43A0];
	v61 =	vbroadcast v41, $0x5;
	v35 =	vadd.f32 v14, v31;
	v14 =	vadd.f32 v15, v31  }
0x45: {  	v9 =	vld [tilespmem:$0x43B0];
	v1 =	vbroadcast v41, $0x8;
	v31 =	vadd.f32 v16, v62;
	v15 =	vadd.f32 v17, v62  }
0x46: {  	v5 =	vld [tilespmem:$0x4370];
	v16 =	vadd.f32 v19, v0;
	v17 =	vadd.f32 v23, v39;
	v19 =	vbroadcast v21, $0x7  }
0x47: {  	v54 =	vld [tilespmem:$0x44A0];
	v39 =	vadd.f32 v24, v3;
	v22 =	vadd.f32 v32, v2;
	v23 =	vbroadcast v21, $0x8  }
0x48: {  	v52 =	vld [tilespmem:$0x4440];
	v24 =	vadd.f32 v34, v6;
	v25 =	vbroadcast v21, $0x9;
	v10 =	vbroadcast v27, $0xB  }
0x49: {  	v56 =	vld [tilespmem:$0x4520];
	v32 =	vadd.f32 v46, v57;
	v46 =	vadd.f32 v48, v51;
	v48 =	vbroadcast v27, $0xE  }
0x4a: {  	v11 =	vld [tilespmem:$0x43C0];
	v34 =	vadd.f32 v9, v51;
	v51 =	vbroadcast v41, $0x0;
	v60 =	vbroadcast v41, $0x4  }
0x4b: {  	v7 =	vld [tilespmem:$0x4460];
	v28 =	vadd.f32 v43, v8;
	v0 =	vbroadcast v41, $0x3;
	v8 =	vbroadcast v41, $0x9  }
0x4c: {  	v43 =	vld [tilespmem:$0x4480];
	v54 =	vadd.f32 v54, v61;
	v2 =	vbroadcast v41, $0x7;
	v42 =	vadd.f32 v42, v29  }
0x4d: {  	v62 =	vld [tilespmem:$0x44E0];
	v3 =	vbroadcast v37, $0x9;
	v40 =	vadd.f32 v4, v19;
	v44 =	vadd.f32 v44, v10  }
0x4e: {  	v27 =	vld.idx.msk [tilespmem:v63+s23+$0x20 ss:$0x1], $0xffff;
	v6 =	vbroadcast v37, $0x7;
	[tilespmem:$0x1FF80] =	vst v58;
	v30 =	vadd.f32 v5, v10;
	v56 =	vadd.f32 v56, v8  }
0x4f: {  	[tilespmem:$0x1FF90] =	vst v59;
	v58 =	vbroadcast v41, $0x2;
	v59 =	vld [tilespmem:$0x4500];
	v49 =	vadd.f32 v49, v25;
	v47 =	vadd.f32 v47, v23  }
0x50: {  	v4 =	vld [tilespmem:$0x44C0];
	v10 =	vbroadcast v37, $0x5;
	v39 =	vadd.f32 v39, v18;
	v57 =	vadd.f32 v11, v48  }
0x51: {  	v9 =	vbroadcast v37, $0x6;
	v7 =	vadd.f32 v7, v0;
	v52 =	vadd.f32 v52, v58  }
0x52: {  	v41 =	vbroadcast v41, $0x6;
	v56 =	vadd.f32 v56, v3;
	v54 =	vadd.f32 v54, v10  }
0x53: {  	v5 =	vbroadcast v37, $0x8;
	v43 =	vadd.f32 v43, v60;
	v62 =	vadd.f32 v62, v2  }
0x54: {  	vm0 =	veq.f32 v56, v27;
	v56 =	vld [tilespmem:$0x4420];
	v52 =	vadd.f32 v52, v38;
	v59 =	vadd.f32 v59, v1  }
0x55: {  	v11 =	vimm.s32 $0x20;
	v4 =	vadd.f32 v4, v41;
	v62 =	vadd.f32 v62, v6  }
0x56: {  	vm2 =	veq.f32 v40, v27;
	vm5 =	veq.f32 v54, v27;
	v59 =	vadd.f32 v59, v5  }
0x57: {  	vm7 =	veq.f32 v52, v27;
	v4 =	vadd.f32 v4, v9;
	vm4 =	veq.f32 v62, v27;
	v62 =	vld [tilespmem:$0x4400]  }
0x58: {  	v52 =	vbroadcast v37, $0x1;
	vm1 =	veq.f32 v59, v27;
	v59 =	vsel vm0, $0x19, v11  }
0x59: {  	vm6 =	veq.f32 v4, v27;
	v56 =	vadd.f32 v56, v55;
	v59 =	vsel vm1, $0x18, v59  }
0x5a: {  	vm0 =	veq.f32 v35, v27;
	v54 =	vsel vm4, $0x17, v59;
	v59 =	vbroadcast v37, $0x4  }
0x5b: {  	v56 =	vadd.f32 v56, v52;
	v4 =	vsel vm6, $0x16, v54;
	v54 =	vbroadcast v37, $0x3  }
0x5c: {  	v62 =	vadd.f32 v62, v51;
	v37 =	vbroadcast v37, $0x0;
	v43 =	vadd.f32 v43, v59  }
0x5d: {  	v4 =	vsel vm5, $0x15, v4;
	vm10 =	veq.f32 v56, v27;
	v56 =	vbroadcast v21, $0xD  }
0x5e: {  	v7 =	vadd.f32 v7, v54;
	vm8 =	veq.f32 v43, v27;
	v43 =	vbroadcast v21, $0xF  }
0x5f: {  	vm5 =	veq.f32 v42, v27;
	v62 =	vadd.f32 v62, v37;
	v4 =	vsel vm8, $0x14, v4  }
0x60: {  	v40 =	vld [tilespmem:$0x44B0];
	vm9 =	veq.f32 v7, v27;
	v7 =	vbroadcast v21, $0xE;
	v50 =	vadd.f32 v50, v43  }
0x61: {  	v35 =	vld [tilespmem:$0x4530];
	v46 =	vadd.f32 v46, v56;
	vm12 =	veq.f32 v62, v27;
	v4 =	vsel vm9, $0x13, v4  }
0x62: {  	v42 =	vld [tilespmem:$0x4450];
	v57 =	vadd.f32 v57, v7;
	vm11 =	veq.f32 v50, v27;
	v50 =	vbroadcast v21, $0xC  }
0x63: {  	v62 =	vbroadcast v21, $0xB;
	vm14 =	veq.f32 v46, v27;
	v46 =	vld [tilespmem:$0x43F0];
	v4 =	vsel vm7, $0x12, v4  }
0x64: {  	v4 =	vsel vm10, $0x11, v4;
	vm13 =	veq.f32 v57, v27;
	v57 =	vld [tilespmem:$0x43D0];
	v45 =	vadd.f32 v45, v50  }
0x65: {  	v44 =	vadd.f32 v44, v62;
	vm7 =	veq.f32 v47, v27;
	v47 =	vld [tilespmem:$0x4490];
	v4 =	vsel vm12, $0x10, v4  }
0x66: {  	v40 =	vadd.f32 v40, v61;
	v4 =	vsel vm11, $0xF, v4;
	vm15 =	veq.f32 v45, v27;
	v45 =	vld [tilespmem:$0x4410]  }
0x67: {  	vm6 =	veq.f32 v49, v27;
	vm4 =	veq.f32 v44, v27;
	v44 =	vld [tilespmem:$0x4430];
	v4 =	vsel vm13, $0xE, v4  }
0x68: {  	vm8 =	veq.f32 v39, v27;
	v46 =	vadd.f32 v46, v53;
	v53 =	vld [tilespmem:$0x44F0];
	v4 =	vsel vm14, $0xD, v4  }
0x69: {  	v4 =	vsel vm15, $0xC, v4;
	v48 =	vadd.f32 v57, v48;
	v57 =	vbroadcast v21, $0x5  }
0x6a: {  	v49 =	vld [tilespmem:$0x4470];
	v47 =	vadd.f32 v47, v60;
	v60 =	vadd.f32 v35, v8;
	v4 =	vsel vm4, $0xB, v4  }
0x6b: {  	v4 =	vsel vm5, $0xA, v4;
	v36 =	vadd.f32 v36, v57;
	v39 =	vadd.f32 v45, v51;
	v45 =	vld [tilespmem:$0x4510]  }
0x6c: {  	v43 =	vadd.f32 v46, v43;
	v44 =	vadd.f32 v44, v55;
	v55 =	vld.idx.msk [tilespmem:v63+s23+$0x30 ss:$0x1], $0xffff;
	v4 =	vsel vm6, $0x9, v4  }
0x6d: {  	v2 =	vadd.f32 v53, v2;
	vm9 =	veq.f32 v36, v27;
	v36 =	vadd.f32 v42, v58;
	v58 =	vld [tilespmem:$0x44D0]  }
0x6e: {  	v4 =	vsel vm7, $0x8, v4;
	v51 =	vbroadcast v21, $0x4;
	v21 =	vbroadcast v21, $0x3  }
0x6f: {  	v4 =	vsel vm2, $0x7, v4;
	v42 =	vadd.f32 v49, v0;
	v0 =	vadd.f32 v60, v3  }
0x70: {  	v2 =	vadd.f32 v2, v6;
	v4 =	vsel vm8, $0x6, v4;
	v1 =	vadd.f32 v45, v1  }
0x71: {  	v33 =	vadd.f32 v33, v51;
	v31 =	vadd.f32 v31, v21;
	v4 =	vsel vm9, $0x5, v4  }
0x72: {  	vm12 =	veq.f32 v0, v55;
	v8 =	vadd.f32 v58, v41;
	v1 =	vadd.f32 v1, v5  }
0x73: {  	vm14 =	veq.f32 v2, v55;
	vm10 =	veq.f32 v33, v27;
	vm11 =	veq.f32 v31, v27  }
0x74: {  	v11 =	vsel vm12, $0x19, v11;
	v9 =	vadd.f32 v8, v9;
	vm13 =	veq.f32 v1, v55  }
0x75: {  	v31 =	vadd.f32 v40, v10;
	v61 =	vsel vm10, $0x4, v4;
	v4 =	vsel vm13, $0x18, v11  }
0x76: {  	v33 =	vadd.f32 v47, v59;
	vm15 =	veq.f32 v9, v55;
	v4 =	vsel vm14, $0x17, v4  }
0x77: {  	v35 =	vadd.f32 v42, v54;
	vm4 =	veq.f32 v31, v55;
	v4 =	vsel vm15, $0x16, v4  }
0x78: {  	v40 =	vadd.f32 v36, v38;
	vm5 =	veq.f32 v33, v55;
	v4 =	vsel vm4, $0x15, v4  }
0x79: {  	vm6 =	veq.f32 v35, v55;
	v41 =	vadd.f32 v44, v52;
	v4 =	vsel vm5, $0x14, v4  }
0x7a: {  	v42 =	vadd.f32 v39, v37;
	vm7 =	veq.f32 v40, v55;
	v4 =	vsel vm6, $0x13, v4  }
0x7b: {  	v46 =	vadd.f32 v32, v50;
	vm8 =	veq.f32 v41, v55;
	v4 =	vsel vm7, $0x12, v4  }
0x7c: {  	vm9 =	veq.f32 v42, v55;
	v44 =	vadd.f32 v48, v7;
	v4 =	vsel vm8, $0x11, v4  }
0x7d: {  	v45 =	vadd.f32 v34, v56;
	vm10 =	veq.f32 v43, v55;
	v4 =	vsel vm9, $0x10, v4  }
0x7e: {  	v3 =	vsel vm11, $0x3, v61;
	vm11 =	veq.f32 v44, v55;
	v4 =	vsel vm10, $0xF, v4  }
0x7f: {  	v47 =	vadd.f32 v30, v62;
	vm12 =	veq.f32 v45, v55;
	v4 =	vsel vm11, $0xE, v4  }
0x80: {  	v48 =	vadd.f32 v28, v29;
	vm13 =	veq.f32 v46, v55;
	v4 =	vsel vm12, $0xD, v4  }
0x81: {  	v49 =	vadd.f32 v26, v25;
	vm14 =	veq.f32 v47, v55;
	v4 =	vsel vm13, $0xC, v4  }
0x82: {  	v50 =	vadd.f32 v24, v23;
	vm15 =	veq.f32 v48, v55;
	v4 =	vsel vm14, $0xB, v4  }
0x83: {  	v52 =	vadd.f32 v22, v19;
	vm4 =	veq.f32 v49, v55;
	v4 =	vsel vm15, $0xA, v4  }
0x84: {  	v53 =	vadd.f32 v20, v18;
	vm5 =	veq.f32 v50, v55;
	v4 =	vsel vm4, $0x9, v4  }
0x85: {  	v54 =	vadd.f32 v17, v57;
	vm6 =	veq.f32 v52, v55;
	v4 =	vsel vm5, $0x8, v4  }
0x86: {  	v56 =	vadd.f32 v16, v51;
	v61 =	vld [tilespmem:$0x1FF80];
	vm7 =	veq.f32 v53, v55;
	v4 =	vsel vm6, $0x7, v4  }
0x87: {  	v57 =	vadd.f32 v15, v21;
	v62 =	vld [tilespmem:$0x1FF90];
	vm8 =	veq.f32 v54, v55;
	v4 =	vsel vm7, $0x6, v4  }
0x88: {  	v58 =	vsel vm0, $0x2, v3;
	vm9 =	veq.f32 v56, v55;
	v59 =	vsel vm8, $0x5, v4  }
0x89: {  	p1 =	sne.s32 s22, $0x480;
	vm10 =	veq.f32 v13, v27;
	vm11 =	veq.f32 v57, v55;
	v0 =	vsel vm9, $0x4, v59  }
.Ltmp3:
0x8a: {  	v60 =	vsel vm10, $0x1, v58;
	vm12 =	veq.f32 v14, v55;
	v0 =	vsel vm11, $0x3, v0;
	(pc) =	sbr.rel @p1 .LBB2_10-.Ltmp3, $4  }
0x8b: {  	vm13 =	veq.f32 v61, v27;
	vm14 =	veq.f32 v12, v55;
	v0 =	vsel vm12, $0x2, v0  }
0x8c: {  	v1 =	vsel vm13, $0x0, v60;
	vm15 =	veq.f32 v62, v55;
	v0 =	vsel vm14, $0x1, v0  }
0x8d: {  	[tilespmem:s23+$0x8800] =	vst v1;
	v0 =	vsel vm15, $0x0, v0  }
0x8e: {  	s22 =	sadd.s32 $0x80, s22;
	[tilespmem:s23+$0x8810] =	vst v0  }
0x8f: {  	s21 =	sshll.u32 s21, $0x7;
	s20 =	sadd.s32 $0x1, s20  }
0x90: {  	s21 =	sshra.s32 s21, $0x2;
	p1 =	sne.s32 s20, $0x8  }
.Ltmp4:
0x91: {  	s21 =	sadd.s32 s21, s7;
	(pc) =	sbr.rel @p1 .LBB2_9-.Ltmp4, $4  }
0x92: {  	[spmem:s21] =	stream.linear.scatter [tilespmem:s15], [sflag:$0x1], $0x140, $0x38;
	[tilespmem:$0x12280] =	vst v63  }
0x93: {  	_ =	swait.ge [sflag:s13], $0x140  }
0x94: {  	[sflag:s13] =	ssyncset.done $0x0  }
0x95: {  	s19 =	sadd.s32 $0x800, s19;
	[sflag:s13] =	ssyncadd.s32 $0xFFFFFEC0  }
.Ltmp5:
0x96: {  	(pc) =	sbr.rel .LBB2_13-.Ltmp5, $2  }
0x97: {  	_ =	sdelay $0x1  }
0x98: {  	[bflag:$0x0] =	sbarrier.arrive $0xFFFF;
	_ =	sdelay $0x1  }
.LBB2_2:
0x99: {  	v20 =	vimm.f32 $0.0e+00  }
0x9a: {  	s19 =	simm.s32 $0x0;
	[tilespmem:$0x4600] =	vst v20  }
0x9b: {  	s20 =	simm.s32 $0x1FF;
	s21 =	simm.s32 $0x10;
	s22 =	simm.s32 $0x4630;
	v22 =	vimm.f32 $0.0e+00;
	[tilespmem:$0x4610] =	vst v20  }
.LBB2_3:
0x9c: {  	v21 =	vld [tilespmem:$0x42F0]  }
0x9d: {  	v23 =	vld [tilespmem:$0x42C0]  }
0x9e: {  	v24 =	vld [tilespmem:$0x4270]  }
0x9f: {  	v27 =	vld [tilespmem:s21+$0xFFFFFFF0]  }
0xa0: {  	v25 =	vld [tilespmem:$0x4210]  }
0xa1: {  	v17 =	vbroadcast v22, $0xD;
	v18 =	vbroadcast v22, $0xE;
	v28 =	vld [tilespmem:$0x4200]  }
0xa2: {  	v11 =	vbroadcast v20, $0x7;
	v10 =	vbroadcast v20, $0x8;
	v34 =	vld [tilespmem:$0x4220]  }
0xa3: {  	v12 =	vbroadcast v20, $0x6;
	v9 =	vbroadcast v20, $0x9;
	v39 =	vld [tilespmem:$0x4290]  }
0xa4: {  	v13 =	vbroadcast v20, $0x0;
	v14 =	vbroadcast v20, $0x5;
	v42 =	vld [tilespmem:$0x42B0]  }
0xa5: {  	v15 =	vbroadcast v20, $0x1;
	v16 =	vbroadcast v20, $0x2;
	v44 =	vld [tilespmem:$0x4240]  }
0xa6: {  	v30 =	vbroadcast v22, $0x7;
	v19 =	vbroadcast v22, $0xF;
	v61 =	vld [tilespmem:$0x4250]  }
0xa7: {  	v31 =	vbroadcast v22, $0x4;
	v32 =	vbroadcast v22, $0x9;
	v47 =	vld [tilespmem:$0x42A0]  }
0xa8: {  	v29 =	vbroadcast v22, $0x5;
	v49 =	vld [tilespmem:$0x42D0];
	v40 =	vbroadcast v27, $0x0  }
0xa9: {  	v51 =	vld [tilespmem:$0x42E0];
	v41 =	vbroadcast v27, $0x3;
	v43 =	vbroadcast v27, $0x1  }
0xaa: {  	v53 =	vld [tilespmem:$0x4230];
	v45 =	vbroadcast v27, $0x2;
	v46 =	vbroadcast v27, $0x4;
	v28 =	vadd.f32 v28, v40  }
0xab: {  	v0 =	vld [tilespmem:$0x4320];
	v48 =	vbroadcast v27, $0x5;
	v25 =	vadd.f32 v25, v40;
	v34 =	vadd.f32 v34, v43  }
0xac: {  	v6 =	vld [tilespmem:$0x4380];
	v50 =	vbroadcast v27, $0x6;
	v24 =	vadd.f32 v24, v41;
	v39 =	vadd.f32 v39, v46  }
0xad: {  	v59 =	vld [tilespmem:$0x4280];
	v52 =	vbroadcast v27, $0x7;
	v42 =	vadd.f32 v42, v48;
	v44 =	vadd.f32 v44, v45  }
0xae: {  	v37 =	vbroadcast v22, $0x0;
	v23 =	vadd.f32 v23, v50;
	v62 =	vadd.f32 v61, v45  }
0xaf: {  	v4 =	vbroadcast v27, $0x9;
	v21 =	vadd.f32 v21, v52;
	v1 =	vadd.f32 v47, v48  }
0xb0: {  	v56 =	vbroadcast v27, $0xC;
	v51 =	vadd.f32 v51, v52;
	v43 =	vadd.f32 v53, v43  }
0xb1: {  	v38 =	vbroadcast v22, $0x1;
	v3 =	vld [tilespmem:$0x4340];
	v49 =	vadd.f32 v49, v50;
	v40 =	vadd.f32 v0, v4  }
0xb2: {  	v35 =	vbroadcast v22, $0x2;
	v53 =	vadd.f32 v6, v56;
	v46 =	vadd.f32 v59, v46  }
0xb3: {  	v36 =	vbroadcast v22, $0x6;
	v5 =	vld [tilespmem:$0x4300];
	v28 =	vadd.f32 v28, v37;
	v34 =	vadd.f32 v34, v38  }
0xb4: {  	v7 =	vld [tilespmem:$0x4310];
	v50 =	vbroadcast v27, $0xA;
	v44 =	vadd.f32 v44, v35;
	v54 =	vadd.f32 v62, v35  }
0xb5: {  	v33 =	vbroadcast v22, $0x3;
	v61 =	vld [tilespmem:$0x4330];
	v55 =	vadd.f32 v23, v36;
	v25 =	vadd.f32 v25, v37  }
0xb6: {  	v2 =	vbroadcast v27, $0x8;
	v23 =	vld [tilespmem:$0x4360];
	v45 =	vadd.f32 v1, v29;
	v48 =	vadd.f32 v3, v50  }
0xb7: {  	v42 =	vadd.f32 v42, v29;
	v29 =	vadd.f32 v40, v32;
	v62 =	vld [tilespmem:$0x4370];
	v28 =	vmax.f32 v28, $-1.000000020e+30  }
0xb8: {  	v40 =	vadd.f32 v21, v30;
	v51 =	vadd.f32 v51, v30;
	v30 =	vld [tilespmem:$0x4350];
	v28 =	vmax.f32 v28, v34  }
0xb9: {  	v39 =	vadd.f32 v39, v31;
	v49 =	vadd.f32 v49, v36;
	v35 =	vmax.f32 v28, v44;
	v28 =	vld [tilespmem:$0x4260]  }
0xba: {  	v52 =	vbroadcast v27, $0xB;
	v37 =	vadd.f32 v5, v2;
	v44 =	vadd.f32 v24, v33;
	v24 =	vld [tilespmem:$0x4390]  }
0xbb: {  	v21 =	vbroadcast v20, $0x3;
	v20 =	vbroadcast v20, $0x4;
	v36 =	vadd.f32 v7, v2  }
0xbc: {  	v26 =	vld [tilespmem:$0x43C0];
	v2 =	vbroadcast v22, $0xA;
	v57 =	vmax.f32 v25, $-1.000000020e+30;
	v3 =	vadd.f32 v61, v4  }
0xbd: {  	v25 =	vbroadcast v27, $0xD;
	v58 =	vadd.f32 v23, v52;
	v23 =	vld [tilespmem:$0x43F0];
	v6 =	vadd.f32 v30, v50  }
0xbe: {  	v4 =	vbroadcast v22, $0xB;
	v7 =	vadd.f32 v62, v52;
	v41 =	vadd.f32 v28, v41  }
0xbf: {  	v30 =	vadd.f32 v3, v32;
	v60 =	vadd.f32 v24, v56;
	v24 =	vbroadcast v27, $0xE  }
0xc0: {  	v34 =	vadd.f32 v58, v4;
	v28 =	vbroadcast v27, $0xF;
	v1 =	vadd.f32 v41, v33  }
0xc1: {  	v27 =	vbroadcast v22, $0x8;
	v33 =	vadd.f32 v26, v24;
	v26 =	vadd.f32 v43, v38  }
0xc2: {  	v52 =	vbroadcast v22, $0xC;
	v32 =	vadd.f32 v6, v2;
	v23 =	vadd.f32 v23, v28  }
0xc3: {  	s24 =	smin.u32 s20, $0x40;
	v61 =	vld [tilespmem:$0x43A0];
	v0 =	vadd.f32 v37, v27;
	v22 =	vmax.f32 v57, v26;
	v26 =	vadd.f32 v46, v31  }
0xc4: {  	p1 =	sne.s32 s24, $0x1;
	v37 =	vld [tilespmem:$0x43E0];
	v36 =	vadd.f32 v36, v27;
	v5 =	vmax.f32 v35, v1;
	v22 =	vmax.f32 v22, v54  }
.Ltmp6:
0xc5: {  	v41 =	vld [tilespmem:$0x43B0];
	v38 =	vadd.f32 v53, v52;
	v22 =	vmax.f32 v22, v44;
	v27 =	vmax.f32 v5, v26;
	(pc) =	sbr.rel @!p1 .LBB2_5-.Ltmp6, $4  }
0xc6: {  	v35 =	vadd.f32 v48, v2;
	v31 =	vmax.f32 v22, v39;
	v27 =	vmax.f32 v27, v45;
	v39 =	vld [tilespmem:$0x43D0]  }
0xc7: {  	v26 =	vadd.f32 v7, v4;
	v22 =	vld [tilespmem:s21+$0x0];
	v31 =	vmax.f32 v31, v42;
	v27 =	vmax.f32 v27, v55  }
0xc8: {  	s23 =	sshll.u32 s19, $0xB;
	s26 =	smov.u32 s21;
	v42 =	vmax.f32 v31, v49;
	v62 =	vmax.f32 v27, v51;
	v31 =	vadd.f32 v60, v52;
	v27 =	vld [tilespmem:$0x44B0]  }
0xc9: {  	s28 =	smov.u32 s22;
	s25 =	sadd.s32 $0xFFFFFFFF, s24;
	s24 =	smov.u32 s22;
	v43 =	vmax.f32 v42, v40;
	v44 =	vmax.f32 v62, v0;
	v42 =	vadd.f32 v61, v25;
	v40 =	vld [tilespmem:$0x4490]  }
.LBB2_4:
0xca: {  	p1 =	sne.s32 s25, $0x1;
	v29 =	vmax.f32 v44, v29;
	v25 =	vadd.f32 v41, v25;
	v28 =	vadd.f32 v37, v28;
	v37 =	vld [tilespmem:$0x4440];
	s26 =	sadd.s32 $0x20, s26;
	s28 =	sadd.s32 $0x20, s28  }
0xcb: {  	s25 =	sadd.s32 $0xFFFFFFFF, s25;
	v36 =	vmax.f32 v43, v36;
	v29 =	vmax.f32 v29, v35;
	v24 =	vadd.f32 v39, v24;
	v35 =	vld [tilespmem:$0x44A0]  }
0xcc: {  	v33 =	vadd.f32 v33, v18;
	v39 =	vadd.f32 v42, v17;
	v41 =	vld [tilespmem:$0x4470];
	v42 =	vbroadcast v22, $0x4  }
0xcd: {  	v29 =	vmax.f32 v29, v34;
	v34 =	vbroadcast v22, $0x3;
	v18 =	vadd.f32 v24, v18;
	v24 =	vld [tilespmem:$0x4460]  }
0xce: {  	v17 =	vadd.f32 v25, v17;
	v29 =	vmax.f32 v29, v38;
	v25 =	vld [tilespmem:$0x4480];
	v38 =	vadd.f32 v40, v42  }
0xcf: {  	v28 =	vadd.f32 v28, v19;
	v29 =	vmax.f32 v29, v39;
	v40 =	vbroadcast v22, $0x2;
	v39 =	vld [tilespmem:$0x4450]  }
0xd0: {  	v19 =	vadd.f32 v23, v19;
	v29 =	vmax.f32 v29, v33;
	v23 =	vld [tilespmem:$0x4400];
	v33 =	vadd.f32 v38, v20  }
0xd1: {  	v30 =	vmax.f32 v36, v30;
	v28 =	vmax.f32 v29, v28;
	v29 =	vld [tilespmem:$0x4420];
	v36 =	vadd.f32 v41, v34  }
0xd2: {  	v30 =	vmax.f32 v30, v32;
	v32 =	vbroadcast v22, $0x0;
	v38 =	vld [tilespmem:$0x4430];
	v24 =	vadd.f32 v24, v34  }
0xd3: {  	v41 =	vbroadcast v22, $0x5;
	v34 =	vbroadcast v22, $0x1;
	v25 =	vadd.f32 v25, v42  }
0xd4: {  	v26 =	vmax.f32 v30, v26;
	v30 =	vld [tilespmem:$0x4410];
	v39 =	vadd.f32 v39, v40;
	v24 =	vadd.f32 v24, v21  }
0xd5: {  	v26 =	vmax.f32 v26, v31;
	v31 =	vadd.f32 v35, v41;
	v23 =	vadd.f32 v23, v32  }
0xd6: {  	v17 =	vmax.f32 v26, v17;
	v26 =	vadd.f32 v29, v34;
	v29 =	vadd.f32 v37, v40;
	v35 =	vld [tilespmem:$0x4520]  }
0xd7: {  	v17 =	vmax.f32 v17, v18;
	v27 =	vadd.f32 v27, v41;
	v18 =	vadd.f32 v38, v34;
	v34 =	vld [tilespmem:$0x44D0]  }
0xd8: {  	v17 =	vmax.f32 v17, v19;
	v19 =	vadd.f32 v29, v16;
	v16 =	vadd.f32 v39, v16;
	v29 =	vld [tilespmem:$0x44E0]  }
0xd9: {  	v37 =	vbroadcast v22, $0x6;
	v30 =	vadd.f32 v30, v32;
	v18 =	vadd.f32 v18, v15;
	v32 =	vld [tilespmem:$0x44C0]  }
0xda: {  	v21 =	vadd.f32 v36, v21;
	v15 =	vadd.f32 v26, v15;
	v26 =	vbroadcast v22, $0x7;
	v36 =	vld [tilespmem:$0x4500]  }
0xdb: {  	v20 =	vadd.f32 v25, v20;
	v25 =	vbroadcast v22, $0x8;
	v23 =	vadd.f32 v23, v13  }
0xdc: {  	v31 =	vadd.f32 v31, v14;
	v22 =	vbroadcast v22, $0x9;
	v34 =	vadd.f32 v34, v37;
	v38 =	vld [tilespmem:$0x44F0]  }
0xdd: {  	v14 =	vadd.f32 v27, v14;
	v23 =	vmax.f32 v28, v23;
	v27 =	vadd.f32 v29, v26  }
0xde: {  	v15 =	vmax.f32 v23, v15;
	v28 =	vadd.f32 v35, v22;
	v23 =	vadd.f32 v32, v37  }
0xdf: {  	v15 =	vmax.f32 v15, v19;
	v19 =	vadd.f32 v34, v12;
	v29 =	vld [tilespmem:$0x4510];
	v32 =	vadd.f32 v36, v25  }
0xe0: {  	v15 =	vmax.f32 v15, v24;
	v24 =	vadd.f32 v28, v9;
	v12 =	vadd.f32 v23, v12;
	v23 =	vld [tilespmem:$0x4530]  }
0xe1: {  	v13 =	vadd.f32 v30, v13;
	v15 =	vmax.f32 v15, v20;
	v20 =	vadd.f32 v38, v26  }
0xe2: {  	v15 =	vmax.f32 v15, v31;
	v26 =	vadd.f32 v27, v11;
	v27 =	vadd.f32 v32, v10  }
0xe3: {  	v13 =	vmax.f32 v17, v13;
	v12 =	vmax.f32 v15, v12;
	v11 =	vadd.f32 v20, v11  }
0xe4: {  	v13 =	vmax.f32 v13, v18;
	v12 =	vmax.f32 v12, v26;
	v15 =	vadd.f32 v29, v25  }
0xe5: {  	v13 =	vmax.f32 v13, v16;
	v12 =	vmax.f32 v12, v27;
	v16 =	vadd.f32 v23, v22  }
0xe6: {  	v13 =	vmax.f32 v13, v21;
	v22 =	vmax.f32 v12, v24;
	v10 =	vadd.f32 v15, v10  }
0xe7: {  	v12 =	vmax.f32 v13, v33;
	v17 =	vbroadcast v22, $0xD;
	v18 =	vbroadcast v22, $0xE;
	[tilespmem:s24+$0xFFFFFFF0] =	vst v22  }
0xe8: {  	v12 =	vmax.f32 v12, v14;
	v9 =	vadd.f32 v16, v9  }
0xe9: {  	v12 =	vmax.f32 v12, v19  }
0xea: {  	v11 =	vmax.f32 v12, v11  }
0xeb: {  	v10 =	vmax.f32 v11, v10  }
0xec: {  	v20 =	vmax.f32 v10, v9  }
0xed: {  	[tilespmem:s24+$0x0] =	vst v20;
	s24 =	smov.u32 s28;
	_ =	sdelay $0x1  }
0xee: {  	v11 =	vbroadcast v20, $0x7;
	v10 =	vbroadcast v20, $0x8;
	v26 =	vld [tilespmem:$0x43C0]  }
0xef: {  	v12 =	vbroadcast v20, $0x6;
	v9 =	vbroadcast v20, $0x9;
	v21 =	vld [tilespmem:$0x42F0]  }
0xf0: {  	v13 =	vbroadcast v20, $0x0;
	v14 =	vbroadcast v20, $0x5;
	v23 =	vld [tilespmem:$0x42C0]  }
0xf1: {  	v15 =	vbroadcast v20, $0x1;
	v16 =	vbroadcast v20, $0x2;
	v24 =	vld [tilespmem:$0x4270]  }
0xf2: {  	v31 =	vbroadcast v22, $0x7;
	v19 =	vbroadcast v22, $0xF;
	v28 =	vld [tilespmem:s26+$0xFFFFFFF0]  }
0xf3: {  	v30 =	vbroadcast v22, $0x4;
	v27 =	vbroadcast v22, $0x9;
	v25 =	vld [tilespmem:$0x4210]  }
0xf4: {  	v32 =	vbroadcast v22, $0x3;
	v33 =	vbroadcast v22, $0x5;
	v29 =	vld [tilespmem:$0x4200]  }
0xf5: {  	v35 =	vbroadcast v22, $0x2;
	v36 =	vbroadcast v22, $0x6;
	v34 =	vld [tilespmem:$0x4220]  }
0xf6: {  	v37 =	vbroadcast v22, $0x0;
	v38 =	vbroadcast v22, $0x1;
	v39 =	vld [tilespmem:$0x4290]  }
0xf7: {  	v40 =	vbroadcast v28, $0x0;
	v41 =	vbroadcast v28, $0x3;
	v42 =	vld [tilespmem:$0x42B0]  }
0xf8: {  	v43 =	vbroadcast v28, $0x1;
	v45 =	vbroadcast v28, $0x2;
	v44 =	vld [tilespmem:$0x4240]  }
0xf9: {  	v46 =	vbroadcast v28, $0x4;
	v29 =	vadd.f32 v29, v40;
	v25 =	vadd.f32 v25, v40;
	v40 =	vld [tilespmem:$0x4250]  }
0xfa: {  	v48 =	vbroadcast v28, $0x5;
	v24 =	vadd.f32 v24, v41;
	v34 =	vadd.f32 v34, v43;
	v47 =	vld [tilespmem:$0x42A0]  }
0xfb: {  	v50 =	vbroadcast v28, $0x6;
	v29 =	vadd.f32 v29, v37;
	v39 =	vadd.f32 v39, v46;
	v49 =	vld [tilespmem:$0x42D0]  }
0xfc: {  	v52 =	vbroadcast v28, $0x7;
	v34 =	vadd.f32 v34, v38;
	v42 =	vadd.f32 v42, v48;
	v51 =	vld [tilespmem:$0x42E0]  }
0xfd: {  	v23 =	vadd.f32 v23, v50;
	v29 =	vmax.f32 v29, $-1.000000020e+30;
	v53 =	vld [tilespmem:$0x4230];
	v44 =	vadd.f32 v44, v45  }
0xfe: {  	v21 =	vadd.f32 v21, v52;
	v29 =	vmax.f32 v29, v34;
	v34 =	vadd.f32 v40, v45;
	v40 =	vld [tilespmem:$0x4320]  }
0xff: {  	v44 =	vadd.f32 v44, v35;
	v45 =	vadd.f32 v47, v48;
	v47 =	vbroadcast v28, $0x8;
	v48 =	vld [tilespmem:$0x4340]  }
0x100: {  	v55 =	vadd.f32 v23, v36;
	v54 =	vadd.f32 v34, v35;
	v34 =	vbroadcast v28, $0x9;
	v23 =	vld [tilespmem:$0x4360]  }
0x101: {  	v35 =	vmax.f32 v29, v44;
	v44 =	vadd.f32 v24, v32;
	v51 =	vadd.f32 v51, v52;
	v24 =	vld [tilespmem:$0x4390]  }
0x102: {  	v49 =	vadd.f32 v49, v50;
	v50 =	vbroadcast v28, $0xA;
	v43 =	vadd.f32 v53, v43;
	v29 =	vld [tilespmem:$0x4260]  }
0x103: {  	v25 =	vadd.f32 v25, v37;
	v52 =	vbroadcast v28, $0xB;
	v37 =	vld [tilespmem:$0x4300];
	v40 =	vadd.f32 v40, v34  }
0x104: {  	v56 =	vbroadcast v28, $0xC;
	v45 =	vadd.f32 v45, v33;
	v48 =	vadd.f32 v48, v50;
	v53 =	vld [tilespmem:$0x4380]  }
0x105: {  	v57 =	vmax.f32 v25, $-1.000000020e+30;
	v39 =	vadd.f32 v39, v30;
	v58 =	vadd.f32 v23, v52;
	v23 =	vld [tilespmem:$0x43F0]  }
0x106: {  	v25 =	vbroadcast v28, $0xD;
	v42 =	vadd.f32 v42, v33;
	v59 =	vld [tilespmem:$0x4280];
	v60 =	vadd.f32 v24, v56  }
0x107: {  	v49 =	vadd.f32 v49, v36;
	v24 =	vbroadcast v28, $0xE;
	v33 =	vadd.f32 v29, v41;
	v36 =	vld [tilespmem:$0x4310]  }
0x108: {  	v28 =	vbroadcast v28, $0xF;
	v29 =	vadd.f32 v40, v27;
	v37 =	vadd.f32 v37, v47;
	v41 =	vld [tilespmem:$0x4330]  }
0x109: {  	v61 =	vbroadcast v22, $0x8;
	v40 =	vadd.f32 v21, v31;
	v62 =	vld [tilespmem:$0x4370];
	v53 =	vadd.f32 v53, v56  }
0x10a: {  	v31 =	vadd.f32 v51, v31;
	v21 =	vbroadcast v20, $0x3;
	v51 =	vld [tilespmem:$0x4350];
	v23 =	vadd.f32 v23, v28  }
0x10b: {  	v20 =	vbroadcast v20, $0x4;
	v56 =	vadd.f32 v37, v61;
	v46 =	vadd.f32 v59, v46  }
0x10c: {  	v32 =	vadd.f32 v33, v32;
	v36 =	vadd.f32 v36, v47;
	v47 =	vbroadcast v22, $0xA  }
0x10d: {  	v33 =	vadd.f32 v26, v24;
	v59 =	vbroadcast v22, $0xB;
	v41 =	vadd.f32 v41, v34  }
0x10e: {  	v26 =	vadd.f32 v43, v38;
	v32 =	vmax.f32 v35, v32;
	v35 =	vadd.f32 v48, v47  }
0x10f: {  	v43 =	vadd.f32 v62, v52;
	v48 =	vbroadcast v22, $0xC;
	v38 =	vadd.f32 v51, v50  }
0x110: {  	v34 =	vadd.f32 v58, v59;
	v22 =	vmax.f32 v57, v26;
	v26 =	vadd.f32 v46, v30;
	v37 =	vld [tilespmem:$0x43E0]  }
0x111: {  	v36 =	vadd.f32 v36, v61;
	v22 =	vmax.f32 v22, v54;
	v30 =	vadd.f32 v41, v27;
	v46 =	vld [tilespmem:$0x43A0]  }
.Ltmp7:
0x112: {  	v22 =	vmax.f32 v22, v44;
	v27 =	vmax.f32 v32, v26;
	v26 =	vadd.f32 v43, v59;
	v41 =	vld [tilespmem:$0x43B0];
	(pc) =	sbr.rel @p1 .LBB2_4-.Ltmp7, $4  }
0x113: {  	v43 =	vmax.f32 v22, v39;
	v27 =	vmax.f32 v27, v45;
	v32 =	vadd.f32 v38, v47;
	v39 =	vld [tilespmem:$0x43D0]  }
0x114: {  	v38 =	vadd.f32 v53, v48;
	v42 =	vmax.f32 v43, v42;
	v27 =	vmax.f32 v27, v55;
	v22 =	vld [tilespmem:s26+$0x0]  }
0x115: {  	v42 =	vmax.f32 v42, v49;
	v44 =	vmax.f32 v27, v31;
	v31 =	vadd.f32 v60, v48;
	v27 =	vld [tilespmem:$0x44B0]  }
0x116: {  	v43 =	vmax.f32 v42, v40;
	v44 =	vmax.f32 v44, v56;
	v42 =	vadd.f32 v46, v25;
	v40 =	vld [tilespmem:$0x4490]  }
.LBB2_5:
0x117: {  	v7 =	vld [tilespmem:$0x4440]  }
0x118: {  	v8 =	vld [tilespmem:$0x44A0]  }
0x119: {  	v29 =	vmax.f32 v44, v29;
	v25 =	vadd.f32 v41, v25;
	v46 =	vld [tilespmem:$0x4470]  }
0x11a: {  	v28 =	vadd.f32 v37, v28;
	v36 =	vmax.f32 v43, v36;
	v33 =	vadd.f32 v33, v18;
	v48 =	vld [tilespmem:$0x4460]  }
0x11b: {  	v50 =	vld [tilespmem:$0x4480];
	v29 =	vmax.f32 v29, v35;
	v24 =	vadd.f32 v39, v24;
	v45 =	vadd.f32 v42, v17  }
0x11c: {  	v53 =	vld [tilespmem:$0x4450];
	v56 =	vmax.f32 v36, v30;
	v47 =	vbroadcast v22, $0x4;
	v29 =	vmax.f32 v29, v34  }
0x11d: {  	v55 =	vld [tilespmem:$0x4400];
	v49 =	vbroadcast v22, $0x3;
	v51 =	vadd.f32 v25, v17;
	v28 =	vadd.f32 v28, v19  }
0x11e: {  	v57 =	vld [tilespmem:$0x4420];
	v54 =	vbroadcast v22, $0x2;
	v19 =	vadd.f32 v23, v19;
	v60 =	vbroadcast v22, $0x0  }
0x11f: {  	v59 =	vld [tilespmem:$0x4430];
	v25 =	vmax.f32 v56, v32;
	v61 =	vbroadcast v22, $0x1;
	v62 =	vbroadcast v22, $0x5  }
0x120: {  	v6 =	vld [tilespmem:$0x44D0];
	v44 =	vbroadcast v22, $0x6;
	v18 =	vadd.f32 v24, v18;
	v52 =	vadd.f32 v40, v47  }
0x121: {  	v29 =	vmax.f32 v29, v38;
	v58 =	vadd.f32 v46, v49;
	v24 =	vadd.f32 v48, v49  }
0x122: {  	v42 =	vld [tilespmem:$0x44C0];
	v25 =	vmax.f32 v25, v26;
	v38 =	vadd.f32 v50, v47;
	v35 =	vadd.f32 v53, v54  }
0x123: {  	v29 =	vmax.f32 v29, v45;
	v1 =	vadd.f32 v55, v60;
	v2 =	vadd.f32 v8, v62  }
0x124: {  	v0 =	vld [tilespmem:$0x4410];
	v25 =	vmax.f32 v25, v31;
	v3 =	vadd.f32 v7, v54;
	v4 =	vadd.f32 v57, v61  }
0x125: {  	v17 =	vmax.f32 v25, v51;
	v5 =	vadd.f32 v59, v61;
	v32 =	vadd.f32 v6, v44  }
0x126: {  	v23 =	vadd.f32 v52, v20;
	v17 =	vmax.f32 v17, v18;
	v18 =	vadd.f32 v27, v62  }
0x127: {  	v43 =	vld [tilespmem:$0x4520];
	v46 =	vbroadcast v22, $0x7;
	v51 =	vadd.f32 v42, v44;
	v24 =	vadd.f32 v24, v21  }
0x128: {  	v48 =	vbroadcast v22, $0x8;
	v7 =	vadd.f32 v3, v16;
	v40 =	vadd.f32 v35, v16  }
0x129: {  	v17 =	vmax.f32 v17, v19;
	v19 =	vadd.f32 v0, v60;
	v30 =	vadd.f32 v5, v15  }
0x12a: {  	v8 =	vld [tilespmem:$0x44E0];
	v22 =	vbroadcast v22, $0x9;
	v45 =	vadd.f32 v4, v15;
	v21 =	vadd.f32 v58, v21  }
0x12b: {  	v47 =	vld [tilespmem:$0x4500];
	v26 =	vadd.f32 v1, v13;
	v20 =	vadd.f32 v38, v20  }
0x12c: {  	v29 =	vmax.f32 v29, v33;
	v54 =	vld [tilespmem:$0x4510];
	v31 =	vadd.f32 v2, v14;
	v52 =	vadd.f32 v43, v22  }
0x12d: {  	v28 =	vmax.f32 v29, v28;
	v49 =	vadd.f32 v18, v14;
	v55 =	vadd.f32 v51, v12  }
0x12e: {  	v18 =	vld [tilespmem:$0x44F0];
	v26 =	vmax.f32 v28, v26;
	v53 =	vadd.f32 v19, v13;
	v19 =	vadd.f32 v32, v12  }
0x12f: {  	v57 =	vadd.f32 v52, v9;
	v50 =	vadd.f32 v8, v46;
	v15 =	vmax.f32 v26, v45  }
0x130: {  	v56 =	vld [tilespmem:$0x4530];
	v29 =	vadd.f32 v47, v48;
	v15 =	vmax.f32 v15, v7;
	v13 =	vmax.f32 v17, v53  }
0x131: {  	v59 =	vadd.f32 v54, v48;
	v15 =	vmax.f32 v15, v24;
	v13 =	vmax.f32 v13, v30  }
0x132: {  	v58 =	vadd.f32 v50, v11;
	v15 =	vmax.f32 v15, v20;
	v13 =	vmax.f32 v13, v40  }
0x133: {  	v18 =	vadd.f32 v18, v46;
	v15 =	vmax.f32 v15, v31;
	v13 =	vmax.f32 v13, v21  }
0x134: {  	v20 =	vadd.f32 v29, v10;
	v12 =	vmax.f32 v15, v55;
	v13 =	vmax.f32 v13, v23  }
0x135: {  	v60 =	vadd.f32 v18, v11;
	v18 =	vadd.f32 v56, v22;
	v13 =	vmax.f32 v13, v49  }
0x136: {  	v61 =	vadd.f32 v59, v10;
	v12 =	vmax.f32 v12, v58;
	v13 =	vmax.f32 v13, v19  }
0x137: {  	v12 =	vmax.f32 v12, v20;
	v62 =	vadd.f32 v18, v9;
	v11 =	vmax.f32 v13, v60  }
0x138: {  	v22 =	vmax.f32 v12, v57;
	v10 =	vmax.f32 v11, v61  }
0x139: {  	s19 =	sadd.s32 $0x1, s19;
	[tilespmem:s24+$0xFFFFFFF0] =	vst v22;
	v20 =	vmax.f32 v10, v62  }
0x13a: {  	s30 =	sadd.s32 s23, s5;
	s31 =	sadd.s32 $0x4600, s23;
	p1 =	sne.s32 s19, $0x8;
	[tilespmem:s24+$0x0] =	vst v20  }
0x13b: {  	[spmem:s30] =	stream.linear.scatter [tilespmem:s31], [sflag:$0x1], $0x820, $0x38;
	[tilespmem:$0x12280] =	vst v63  }
.Ltmp8:
0x13c: {  	_ =	swait.ge [sflag:s13], $0x820;
	(pc) =	sbr.rel @p1 .LBB2_3-.Ltmp8, $4  }
0x13d: {  	[sflag:s13] =	ssyncset.done $0x0  }
0x13e: {  	[sflag:s13] =	ssyncadd.s32 $0xFFFFF7E0  }
0x13f: {  	[bflag:$0x0] =	sbarrier.arrive $0xFFFF  }
0x140: {  	s20 =	sadd.s32 $0xFFFFFFC0, s20;
	s21 =	sadd.s32 $0x800, s21;
	s22 =	sadd.s32 $0x800, s22  }
0x141: {  	[bflag:$0x0] =	sbarrier.arrive $0xFFFF  }
0x142: {  	[tilespmem:s15], [sflag:$0x1] =	stream.linear.gather [spmem:s7], $0x4000, $0x38;
	[tilespmem:$0x12280] =	vst v63  }
0x143: {  	_ =	swait.ge [sflag:s13], $0x4000  }
0x144: {  	[sflag:s13] =	ssyncset.done $0x0  }
0x145: {  	[sflag:s13] =	ssyncadd.s32 $0xFFFFC000  }
0x146: {  	v9 =	vld [tilespmem:$0x3FE0]  }
0x147: {  	v10 =	vld [tilespmem:$0x3FF0];
	_ =	sdelay $0x1  }
0x148: {  	v0 =	vld [tilespmem:$0x1FFB0];
	_ =	sdelay $0x2  }
0x149: {  	v1 =	vld [tilespmem:$0x1FFC0];
	v9 =	vadd.f32 v9, v22;
	v10 =	vadd.f32 v10, v20;
	_ =	sdelay $0x1  }
0x14a: {  	v11 =	vperm.xlane v9, v0;
	v12 =	vperm.xlane v10, v0  }
0x14b: {  	v2 =	vld [tilespmem:$0x1FFD0]  }
0x14c: {  	v11 =	vmax.f32 v9, v11;
	v12 =	vmax.f32 v10, v12  }
0x14d: {  	v13 =	vperm.xlane v11, v1;
	v14 =	vperm.xlane v12, v1  }
0x14e: {  	v3 =	vld [tilespmem:$0x1FFE0]  }
0x14f: {  	v11 =	vmax.f32 v11, v13;
	v12 =	vmax.f32 v12, v14  }
0x150: {  	v13 =	vperm.xlane v11, v2;
	v14 =	vperm.xlane v12, v2;
	_ =	sdelay $0x1  }
0x151: {  	v11 =	vmax.f32 v11, v13;
	v12 =	vmax.f32 v12, v14  }
0x152: {  	v4 =	vld [tilespmem:$0x1FFF0];
	v13 =	vperm.xlane v11, v3;
	v14 =	vperm.xlane v12, v3;
	_ =	sdelay $0x1  }
0x153: {  	v11 =	vmax.f32 v11, v13;
	v12 =	vmax.f32 v12, v14  }
0x154: {  	v11 =	vmax.f32 v11, v12  }
0x155: {  	vm0 =	veq.f32 v10, v11  }
0x156: {  	vm1 =	veq.f32 v9, v11;
	v9 =	vnsel vm0, $0x20, v4;
	v4 =	vlaneseq.u32  }
0x157: {  	v9 =	vsel vm1, v4, v9  }
0x158: {  	v10 =	vperm.xlane v9, v0;
	_ =	sdelay $0x1  }
0x159: {  	vm0 =	vlt.s32 v9, v10  }
0x15a: {  	v9 =	vsel vm0, v9, v10  }
0x15b: {  	v10 =	vperm.xlane v9, v1;
	_ =	sdelay $0x1  }
0x15c: {  	vm0 =	vlt.s32 v9, v10  }
0x15d: {  	v9 =	vsel vm0, v9, v10  }
0x15e: {  	v10 =	vperm.xlane v9, v2;
	_ =	sdelay $0x1  }
0x15f: {  	vm0 =	vlt.s32 v9, v10  }
0x160: {  	v9 =	vsel vm0, v9, v10  }
0x161: {  	v10 =	vperm.xlane v9, v3;
	_ =	sdelay $0x1  }
0x162: {  	vm0 =	vlt.s32 v9, v10  }
0x163: {  	v10 =	vsel vm0, v9, v10  }
0x164: {  	v0 =	vimm.f32 $0.0e+00;
	v9 =	vor.u32 $0x10, v4;
	vm0 =	veq.s32 v10, v4  }
0x165: {  	v11 =	vsel vm0, $0x3F800000, v0;
	vm0 =	veq.s32 v10, v9  }
0x166: {  	[tilespmem:$0x107E0] =	vst v11;
	v11 =	vsel vm0, $0x3F800000, v0  }
0x167: {  	s19 =	simm.s32 $0x0;
	[tilespmem:$0x107F0] =	vst v11  }
0x168: {  	v11 =	vld [tilespmem:s19+$0xC7E0]  }
0x169: {  	v12 =	vld [tilespmem:s19+$0xC7F0];
	_ =	sdelay $0x1  }
0x16a: {  	v13 =	vadd.s32 $0xFFFFFFF0, v10  }
0x16b: {  	vm1 =	vgt.s32 v13, $0x0;
	vm0 =	vlt.s32 v10, $0xF  }
0x16c: {  	v13 =	vnsel vm1, $0x0, v13;
	v14 =	vnsel vm0, $0xF, v10  }
0x16d: {  	v11 =	vperm.xlane v11, v14;
	v12 =	vperm.xlane v12, v13  }
0x16e: {  	s20 =	simm.s32 $0xFFFFFFE0;
	vm0 =	vlt.s32 v10, $0x10  }
0x16f: {  	v10 =	vsel vm0, v11, v12;
	v11 =	vld [tilespmem:s20+$0xC7E0]  }
0x170: {  	v12 =	vld [tilespmem:s20+$0xC7F0];
	_ =	sdelay $0x1  }
0x171: {  	v13 =	vadd.s32 $0xFFFFFFF0, v10;
	vm3 =	veq.s32 v10, v4;
	vm0 =	veq.s32 v10, v9  }
0x172: {  	s21 =	simm.s32 $0xFFFFFF00;
	vm1 =	vlt.s32 v10, $0xF;
	vm2 =	vgt.s32 v13, $0x0;
	v14 =	vsel vm3, $0x3F800000, v0  }
.LBB2_7:
0x173: {  	s22 =	sshra.s32 s21, $0x2;
	v15 =	vnsel vm1, $0xF, v10;
	v13 =	vnsel vm2, $0x0, v13;
	[tilespmem:s19+$0x107C0] =	vst v14;
	v14 =	vsel vm0, $0x3F800000, v0;
	p1 =	sne.s32 s21, $0xFFFF0100  }
.Ltmp9:
0x174: {  	s21 =	sadd.s32 $0xFFFFFF80, s21;
	v15 =	vperm.xlane v11, v15;
	v11 =	vld [tilespmem:s22+$0xC7E0];
	v13 =	vperm.xlane v12, v13;
	[tilespmem:s19+$0x107D0] =	vst v14;
	(pc) =	sbr.rel @p1 .LBB2_7-.Ltmp9, $4  }
0x175: {  	vm0 =	vlt.s32 v10, $0x10;
	s19 =	smov.u32 s20;
	s20 =	smov.u32 s22;
	v12 =	vld [tilespmem:s22+$0xC7F0]  }
0x176: {  	v10 =	vsel vm0, v15, v13  }
0x177: {  	v13 =	vadd.s32 $0xFFFFFFF0, v10;
	vm3 =	veq.s32 v10, v4;
	vm0 =	veq.s32 v10, v9  }
0x178: {  	vm1 =	vlt.s32 v10, $0xF;
	vm2 =	vgt.s32 v13, $0x0;
	v14 =	vsel vm3, $0x3F800000, v0  }
0x179: {  	v15 =	vnsel vm1, $0xF, v10;
	v13 =	vnsel vm2, $0x0, v13  }
0x17a: {  	v11 =	vperm.xlane v11, v15;
	v12 =	vperm.xlane v12, v13  }
0x17b: {  	vm14 =	vlt.s32 v10, $0x10  }
0x17c: {  	v10 =	vsel vm14, v11, v12  }
0x17d: {  	[tilespmem:s19+$0x107C0] =	vst v14;
	v60 =	vsel vm0, $0x3F800000, v0;
	vm15 =	veq.s32 v10, v4  }
0x17e: {  	[tilespmem:s19+$0x107D0] =	vst v60;
	vm1 =	veq.s32 v10, v9;
	v61 =	vsel vm15, $0x3F800000, v0  }
0x17f: {  	v62 =	vsel vm1, $0x3F800000, v0;
	[tilespmem:s20+$0x107C0] =	vst v61  }
.Ltmp10:
0x180: {  	[tilespmem:s20+$0x107D0] =	vst v62;
	(pc) =	sbr.rel .LBB2_13-.Ltmp10, $4  }
0x181: {  	[hbm4b:s8+s11] =	stream.strided.scatter [tilespmem:s16], [sflag:$0x1], $0x4000, s12, s11, $0x38;
	[tilespmem:$0x12280] =	vst v63  }
0x182: {  	_ =	swait.ge [sflag:s13], $0x4000  }
0x183: {  	[sflag:s13] =	ssyncset.done $0x0  }
0x184: {  	[sflag:s13] =	ssyncadd.s32 $0xFFFFC000  }
.LBB2_14:
0x185: {  	_ =	sfence.sel $0x180000  }
0x186: {  	[bflag:$0x0] =	sbarrier.arrive $0xFFFF  }
0x187: {  	p0 =	sne.s32 s2, $0x0;
	_ =	strace $0x90000047  }
0x188: {  	s0 =	sadd.s32 @!p0 $0x100000, s1;
	[bflag:$0x2] =	sbarrier.arrive $0xFFFF  }
0x189: {  	[sflag:s0] =	ssyncadd.tile.s32 @!p0 $0x1;
	_ =	shalt  }
.Lfunc_end2:
_tile_overlayer_lowered:
.L_overlay_start_2:
0x18a: {  	(tag) =	ssettag $0x2  }
0x18b: {  	s0 =	rddreg [dreg:$0x0];
	s2 =	stileid.u32  }
0x18c: {  	s1 =	rddreg [dreg:$0x1];
	p0 =	sne.s32 s2, $0x0  }
0x18d: {  	s3 =	rddreg [dreg:$0x2];
	[bflag:$0x3] =	sbarrier.arrive $0xFFFF;
	s2 =	simm.s32 @!p0 $0x1C01  }
0x18e: {  	[timem:s3], [sflag:s2] =	dma.local @!p0 [hbm:s0], s1  }
0x18f: {  	s0 =	simm.s32 @!p0 $0x1  }
0x190: {  	_ =	swait.ge @!p0 [sflag:s0], s1  }
0x191: {  	s1 =	ssub.s32 @!p0 $0x0, s1;
	[sflag:s0] =	ssyncset.done @!p0 $0x0  }
0x192: {  	[sflag:s0] =	ssyncadd.s32 @!p0 s1  }
0x193: {  	[bflag:$0x3] =	sbarrier.arrive $0xFFFF  }
0x194: {  	_ =	shalt  }

</sc_bundles>
